<compile_context>
chip_gen: v7x
topology: tpu7x:2x2x1
jax: 0.10.2.dev20260603
libtpu: 0.0.44.dev20260713+nightly
codegen_flags: <defaults>
</compile_context>

<pallas_src>
import functools

import jax
import jax.numpy as jnp
from jax import lax
from jax.experimental import pallas as pl
from jax.experimental.pallas import tpu as pltpu
from jax.experimental.pallas import tpu_sc as plsc


TM = 128
NC = 2
NS = 16
NW = NC * NS
LANES = 16


def _wid():
    return lax.axis_index("s") * NC + lax.axis_index("c")


def _dispatch_body(ridx_hbm, hid_hbm, out_hbm, idx0, idx1, buf, sem,
                   *, tok_w, topk):
    base = _wid() * tok_w
    pltpu.sync_copy(hid_hbm.at[pl.ds(base, tok_w)], buf)
    idxs = (idx0, idx1)
    cps = []
    for s in range(topk):
        pltpu.sync_copy(ridx_hbm.at[s, pl.ds(base, tok_w)], idxs[s % 2])
        cps.append(pltpu.async_copy(buf, out_hbm.at[idxs[s % 2]], sem))
        if s % 2 == 1:
            cps[s - 1].wait()
            cps[s].wait()
    for s in range(2 * (topk // 2), topk):
        cps[s].wait()


def _sc_dispatch(ridx, hidden, p_pad):
    m, k_dim = hidden.shape
    topk = ridx.shape[0]
    tok_w = m // NW
    mesh = plsc.VectorSubcoreMesh(core_axis_name="c", subcore_axis_name="s")
    f = pl.kernel(
        functools.partial(_dispatch_body, tok_w=tok_w, topk=topk),
        out_type=jax.ShapeDtypeStruct((p_pad, k_dim), jnp.float32),
        mesh=mesh,
        scratch_types=[
            pltpu.VMEM((tok_w,), jnp.int32),
            pltpu.VMEM((tok_w,), jnp.int32),
            pltpu.VMEM((tok_w, k_dim), jnp.float32),
            pltpu.SemaphoreType.DMA,
        ],
    )
    return f(ridx, hidden)


def _finalize_body(ridx_hbm, wtt_hbm, y_hbm, out_hbm,
                   idx0, idx1, wt0, wt1, b0, b1, s0, s1,
                   *, tok_w, k_dim, topk):
    base = _wid() * tok_w
    pltpu.sync_copy(ridx_hbm.at[0, pl.ds(base, tok_w)], idx0)
    pltpu.sync_copy(wtt_hbm.at[0, pl.ds(base, tok_w)], wt0)
    cp0 = pltpu.async_copy(y_hbm.at[idx0], b0, s0)
    for s in range(1, topk):
        pltpu.sync_copy(ridx_hbm.at[s, pl.ds(base, tok_w)], idx1)
        pltpu.sync_copy(wtt_hbm.at[s, pl.ds(base, tok_w)], wt1)
        cp1 = pltpu.async_copy(y_hbm.at[idx1], b1, s1)
        if s == 1:
            cp0.wait()
        cp1.wait()
        first = s == 1

        def row_body(i, carry):
            w1b = wt1[i, :]
            if first:
                w0b = wt0[i, :]
            for j in range(k_dim // LANES):
                sl = pl.ds(j * LANES, LANES)
                if first:
                    b0[i, sl] = b0[i, sl] * w0b + b1[i, sl] * w1b
                else:
                    b0[i, sl] = b0[i, sl] + b1[i, sl] * w1b
            return carry

        lax.fori_loop(0, tok_w, row_body, 0)
    pltpu.sync_copy(b0, out_hbm.at[pl.ds(base, tok_w)])


def _sc_finalize(ridx, wtt, y_rows, m):
    topk = ridx.shape[0]
    k_dim = y_rows.shape[1]
    tok_w = m // NW
    mesh = plsc.VectorSubcoreMesh(core_axis_name="c", subcore_axis_name="s")
    f = pl.kernel(
        functools.partial(_finalize_body, tok_w=tok_w, k_dim=k_dim, topk=topk),
        out_type=jax.ShapeDtypeStruct((m, k_dim), jnp.float32),
        mesh=mesh,
        scratch_types=[
            pltpu.VMEM((tok_w,), jnp.int32),
            pltpu.VMEM((tok_w,), jnp.int32),
            pltpu.VMEM((tok_w, LANES), jnp.float32),
            pltpu.VMEM((tok_w, LANES), jnp.float32),
            pltpu.VMEM((tok_w, k_dim), jnp.float32),
            pltpu.VMEM((tok_w, k_dim), jnp.float32),
            pltpu.SemaphoreType.DMA,
            pltpu.SemaphoreType.DMA,
        ],
    )
    return f(ridx, wtt, y_rows)


def _meta_body(er_ref, dest_ref, te_ref, *, e_dim, nch, cb, tm):
    rows = e_dim * nch
    er = er_ref[...]
    e_of_row = lax.broadcasted_iota(jnp.int32, (rows, cb), 0) // nch
    er_t = jnp.concatenate([er] * e_dim, axis=0)
    oh = (er_t == e_of_row).astype(jnp.float32)
    ri = lax.broadcasted_iota(jnp.int32, (cb, cb), 0)
    ci = lax.broadcasted_iota(jnp.int32, (cb, cb), 1)
    tri_in = (ri <= ci).astype(jnp.float32)
    within = jnp.dot(oh, tri_in, preferred_element_type=jnp.float32)
    totals = within[:, cb - 1:cb]
    rr = lax.broadcasted_iota(jnp.int32, (rows, rows), 0)
    cc = lax.broadcasted_iota(jnp.int32, (rows, rows), 1)
    same_e = (rr // nch) == (cc // nch)
    tri_blk = (same_e & ((cc % nch) < (rr % nch))).astype(jnp.float32)
    offs = jnp.dot(tri_blk, totals, preferred_element_type=jnp.float32)
    sum_blk = same_e.astype(jnp.float32)
    counts = jnp.dot(sum_blk, totals, preferred_element_type=jnp.float32)
    pg = jnp.floor((counts + (tm - 1)) / tm) * tm
    ex_blk = (((cc % nch) == 0) &
              ((cc // nch) < (rr // nch))).astype(jnp.float32)
    pstart = jnp.dot(ex_blk, pg, preferred_element_type=jnp.float32)
    dest_full = (within + offs + pstart - 1.0) * oh
    cr = lax.broadcasted_iota(jnp.int32, (nch, rows), 0)
    rc = lax.broadcasted_iota(jnp.int32, (nch, rows), 1)
    collapse = ((rc % nch) == cr).astype(jnp.float32)
    dest = jnp.dot(collapse, dest_full, preferred_element_type=jnp.float32,
                   precision=lax.Precision.HIGHEST)
    dest_ref[...] = dest.astype(jnp.int32)
    pg_cum = pstart + pg
    lanes = (lax.broadcasted_iota(jnp.int32, (rows, cb), 1) * tm
             ).astype(jnp.float32)
    is_rep = (lax.broadcasted_iota(jnp.int32, (rows, cb), 0) % nch) == 0
    ind = jnp.where(is_rep & (lanes >= pg_cum), 1.0, 0.0)
    te = jnp.minimum(jnp.sum(ind, axis=0), float(e_dim - 1))
    te_ref[...] = te[None, :].astype(jnp.int32)


def _routing_meta(e_r, e_dim):
    nch, cb = e_r.shape
    return pl.pallas_call(
        functools.partial(_meta_body, e_dim=e_dim, nch=nch, cb=cb, tm=TM),
        out_shape=(jax.ShapeDtypeStruct((nch, cb), jnp.int32),
                   jax.ShapeDtypeStruct((1, cb), jnp.int32)),
    )(e_r)


def _gemm_tile(te_ref, x_ref, w1_ref, w2_ref, y_ref, *, n_inter):
    x = x_ref[...]
    w1 = w1_ref[0]
    h = jnp.dot(x, w1, preferred_element_type=jnp.float32)
    gate = h[:, :n_inter]
    up = h[:, n_inter:]
    act = (gate * jax.nn.sigmoid(gate)) * up
    y_ref[...] = jnp.dot(act, w2_ref[0],
                         preferred_element_type=jnp.float32)


def _grouped_gemm(x_rows, w1, w2, tile_expert):
    p_pad, k_dim = x_rows.shape
    e_dim, _, n2 = w1.shape
    n_inter = w2.shape[1]
    tiles = p_pad // TM
    grid_spec = pltpu.PrefetchScalarGridSpec(
        num_scalar_prefetch=1,
        grid=(tiles,),
        in_specs=[
            pl.BlockSpec((TM, k_dim), lambda t, te: (t, 0)),
            pl.BlockSpec((1, k_dim, n2), lambda t, te: (te[t], 0, 0)),
            pl.BlockSpec((1, n_inter, k_dim), lambda t, te: (te[t], 0, 0)),
        ],
        out_specs=pl.BlockSpec((TM, k_dim), lambda t, te: (t, 0)),
    )
    return pl.pallas_call(
        functools.partial(_gemm_tile, n_inter=n_inter),
        grid_spec=grid_spec,
        out_shape=jax.ShapeDtypeStruct((p_pad, k_dim), jnp.float32),
    )(tile_expert, x_rows, w1, w2)


def kernel(hidden_states, w1, w2, topk_weights, topk_ids):
    m, k_dim = hidden_states.shape
    e_dim = w1.shape[0]
    topk = topk_ids.shape[1]
    p = m * topk
    p_pad = p + e_dim * TM

    tiles = p_pad // TM
    e_r = topk_ids.reshape(p // 128, 128)
    dest2d, te2d = _routing_meta(e_r, e_dim)
    dest = dest2d.reshape(p)
    tile_expert = te2d.reshape(128)[:tiles]

    ridx = dest.reshape(m, topk).T
    x_rows = _sc_dispatch(ridx, hidden_states, p_pad)

    y_rows = _grouped_gemm(x_rows, w1, w2, tile_expert)

    wtt = jnp.broadcast_to(topk_weights.T[:, :, None], (topk, m, LANES))
    out = _sc_finalize(ridx, wtt, y_rows, m)
    return out

# --- scband reference (transcript-rebuilt; emitter-appended) ---
"""Pipeline reference for scband-fused-mo-emodular-kernel-46909632807489 (READ-ONLY COPY).

The authoritative reference and input builder live on the scoring server;
editing this copy changes nothing except your own understanding.
"""

import jax, jax.numpy as jnp
import numpy as np

E, M, K, N, TOPK = 8, 2048, 768, 1536, 2


def setup_inputs(seed: int = 0) -> dict:
    key = jax.random.key(seed)
    k0, k1, k2, k3, k4 = jax.random.split(key, 5)
    hidden_states = jax.random.normal(k0, (M, K), dtype=jnp.float32)
    w1 = jax.random.normal(k1, (E, K, 2 * N), dtype=jnp.float32) * 0.02
    w2 = jax.random.normal(k2, (E, N, K), dtype=jnp.float32) * 0.02
    topk_weights = jax.random.uniform(k3, (M, TOPK), dtype=jnp.float32)
    topk_ids = jax.random.randint(k4, (M, TOPK), 0, E, dtype=jnp.int32)
    return {
        'hidden_states': hidden_states,
        'w1': w1,
        'w2': w2,
        'topk_weights': topk_weights,
        'topk_ids': topk_ids,
    }


def reference(hidden_states, w1, w2, topk_weights, topk_ids):
    # FusedMoEModularKernel.forward: prepare (no-op routing metadata),
    # fused_experts.apply (silu-gated MoE MLP), finalize (weighted combine).
    # moe_problem_size: E, K, _ = w1.shape ; N = w2.shape[1] ; M = hidden_states.shape[0]
    num_experts = w1.shape[0]
    n_inter = w2.shape[1]
    out = jnp.zeros_like(hidden_states)
    for e in range(num_experts):
        # combine-weight for expert e per token (0 if token not routed to e)
        mask = (topk_ids == e).astype(hidden_states.dtype)  # [M, topk]
        weight = jnp.sum(mask * topk_weights, axis=1)  # [M]
        h = hidden_states @ w1[e]  # [M, 2N]
        gate = h[:, :n_inter]
        up = h[:, n_inter:]
        act = jax.nn.silu(gate) * up  # activation='silu' (silu_and_mul)
        y = act @ w2[e]  # [M, K]
        out = out + weight[:, None] * y
    return out

if __name__ == "__main__":
    import jax
    _d = setup_inputs()
    print(jax.jit(kernel)(*tuple(_d.values())))

</pallas_src>

<mosaic_0001>
#map = affine_map<(d0, d1) -> (0, 0)>
#map1 = affine_map<(d0, d1) -> (0, 0, 0)>
module attributes {stable_mosaic.version = 14 : i64} {
  func.func @_finalize_body(%arg0: i32, %arg1: i32, %arg2: memref<2x2048xi32, #tpu.memory_space<hbm>>, %arg3: memref<2x2048x16xf32, #tpu.memory_space<hbm>>, %arg4: memref<5120x768xf32, #tpu.memory_space<hbm>>, %arg5: memref<2048x768xf32, #tpu.memory_space<hbm>>, %arg6: memref<64xi32, #tpu.memory_space<vmem>>, %arg7: memref<64xi32, #tpu.memory_space<vmem>>, %arg8: memref<64x16xf32, #tpu.memory_space<vmem>>, %arg9: memref<64x16xf32, #tpu.memory_space<vmem>>, %arg10: memref<64x768xf32, #tpu.memory_space<vmem>>, %arg11: memref<64x768xf32, #tpu.memory_space<vmem>>, %arg12: memref<!tpu.dma_semaphore, #tpu.memory_space<semaphore_mem>>, %arg13: memref<!tpu.dma_semaphore, #tpu.memory_space<semaphore_mem>>) attributes {dimension_semantics = [#tpu.dimension_semantics<core_parallel>, #tpu.dimension_semantics<subcore_parallel>], iteration_bounds = array<i64: 2, 16>, scalar_prefetch = 0 : i64, scratch_operands = 8 : i64, tpu.core_type = #tpu.core_type<sc_vector_subcore>, window_params = [{transform_indices = #map}, {transform_indices = #map1}, {transform_indices = #map}, {transform_indices = #map}]} {
    %mul3A = arith.constant 2 : i32
    %mul3A_0 = arith.muli %arg1, %mul3A : i32
    %add3A = arith.addi %mul3A_0, %arg0 : i32
    %mul3A_1 = arith.constant 64 : i32
    %mul3A_2 = arith.muli %add3A, %mul3A_1 : i32
    %run_scoped3A = arith.constant 0 : i32
    "tpu.region"() ({
      %run_scoped3A_21 = tpu.sem_alloc : memref<!tpu.dma_semaphore, #tpu.memory_space<semaphore_mem>>
      %dma_start3A_22 = tpu.memref_slice %arg2[%run_scoped3A, %mul3A_2] : memref<2x2048xi32, #tpu.memory_space<hbm>> -> memref<1x64xi32, #tpu.memory_space<hbm>>
      %dma_start3A_23 = tpu.memref_squeeze %dma_start3A_22 : memref<1x64xi32, #tpu.memory_space<hbm>> -> memref<64xi32, #tpu.memory_space<hbm>>
      %dma_start3A_24 = tpu.memref_slice %arg2[%run_scoped3A, %mul3A_2] : memref<2x2048xi32, #tpu.memory_space<hbm>> -> memref<1x64xi32, #tpu.memory_space<hbm>>
      %dma_start3A_25 = tpu.memref_squeeze %dma_start3A_24 : memref<1x64xi32, #tpu.memory_space<hbm>> -> memref<64xi32, #tpu.memory_space<hbm>>
      tpu.enqueue_dma source(%dma_start3A_25 : memref<64xi32, #tpu.memory_space<hbm>>) target(%arg6 : memref<64xi32, #tpu.memory_space<vmem>>) target_semaphore(%run_scoped3A_21 : memref<!tpu.dma_semaphore, #tpu.memory_space<semaphore_mem>>)
      %dma_wait3A_26 = tpu.memref_slice %arg2[%run_scoped3A, %mul3A_2] : memref<2x2048xi32, #tpu.memory_space<hbm>> -> memref<1x64xi32, #tpu.memory_space<hbm>>
      %dma_wait3A_27 = tpu.memref_squeeze %dma_wait3A_26 : memref<1x64xi32, #tpu.memory_space<hbm>> -> memref<64xi32, #tpu.memory_space<hbm>>
      %dma_wait3A_28 = tpu.memref_slice %arg2[%run_scoped3A, %mul3A_2] : memref<2x2048xi32, #tpu.memory_space<hbm>> -> memref<1x64xi32, #tpu.memory_space<hbm>>
      %dma_wait3A_29 = tpu.memref_squeeze %dma_wait3A_28 : memref<1x64xi32, #tpu.memory_space<hbm>> -> memref<64xi32, #tpu.memory_space<hbm>>
      tpu.wait_dma2 semaphore(%run_scoped3A_21 : memref<!tpu.dma_semaphore, #tpu.memory_space<semaphore_mem>>) src(%dma_wait3A_29 : memref<64xi32, #tpu.memory_space<hbm>>) dst(%arg6 : memref<64xi32, #tpu.memory_space<vmem>>)
      tpu.yield
    }) : () -> ()
    %run_scoped3A_3 = arith.constant 0 : i32
    "tpu.region"() ({
      %run_scoped3A_21 = tpu.sem_alloc : memref<!tpu.dma_semaphore, #tpu.memory_space<semaphore_mem>>
      %dma_start3A_22 = arith.constant 0 : i32
      %dma_start3A_23 = tpu.memref_slice %arg3[%run_scoped3A_3, %mul3A_2, %dma_start3A_22] : memref<2x2048x16xf32, #tpu.memory_space<hbm>> -> memref<1x64x16xf32, #tpu.memory_space<hbm>>
      %dma_start3A_24 = tpu.memref_squeeze %dma_start3A_23 : memref<1x64x16xf32, #tpu.memory_space<hbm>> -> memref<64x16xf32, #tpu.memory_space<hbm>>
      %dma_start3A_25 = arith.constant 0 : i32
      %dma_start3A_26 = tpu.memref_slice %arg3[%run_scoped3A_3, %mul3A_2, %dma_start3A_25] : memref<2x2048x16xf32, #tpu.memory_space<hbm>> -> memref<1x64x16xf32, #tpu.memory_space<hbm>>
      %dma_start3A_27 = tpu.memref_squeeze %dma_start3A_26 : memref<1x64x16xf32, #tpu.memory_space<hbm>> -> memref<64x16xf32, #tpu.memory_space<hbm>>
      tpu.enqueue_dma source(%dma_start3A_27 : memref<64x16xf32, #tpu.memory_space<hbm>>) target(%arg8 : memref<64x16xf32, #tpu.memory_space<vmem>>) target_semaphore(%run_scoped3A_21 : memref<!tpu.dma_semaphore, #tpu.memory_space<semaphore_mem>>)
      %dma_wait3A_28 = arith.constant 0 : i32
      %dma_wait3A_29 = tpu.memref_slice %arg3[%run_scoped3A_3, %mul3A_2, %dma_wait3A_28] : memref<2x2048x16xf32, #tpu.memory_space<hbm>> -> memref<1x64x16xf32, #tpu.memory_space<hbm>>
      %dma_wait3A_30 = tpu.memref_squeeze %dma_wait3A_29 : memref<1x64x16xf32, #tpu.memory_space<hbm>> -> memref<64x16xf32, #tpu.memory_space<hbm>>
      %dma_wait3A_31 = arith.constant 0 : i32
      %dma_wait3A_32 = tpu.memref_slice %arg3[%run_scoped3A_3, %mul3A_2, %dma_wait3A_31] : memref<2x2048x16xf32, #tpu.memory_space<hbm>> -> memref<1x64x16xf32, #tpu.memory_space<hbm>>
      %dma_wait3A_33 = tpu.memref_squeeze %dma_wait3A_32 : memref<1x64x16xf32, #tpu.memory_space<hbm>> -> memref<64x16xf32, #tpu.memory_space<hbm>>
      tpu.wait_dma2 semaphore(%run_scoped3A_21 : memref<!tpu.dma_semaphore, #tpu.memory_space<semaphore_mem>>) src(%dma_wait3A_33 : memref<64x16xf32, #tpu.memory_space<hbm>>) dst(%arg8 : memref<64x16xf32, #tpu.memory_space<vmem>>)
      tpu.yield
    }) : () -> ()
    %dma_start3A = arith.constant 0 : i32
    %dma_start3A_4 = arith.constant 0 : i32
    %dma_start3A_5 = tpu.memref_slice %arg4[%dma_start3A, %dma_start3A_4] : memref<5120x768xf32, #tpu.memory_space<hbm>> -> memref<5120x768xf32, #tpu.memory_space<hbm>>
    tpu.enqueue_indirect_dma source(%dma_start3A_5 : memref<5120x768xf32, #tpu.memory_space<hbm>>) target(%arg10 : memref<64x768xf32, #tpu.memory_space<vmem>>) offsets(%arg6 : memref<64xi32, #tpu.memory_space<vmem>>) semaphore(%arg12 : memref<!tpu.dma_semaphore, #tpu.memory_space<semaphore_mem>>)
    %run_scoped3A_6 = arith.constant 1 : i32
    "tpu.region"() ({
      %run_scoped3A_21 = tpu.sem_alloc : memref<!tpu.dma_semaphore, #tpu.memory_space<semaphore_mem>>
      %dma_start3A_22 = tpu.memref_slice %arg2[%run_scoped3A_6, %mul3A_2] : memref<2x2048xi32, #tpu.memory_space<hbm>> -> memref<1x64xi32, #tpu.memory_space<hbm>>
      %dma_start3A_23 = tpu.memref_squeeze %dma_start3A_22 : memref<1x64xi32, #tpu.memory_space<hbm>> -> memref<64xi32, #tpu.memory_space<hbm>>
      %dma_start3A_24 = tpu.memref_slice %arg2[%run_scoped3A_6, %mul3A_2] : memref<2x2048xi32, #tpu.memory_space<hbm>> -> memref<1x64xi32, #tpu.memory_space<hbm>>
      %dma_start3A_25 = tpu.memref_squeeze %dma_start3A_24 : memref<1x64xi32, #tpu.memory_space<hbm>> -> memref<64xi32, #tpu.memory_space<hbm>>
      tpu.enqueue_dma source(%dma_start3A_25 : memref<64xi32, #tpu.memory_space<hbm>>) target(%arg7 : memref<64xi32, #tpu.memory_space<vmem>>) target_semaphore(%run_scoped3A_21 : memref<!tpu.dma_semaphore, #tpu.memory_space<semaphore_mem>>)
      %dma_wait3A_26 = tpu.memref_slice %arg2[%run_scoped3A_6, %mul3A_2] : memref<2x2048xi32, #tpu.memory_space<hbm>> -> memref<1x64xi32, #tpu.memory_space<hbm>>
      %dma_wait3A_27 = tpu.memref_squeeze %dma_wait3A_26 : memref<1x64xi32, #tpu.memory_space<hbm>> -> memref<64xi32, #tpu.memory_space<hbm>>
      %dma_wait3A_28 = tpu.memref_slice %arg2[%run_scoped3A_6, %mul3A_2] : memref<2x2048xi32, #tpu.memory_space<hbm>> -> memref<1x64xi32, #tpu.memory_space<hbm>>
      %dma_wait3A_29 = tpu.memref_squeeze %dma_wait3A_28 : memref<1x64xi32, #tpu.memory_space<hbm>> -> memref<64xi32, #tpu.memory_space<hbm>>
      tpu.wait_dma2 semaphore(%run_scoped3A_21 : memref<!tpu.dma_semaphore, #tpu.memory_space<semaphore_mem>>) src(%dma_wait3A_29 : memref<64xi32, #tpu.memory_space<hbm>>) dst(%arg7 : memref<64xi32, #tpu.memory_space<vmem>>)
      tpu.yield
    }) : () -> ()
    %run_scoped3A_7 = arith.constant 1 : i32
    "tpu.region"() ({
      %run_scoped3A_21 = tpu.sem_alloc : memref<!tpu.dma_semaphore, #tpu.memory_space<semaphore_mem>>
      %dma_start3A_22 = arith.constant 0 : i32
      %dma_start3A_23 = tpu.memref_slice %arg3[%run_scoped3A_7, %mul3A_2, %dma_start3A_22] : memref<2x2048x16xf32, #tpu.memory_space<hbm>> -> memref<1x64x16xf32, #tpu.memory_space<hbm>>
      %dma_start3A_24 = tpu.memref_squeeze %dma_start3A_23 : memref<1x64x16xf32, #tpu.memory_space<hbm>> -> memref<64x16xf32, #tpu.memory_space<hbm>>
      %dma_start3A_25 = arith.constant 0 : i32
      %dma_start3A_26 = tpu.memref_slice %arg3[%run_scoped3A_7, %mul3A_2, %dma_start3A_25] : memref<2x2048x16xf32, #tpu.memory_space<hbm>> -> memref<1x64x16xf32, #tpu.memory_space<hbm>>
      %dma_start3A_27 = tpu.memref_squeeze %dma_start3A_26 : memref<1x64x16xf32, #tpu.memory_space<hbm>> -> memref<64x16xf32, #tpu.memory_space<hbm>>
      tpu.enqueue_dma source(%dma_start3A_27 : memref<64x16xf32, #tpu.memory_space<hbm>>) target(%arg9 : memref<64x16xf32, #tpu.memory_space<vmem>>) target_semaphore(%run_scoped3A_21 : memref<!tpu.dma_semaphore, #tpu.memory_space<semaphore_mem>>)
      %dma_wait3A_28 = arith.constant 0 : i32
      %dma_wait3A_29 = tpu.memref_slice %arg3[%run_scoped3A_7, %mul3A_2, %dma_wait3A_28] : memref<2x2048x16xf32, #tpu.memory_space<hbm>> -> memref<1x64x16xf32, #tpu.memory_space<hbm>>
      %dma_wait3A_30 = tpu.memref_squeeze %dma_wait3A_29 : memref<1x64x16xf32, #tpu.memory_space<hbm>> -> memref<64x16xf32, #tpu.memory_space<hbm>>
      %dma_wait3A_31 = arith.constant 0 : i32
      %dma_wait3A_32 = tpu.memref_slice %arg3[%run_scoped3A_7, %mul3A_2, %dma_wait3A_31] : memref<2x2048x16xf32, #tpu.memory_space<hbm>> -> memref<1x64x16xf32, #tpu.memory_space<hbm>>
      %dma_wait3A_33 = tpu.memref_squeeze %dma_wait3A_32 : memref<1x64x16xf32, #tpu.memory_space<hbm>> -> memref<64x16xf32, #tpu.memory_space<hbm>>
      tpu.wait_dma2 semaphore(%run_scoped3A_21 : memref<!tpu.dma_semaphore, #tpu.memory_space<semaphore_mem>>) src(%dma_wait3A_33 : memref<64x16xf32, #tpu.memory_space<hbm>>) dst(%arg9 : memref<64x16xf32, #tpu.memory_space<vmem>>)
      tpu.yield
    }) : () -> ()
    %dma_start3A_8 = arith.constant 0 : i32
    %dma_start3A_9 = arith.constant 0 : i32
    %dma_start3A_10 = tpu.memref_slice %arg4[%dma_start3A_8, %dma_start3A_9] : memref<5120x768xf32, #tpu.memory_space<hbm>> -> memref<5120x768xf32, #tpu.memory_space<hbm>>
    tpu.enqueue_indirect_dma source(%dma_start3A_10 : memref<5120x768xf32, #tpu.memory_space<hbm>>) target(%arg11 : memref<64x768xf32, #tpu.memory_space<vmem>>) offsets(%arg7 : memref<64xi32, #tpu.memory_space<vmem>>) semaphore(%arg13 : memref<!tpu.dma_semaphore, #tpu.memory_space<semaphore_mem>>)
    %dma_wait3A = arith.constant 0 : i32
    %dma_wait3A_11 = arith.constant 0 : i32
    %dma_wait3A_12 = tpu.memref_slice %arg4[%dma_wait3A, %dma_wait3A_11] : memref<5120x768xf32, #tpu.memory_space<hbm>> -> memref<5120x768xf32, #tpu.memory_space<hbm>>
    tpu.wait_indirect_dma semaphore(%arg12 : memref<!tpu.dma_semaphore, #tpu.memory_space<semaphore_mem>>) src(%dma_wait3A_12 : memref<5120x768xf32, #tpu.memory_space<hbm>>) dst(%arg10 : memref<64x768xf32, #tpu.memory_space<vmem>>)
    %dma_wait3A_13 = arith.constant 0 : i32
    %dma_wait3A_14 = arith.constant 0 : i32
    %dma_wait3A_15 = tpu.memref_slice %arg4[%dma_wait3A_13, %dma_wait3A_14] : memref<5120x768xf32, #tpu.memory_space<hbm>> -> memref<5120x768xf32, #tpu.memory_space<hbm>>
    tpu.wait_indirect_dma semaphore(%arg13 : memref<!tpu.dma_semaphore, #tpu.memory_space<semaphore_mem>>) src(%dma_wait3A_15 : memref<5120x768xf32, #tpu.memory_space<hbm>>) dst(%arg11 : memref<64x768xf32, #tpu.memory_space<vmem>>)
    %scan3A = arith.constant 0 : i32
    %scan3A_16 = arith.constant 0 : i32
    %scan3A_17 = arith.constant 64 : i32
    %scan3A_18 = arith.addi %scan3A_16, %scan3A_17 : i32
    %scan3A_19 = arith.constant 1 : i32
    scf.for %scan3A_21 = %scan3A_16 to %scan3A_18 step %scan3A_19  : i32 {
      %get3A = arith.index_cast %scan3A_21 : i32 to index
      %get3A_22 = arith.constant 0 : index
      %get3A_23 = tpu.vector_load %arg9[%get3A, %get3A_22] {strides = array<i32>} : memref<64x16xf32, #tpu.memory_space<vmem>>, vector<1x16xf32>,
      %get3A_24 = vector.shape_cast %get3A_23 : vector<1x16xf32> to vector<16xf32>
      %get3A_25 = arith.index_cast %scan3A_21 : i32 to index
      %get3A_26 = arith.constant 0 : index
      %get3A_27 = tpu.vector_load %arg8[%get3A_25, %get3A_26] {strides = array<i32>} : memref<64x16xf32, #tpu.memory_space<vmem>>, vector<1x16xf32>,
      %get3A_28 = vector.shape_cast %get3A_27 : vector<1x16xf32> to vector<16xf32>
      %get3A_29 = arith.index_cast %scan3A_21 : i32 to index
      %get3A_30 = arith.constant 0 : index
      %get3A_31 = tpu.vector_load %arg10[%get3A_29, %get3A_30] {strides = array<i32>} : memref<64x768xf32, #tpu.memory_space<vmem>>, vector<1x16xf32>,
      %get3A_32 = vector.shape_cast %get3A_31 : vector<1x16xf32> to vector<16xf32>
      %mul3A_33 = arith.mulf %get3A_32, %get3A_28 : vector<16xf32>
      %get3A_34 = arith.index_cast %scan3A_21 : i32 to index
      %get3A_35 = arith.constant 0 : index
      %get3A_36 = tpu.vector_load %arg11[%get3A_34, %get3A_35] {strides = array<i32>} : memref<64x768xf32, #tpu.memory_space<vmem>>, vector<1x16xf32>,
      %get3A_37 = vector.shape_cast %get3A_36 : vector<1x16xf32> to vector<16xf32>
      %mul3A_38 = arith.mulf %get3A_37, %get3A_24 : vector<16xf32>
      %add3A_39 = arith.addf %mul3A_33, %mul3A_38 : vector<16xf32>
      %swap3A = arith.index_cast %scan3A_21 : i32 to index
      %swap3A_40 = arith.constant 0 : index
      %swap3A_41 = tpu.vector_load %arg10[%swap3A, %swap3A_40] {strides = array<i32>} : memref<64x768xf32, #tpu.memory_space<vmem>>, vector<1x16xf32>,
      %swap3A_42 = vector.shape_cast %swap3A_41 : vector<1x16xf32> to vector<16xf32>
      %swap3A_43 = vector.shape_cast %add3A_39 : vector<16xf32> to vector<1x16xf32>
      tpu.vector_store %arg10[%swap3A, %swap3A_40], %swap3A_43 {strides = array<i32>} : memref<64x768xf32, #tpu.memory_space<vmem>>, vector<1x16xf32>,
      %get3A_44 = arith.index_cast %scan3A_21 : i32 to index
      %get3A_45 = arith.constant 16 : index
      %get3A_46 = tpu.vector_load %arg10[%get3A_44, %get3A_45] {strides = array<i32>} : memref<64x768xf32, #tpu.memory_space<vmem>>, vector<1x16xf32>,
      %get3A_47 = vector.shape_cast %get3A_46 : vector<1x16xf32> to vector<16xf32>
      %mul3A_48 = arith.mulf %get3A_47, %get3A_28 : vector<16xf32>
      %get3A_49 = arith.index_cast %scan3A_21 : i32 to index
      %get3A_50 = arith.constant 16 : index
      %get3A_51 = tpu.vector_load %arg11[%get3A_49, %get3A_50] {strides = array<i32>} : memref<64x768xf32, #tpu.memory_space<vmem>>, vector<1x16xf32>,
      %get3A_52 = vector.shape_cast %get3A_51 : vector<1x16xf32> to vector<16xf32>
      %mul3A_53 = arith.mulf %get3A_52, %get3A_24 : vector<16xf32>
      %add3A_54 = arith.addf %mul3A_48, %mul3A_53 : vector<16xf32>
      %swap3A_55 = arith.index_cast %scan3A_21 : i32 to index
      %swap3A_56 = arith.constant 16 : index
      %swap3A_57 = tpu.vector_load %arg10[%swap3A_55, %swap3A_56] {strides = array<i32>} : memref<64x768xf32, #tpu.memory_space<vmem>>, vector<1x16xf32>,
      %swap3A_58 = vector.shape_cast %swap3A_57 : vector<1x16xf32> to vector<16xf32>
      %swap3A_59 = vector.shape_cast %add3A_54 : vector<16xf32> to vector<1x16xf32>
      tpu.vector_store %arg10[%swap3A_55, %swap3A_56], %swap3A_59 {strides = array<i32>} : memref<64x768xf32, #tpu.memory_space<vmem>>, vector<1x16xf32>,
      %get3A_60 = arith.index_cast %scan3A_21 : i32 to index
      %get3A_61 = arith.constant 32 : index
      %get3A_62 = tpu.vector_load %arg10[%get3A_60, %get3A_61] {strides = array<i32>} : memref<64x768xf32, #tpu.memory_space<vmem>>, vector<1x16xf32>,
      %get3A_63 = vector.shape_cast %get3A_62 : vector<1x16xf32> to vector<16xf32>
      %mul3A_64 = arith.mulf %get3A_63, %get3A_28 : vector<16xf32>
      %get3A_65 = arith.index_cast %scan3A_21 : i32 to index
      %get3A_66 = arith.constant 32 : index
      %get3A_67 = tpu.vector_load %arg11[%get3A_65, %get3A_66] {strides = array<i32>} : memref<64x768xf32, #tpu.memory_space<vmem>>, vector<1x16xf32>,
      %get3A_68 = vector.shape_cast %get3A_67 : vector<1x16xf32> to vector<16xf32>
      %mul3A_69 = arith.mulf %get3A_68, %get3A_24 : vector<16xf32>
      %add3A_70 = arith.addf %mul3A_64, %mul3A_69 : vector<16xf32>
      %swap3A_71 = arith.index_cast %scan3A_21 : i32 to index
      %swap3A_72 = arith.constant 32 : index
      %swap3A_73 = tpu.vector_load %arg10[%swap3A_71, %swap3A_72] {strides = array<i32>} : memref<64x768xf32, #tpu.memory_space<vmem>>, vector<1x16xf32>,
      %swap3A_74 = vector.shape_cast %swap3A_73 : vector<1x16xf32> to vector<16xf32>
      %swap3A_75 = vector.shape_cast %add3A_70 : vector<16xf32> to vector<1x16xf32>
      tpu.vector_store %arg10[%swap3A_71, %swap3A_72], %swap3A_75 {strides = array<i32>} : memref<64x768xf32, #tpu.memory_space<vmem>>, vector<1x16xf32>,
      %get3A_76 = arith.index_cast %scan3A_21 : i32 to index
      %get3A_77 = arith.constant 48 : index
      %get3A_78 = tpu.vector_load %arg10[%get3A_76, %get3A_77] {strides = array<i32>} : memref<64x768xf32, #tpu.memory_space<vmem>>, vector<1x16xf32>,
      %get3A_79 = vector.shape_cast %get3A_78 : vector<1x16xf32> to vector<16xf32>
      %mul3A_80 = arith.mulf %get3A_79, %get3A_28 : vector<16xf32>
      %get3A_81 = arith.index_cast %scan3A_21 : i32 to index
      %get3A_82 = arith.constant 48 : index
      %get3A_83 = tpu.vector_load %arg11[%get3A_81, %get3A_82] {strides = array<i32>} : memref<64x768xf32, #tpu.memory_space<vmem>>, vector<1x16xf32>,
      %get3A_84 = vector.shape_cast %get3A_83 : vector<1x16xf32> to vector<16xf32>
      %mul3A_85 = arith.mulf %get3A_84, %get3A_24 : vector<16xf32>
      %add3A_86 = arith.addf %mul3A_80, %mul3A_85 : vector<16xf32>
      %swap3A_87 = arith.index_cast %scan3A_21 : i32 to index
      %swap3A_88 = arith.constant 48 : index
      %swap3A_89 = tpu.vector_load %arg10[%swap3A_87, %swap3A_88] {strides = array<i32>} : memref<64x768xf32, #tpu.memory_space<vmem>>, vector<1x16xf32>,
      %swap3A_90 = vector.shape_cast %swap3A_89 : vector<1x16xf32> to vector<16xf32>
      %swap3A_91 = vector.shape_cast %add3A_86 : vector<16xf32> to vector<1x16xf32>
      tpu.vector_store %arg10[%swap3A_87, %swap3A_88], %swap3A_91 {strides = array<i32>} : memref<64x768xf32, #tpu.memory_space<vmem>>, vector<1x16xf32>,
      %get3A_92 = arith.index_cast %scan3A_21 : i32 to index
      %get3A_93 = arith.constant 64 : index
      %get3A_94 = tpu.vector_load %arg10[%get3A_92, %get3A_93] {strides = array<i32>} : memref<64x768xf32, #tpu.memory_space<vmem>>, vector<1x16xf32>,
      %get3A_95 = vector.shape_cast %get3A_94 : vector<1x16xf32> to vector<16xf32>
      %mul3A_96 = arith.mulf %get3A_95, %get3A_28 : vector<16xf32>
      %get3A_97 = arith.index_cast %scan3A_21 : i32 to index
      %get3A_98 = arith.constant 64 : index
      %get3A_99 = tpu.vector_load %arg11[%get3A_97, %get3A_98] {strides = array<i32>} : memref<64x768xf32, #tpu.memory_space<vmem>>, vector<1x16xf32>,
      %get3A_100 = vector.shape_cast %get3A_99 : vector<1x16xf32> to vector<16xf32>
      %mul3A_101 = arith.mulf %get3A_100, %get3A_24 : vector<16xf32>
      %add3A_102 = arith.addf %mul3A_96, %mul3A_101 : vector<16xf32>
      %swap3A_103 = arith.index_cast %scan3A_21 : i32 to index
      %swap3A_104 = arith.constant 64 : index
      %swap3A_105 = tpu.vector_load %arg10[%swap3A_103, %swap3A_104] {strides = array<i32>} : memref<64x768xf32, #tpu.memory_space<vmem>>, vector<1x16xf32>,
      %swap3A_106 = vector.shape_cast %swap3A_105 : vector<1x16xf32> to vector<16xf32>
      %swap3A_107 = vector.shape_cast %add3A_102 : vector<16xf32> to vector<1x16xf32>
      tpu.vector_store %arg10[%swap3A_103, %swap3A_104], %swap3A_107 {strides = array<i32>} : memref<64x768xf32, #tpu.memory_space<vmem>>, vector<1x16xf32>,
      %get3A_108 = arith.index_cast %scan3A_21 : i32 to index
      %get3A_109 = arith.constant 80 : index
      %get3A_110 = tpu.vector_load %arg10[%get3A_108, %get3A_109] {strides = array<i32>} : memref<64x768xf32, #tpu.memory_space<vmem>>, vector<1x16xf32>,
      %get3A_111 = vector.shape_cast %get3A_110 : vector<1x16xf32> to vector<16xf32>
      %mul3A_112 = arith.mulf %get3A_111, %get3A_28 : vector<16xf32>
      %get3A_113 = arith.index_cast %scan3A_21 : i32 to index
      %get3A_114 = arith.constant 80 : index
      %get3A_115 = tpu.vector_load %arg11[%get3A_113, %get3A_114] {strides = array<i32>} : memref<64x768xf32, #tpu.memory_space<vmem>>, vector<1x16xf32>,
      %get3A_116 = vector.shape_cast %get3A_115 : vector<1x16xf32> to vector<16xf32>
      %mul3A_117 = arith.mulf %get3A_116, %get3A_24 : vector<16xf32>
      %add3A_118 = arith.addf %mul3A_112, %mul3A_117 : vector<16xf32>
      %swap3A_119 = arith.index_cast %scan3A_21 : i32 to index
      %swap3A_120 = arith.constant 80 : index
      %swap3A_121 = tpu.vector_load %arg10[%swap3A_119, %swap3A_120] {strides = array<i32>} : memref<64x768xf32, #tpu.memory_space<vmem>>, vector<1x16xf32>,
      %swap3A_122 = vector.shape_cast %swap3A_121 : vector<1x16xf32> to vector<16xf32>
      %swap3A_123 = vector.shape_cast %add3A_118 : vector<16xf32> to vector<1x16xf32>
      tpu.vector_store %arg10[%swap3A_119, %swap3A_120], %swap3A_123 {strides = array<i32>} : memref<64x768xf32, #tpu.memory_space<vmem>>, vector<1x16xf32>,
      %get3A_124 = arith.index_cast %scan3A_21 : i32 to index
      %get3A_125 = arith.constant 96 : index
      %get3A_126 = tpu.vector_load %arg10[%get3A_124, %get3A_125] {strides = array<i32>} : memref<64x768xf32, #tpu.memory_space<vmem>>, vector<1x16xf32>,
      %get3A_127 = vector.shape_cast %get3A_126 : vector<1x16xf32> to vector<16xf32>
      %mul3A_128 = arith.mulf %get3A_127, %get3A_28 : vector<16xf32>
      %get3A_129 = arith.index_cast %scan3A_21 : i32 to index
      %get3A_130 = arith.constant 96 : index
      %get3A_131 = tpu.vector_load %arg11[%get3A_129, %get3A_130] {strides = array<i32>} : memref<64x768xf32, #tpu.memory_space<vmem>>, vector<1x16xf32>,
      %get3A_132 = vector.shape_cast %get3A_131 : vector<1x16xf32> to vector<16xf32>
      %mul3A_133 = arith.mulf %get3A_132, %get3A_24 : vector<16xf32>
      %add3A_134 = arith.addf %mul3A_128, %mul3A_133 : vector<16xf32>
      %swap3A_135 = arith.index_cast %scan3A_21 : i32 to index
      %swap3A_136 = arith.constant 96 : index
      %swap3A_137 = tpu.vector_load %arg10[%swap3A_135, %swap3A_136] {strides = array<i32>} : memref<64x768xf32, #tpu.memory_space<vmem>>, vector<1x16xf32>,
      %swap3A_138 = vector.shape_cast %swap3A_137 : vector<1x16xf32> to vector<16xf32>
      %swap3A_139 = vector.shape_cast %add3A_134 : vector<16xf32> to vector<1x16xf32>
      tpu.vector_store %arg10[%swap3A_135, %swap3A_136], %swap3A_139 {strides = array<i32>} : memref<64x768xf32, #tpu.memory_space<vmem>>, vector<1x16xf32>,
      %get3A_140 = arith.index_cast %scan3A_21 : i32 to index
      %get3A_141 = arith.constant 112 : index
      %get3A_142 = tpu.vector_load %arg10[%get3A_140, %get3A_141] {strides = array<i32>} : memref<64x768xf32, #tpu.memory_space<vmem>>, vector<1x16xf32>,
      %get3A_143 = vector.shape_cast %get3A_142 : vector<1x16xf32> to vector<16xf32>
      %mul3A_144 = arith.mulf %get3A_143, %get3A_28 : vector<16xf32>
      %get3A_145 = arith.index_cast %scan3A_21 : i32 to index
      %get3A_146 = arith.constant 112 : index
      %get3A_147 = tpu.vector_load %arg11[%get3A_145, %get3A_146] {strides = array<i32>} : memref<64x768xf32, #tpu.memory_space<vmem>>, vector<1x16xf32>,
      %get3A_148 = vector.shape_cast %get3A_147 : vector<1x16xf32> to vector<16xf32>
      %mul3A_149 = arith.mulf %get3A_148, %get3A_24 : vector<16xf32>
      %add3A_150 = arith.addf %mul3A_144, %mul3A_149 : vector<16xf32>
      %swap3A_151 = arith.index_cast %scan3A_21 : i32 to index
      %swap3A_152 = arith.constant 112 : index
      %swap3A_153 = tpu.vector_load %arg10[%swap3A_151, %swap3A_152] {strides = array<i32>} : memref<64x768xf32, #tpu.memory_space<vmem>>, vector<1x16xf32>,
      %swap3A_154 = vector.shape_cast %swap3A_153 : vector<1x16xf32> to vector<16xf32>
      %swap3A_155 = vector.shape_cast %add3A_150 : vector<16xf32> to vector<1x16xf32>
      tpu.vector_store %arg10[%swap3A_151, %swap3A_152], %swap3A_155 {strides = array<i32>} : memref<64x768xf32, #tpu.memory_space<vmem>>, vector<1x16xf32>,
      %get3A_156 = arith.index_cast %scan3A_21 : i32 to index
      %get3A_157 = arith.constant 128 : index
      %get3A_158 = tpu.vector_load %arg10[%get3A_156, %get3A_157] {strides = array<i32>} : memref<64x768xf32, #tpu.memory_space<vmem>>, vector<1x16xf32>,
      %get3A_159 = vector.shape_cast %get3A_158 : vector<1x16xf32> to vector<16xf32>
      %mul3A_160 = arith.mulf %get3A_159, %get3A_28 : vector<16xf32>
      %get3A_161 = arith.index_cast %scan3A_21 : i32 to index
      %get3A_162 = arith.constant 128 : index
      %get3A_163 = tpu.vector_load %arg11[%get3A_161, %get3A_162] {strides = array<i32>} : memref<64x768xf32, #tpu.memory_space<vmem>>, vector<1x16xf32>,
      %get3A_164 = vector.shape_cast %get3A_163 : vector<1x16xf32> to vector<16xf32>
      %mul3A_165 = arith.mulf %get3A_164, %get3A_24 : vector<16xf32>
      %add3A_166 = arith.addf %mul3A_160, %mul3A_165 : vector<16xf32>
      %swap3A_167 = arith.index_cast %scan3A_21 : i32 to index
      %swap3A_168 = arith.constant 128 : index
      %swap3A_169 = tpu.vector_load %arg10[%swap3A_167, %swap3A_168] {strides = array<i32>} : memref<64x768xf32, #tpu.memory_space<vmem>>, vector<1x16xf32>,
      %swap3A_170 = vector.shape_cast %swap3A_169 : vector<1x16xf32> to vector<16xf32>
      %swap3A_171 = vector.shape_cast %add3A_166 : vector<16xf32> to vector<1x16xf32>
      tpu.vector_store %arg10[%swap3A_167, %swap3A_168], %swap3A_171 {strides = array<i32>} : memref<64x768xf32, #tpu.memory_space<vmem>>, vector<1x16xf32>,
      %get3A_172 = arith.index_cast %scan3A_21 : i32 to index
      %get3A_173 = arith.constant 144 : index
      %get3A_174 = tpu.vector_load %arg10[%get3A_172, %get3A_173] {strides = array<i32>} : memref<64x768xf32, #tpu.memory_space<vmem>>, vector<1x16xf32>,
      %get3A_175 = vector.shape_cast %get3A_174 : vector<1x16xf32> to vector<16xf32>
      %mul3A_176 = arith.mulf %get3A_175, %get3A_28 : vector<16xf32>
      %get3A_177 = arith.index_cast %scan3A_21 : i32 to index
      %get3A_178 = arith.constant 144 : index
      %get3A_179 = tpu.vector_load %arg11[%get3A_177, %get3A_178] {strides = array<i32>} : memref<64x768xf32, #tpu.memory_space<vmem>>, vector<1x16xf32>,
      %get3A_180 = vector.shape_cast %get3A_179 : vector<1x16xf32> to vector<16xf32>
      %mul3A_181 = arith.mulf %get3A_180, %get3A_24 : vector<16xf32>
      %add3A_182 = arith.addf %mul3A_176, %mul3A_181 : vector<16xf32>
      %swap3A_183 = arith.index_cast %scan3A_21 : i32 to index
      %swap3A_184 = arith.constant 144 : index
      %swap3A_185 = tpu.vector_load %arg10[%swap3A_183, %swap3A_184] {strides = array<i32>} : memref<64x768xf32, #tpu.memory_space<vmem>>, vector<1x16xf32>,
      %swap3A_186 = vector.shape_cast %swap3A_185 : vector<1x16xf32> to vector<16xf32>
      %swap3A_187 = vector.shape_cast %add3A_182 : vector<16xf32> to vector<1x16xf32>
      tpu.vector_store %arg10[%swap3A_183, %swap3A_184], %swap3A_187 {strides = array<i32>} : memref<64x768xf32, #tpu.memory_space<vmem>>, vector<1x16xf32>,
      %get3A_188 = arith.index_cast %scan3A_21 : i32 to index
      %get3A_189 = arith.constant 160 : index
      %get3A_190 = tpu.vector_load %arg10[%get3A_188, %get3A_189] {strides = array<i32>} : memref<64x768xf32, #tpu.memory_space<vmem>>, vector<1x16xf32>,
      %get3A_191 = vector.shape_cast %get3A_190 : vector<1x16xf32> to vector<16xf32>
      %mul3A_192 = arith.mulf %get3A_191, %get3A_28 : vector<16xf32>
      %get3A_193 = arith.index_cast %scan3A_21 : i32 to index
      %get3A_194 = arith.constant 160 : index
      %get3A_195 = tpu.vector_load %arg11[%get3A_193, %get3A_194] {strides = array<i32>} : memref<64x768xf32, #tpu.memory_space<vmem>>, vector<1x16xf32>,
      %get3A_196 = vector.shape_cast %get3A_195 : vector<1x16xf32> to vector<16xf32>
      %mul3A_197 = arith.mulf %get3A_196, %get3A_24 : vector<16xf32>
      %add3A_198 = arith.addf %mul3A_192, %mul3A_197 : vector<16xf32>
      %swap3A_199 = arith.index_cast %scan3A_21 : i32 to index
      %swap3A_200 = arith.constant 160 : index
      %swap3A_201 = tpu.vector_load %arg10[%swap3A_199, %swap3A_200] {strides = array<i32>} : memref<64x768xf32, #tpu.memory_space<vmem>>, vector<1x16xf32>,
      %swap3A_202 = vector.shape_cast %swap3A_201 : vector<1x16xf32> to vector<16xf32>
      %swap3A_203 = vector.shape_cast %add3A_198 : vector<16xf32> to vector<1x16xf32>
      tpu.vector_store %arg10[%swap3A_199, %swap3A_200], %swap3A_203 {strides = array<i32>} : memref<64x768xf32, #tpu.memory_space<vmem>>, vector<1x16xf32>,
      %get3A_204 = arith.index_cast %scan3A_21 : i32 to index
      %get3A_205 = arith.constant 176 : index
      %get3A_206 = tpu.vector_load %arg10[%get3A_204, %get3A_205] {strides = array<i32>} : memref<64x768xf32, #tpu.memory_space<vmem>>, vector<1x16xf32>,
      %get3A_207 = vector.shape_cast %get3A_206 : vector<1x16xf32> to vector<16xf32>
      %mul3A_208 = arith.mulf %get3A_207, %get3A_28 : vector<16xf32>
      %get3A_209 = arith.index_cast %scan3A_21 : i32 to index
      %get3A_210 = arith.constant 176 : index
      %get3A_211 = tpu.vector_load %arg11[%get3A_209, %get3A_210] {strides = array<i32>} : memref<64x768xf32, #tpu.memory_space<vmem>>, vector<1x16xf32>,
      %get3A_212 = vector.shape_cast %get3A_211 : vector<1x16xf32> to vector<16xf32>
      %mul3A_213 = arith.mulf %get3A_212, %get3A_24 : vector<16xf32>
      %add3A_214 = arith.addf %mul3A_208, %mul3A_213 : vector<16xf32>
      %swap3A_215 = arith.index_cast %scan3A_21 : i32 to index
      %swap3A_216 = arith.constant 176 : index
      %swap3A_217 = tpu.vector_load %arg10[%swap3A_215, %swap3A_216] {strides = array<i32>} : memref<64x768xf32, #tpu.memory_space<vmem>>, vector<1x16xf32>,
      %swap3A_218 = vector.shape_cast %swap3A_217 : vector<1x16xf32> to vector<16xf32>
      %swap3A_219 = vector.shape_cast %add3A_214 : vector<16xf32> to vector<1x16xf32>
      tpu.vector_store %arg10[%swap3A_215, %swap3A_216], %swap3A_219 {strides = array<i32>} : memref<64x768xf32, #tpu.memory_space<vmem>>, vector<1x16xf32>,
      %get3A_220 = arith.index_cast %scan3A_21 : i32 to index
      %get3A_221 = arith.constant 192 : index
      %get3A_222 = tpu.vector_load %arg10[%get3A_220, %get3A_221] {strides = array<i32>} : memref<64x768xf32, #tpu.memory_space<vmem>>, vector<1x16xf32>,
      %get3A_223 = vector.shape_cast %get3A_222 : vector<1x16xf32> to vector<16xf32>
      %mul3A_224 = arith.mulf %get3A_223, %get3A_28 : vector<16xf32>
      %get3A_225 = arith.index_cast %scan3A_21 : i32 to index
      %get3A_226 = arith.constant 192 : index
      %get3A_227 = tpu.vector_load %arg11[%get3A_225, %get3A_226] {strides = array<i32>} : memref<64x768xf32, #tpu.memory_space<vmem>>, vector<1x16xf32>,
      %get3A_228 = vector.shape_cast %get3A_227 : vector<1x16xf32> to vector<16xf32>
      %mul3A_229 = arith.mulf %get3A_228, %get3A_24 : vector<16xf32>
      %add3A_230 = arith.addf %mul3A_224, %mul3A_229 : vector<16xf32>
      %swap3A_231 = arith.index_cast %scan3A_21 : i32 to index
      %swap3A_232 = arith.constant 192 : index
      %swap3A_233 = tpu.vector_load %arg10[%swap3A_231, %swap3A_232] {strides = array<i32>} : memref<64x768xf32, #tpu.memory_space<vmem>>, vector<1x16xf32>,
      %swap3A_234 = vector.shape_cast %swap3A_233 : vector<1x16xf32> to vector<16xf32>
      %swap3A_235 = vector.shape_cast %add3A_230 : vector<16xf32> to vector<1x16xf32>
      tpu.vector_store %arg10[%swap3A_231, %swap3A_232], %swap3A_235 {strides = array<i32>} : memref<64x768xf32, #tpu.memory_space<vmem>>, vector<1x16xf32>,
      %get3A_236 = arith.index_cast %scan3A_21 : i32 to index
      %get3A_237 = arith.constant 208 : index
      %get3A_238 = tpu.vector_load %arg10[%get3A_236, %get3A_237] {strides = array<i32>} : memref<64x768xf32, #tpu.memory_space<vmem>>, vector<1x16xf32>,
      %get3A_239 = vector.shape_cast %get3A_238 : vector<1x16xf32> to vector<16xf32>
      %mul3A_240 = arith.mulf %get3A_239, %get3A_28 : vector<16xf32>
      %get3A_241 = arith.index_cast %scan3A_21 : i32 to index
      %get3A_242 = arith.constant 208 : index
      %get3A_243 = tpu.vector_load %arg11[%get3A_241, %get3A_242] {strides = array<i32>} : memref<64x768xf32, #tpu.memory_space<vmem>>, vector<1x16xf32>,
      %get3A_244 = vector.shape_cast %get3A_243 : vector<1x16xf32> to vector<16xf32>
      %mul3A_245 = arith.mulf %get3A_244, %get3A_24 : vector<16xf32>
      %add3A_246 = arith.addf %mul3A_240, %mul3A_245 : vector<16xf32>
      %swap3A_247 = arith.index_cast %scan3A_21 : i32 to index
      %swap3A_248 = arith.constant 208 : index
      %swap3A_249 = tpu.vector_load %arg10[%swap3A_247, %swap3A_248] {strides = array<i32>} : memref<64x768xf32, #tpu.memory_space<vmem>>, vector<1x16xf32>,
      %swap3A_250 = vector.shape_cast %swap3A_249 : vector<1x16xf32> to vector<16xf32>
      %swap3A_251 = vector.shape_cast %add3A_246 : vector<16xf32> to vector<1x16xf32>
      tpu.vector_store %arg10[%swap3A_247, %swap3A_248], %swap3A_251 {strides = array<i32>} : memref<64x768xf32, #tpu.memory_space<vmem>>, vector<1x16xf32>,
      %get3A_252 = arith.index_cast %scan3A_21 : i32 to index
      %get3A_253 = arith.constant 224 : index
      %get3A_254 = tpu.vector_load %arg10[%get3A_252, %get3A_253] {strides = array<i32>} : memref<64x768xf32, #tpu.memory_space<vmem>>, vector<1x16xf32>,
      %get3A_255 = vector.shape_cast %get3A_254 : vector<1x16xf32> to vector<16xf32>
      %mul3A_256 = arith.mulf %get3A_255, %get3A_28 : vector<16xf32>
      %get3A_257 = arith.index_cast %scan3A_21 : i32 to index
      %get3A_258 = arith.constant 224 : index
      %get3A_259 = tpu.vector_load %arg11[%get3A_257, %get3A_258] {strides = array<i32>} : memref<64x768xf32, #tpu.memory_space<vmem>>, vector<1x16xf32>,
      %get3A_260 = vector.shape_cast %get3A_259 : vector<1x16xf32> to vector<16xf32>
      %mul3A_261 = arith.mulf %get3A_260, %get3A_24 : vector<16xf32>
      %add3A_262 = arith.addf %mul3A_256, %mul3A_261 : vector<16xf32>
      %swap3A_263 = arith.index_cast %scan3A_21 : i32 to index
      %swap3A_264 = arith.constant 224 : index
      %swap3A_265 = tpu.vector_load %arg10[%swap3A_263, %swap3A_264] {strides = array<i32>} : memref<64x768xf32, #tpu.memory_space<vmem>>, vector<1x16xf32>,
      %swap3A_266 = vector.shape_cast %swap3A_265 : vector<1x16xf32> to vector<16xf32>
      %swap3A_267 = vector.shape_cast %add3A_262 : vector<16xf32> to vector<1x16xf32>
      tpu.vector_store %arg10[%swap3A_263, %swap3A_264], %swap3A_267 {strides = array<i32>} : memref<64x768xf32, #tpu.memory_space<vmem>>, vector<1x16xf32>,
      %get3A_268 = arith.index_cast %scan3A_21 : i32 to index
      %get3A_269 = arith.constant 240 : index
      %get3A_270 = tpu.vector_load %arg10[%get3A_268, %get3A_269] {strides = array<i32>} : memref<64x768xf32, #tpu.memory_space<vmem>>, vector<1x16xf32>,
      %get3A_271 = vector.shape_cast %get3A_270 : vector<1x16xf32> to vector<16xf32>
      %mul3A_272 = arith.mulf %get3A_271, %get3A_28 : vector<16xf32>
      %get3A_273 = arith.index_cast %scan3A_21 : i32 to index
      %get3A_274 = arith.constant 240 : index
      %get3A_275 = tpu.vector_load %arg11[%get3A_273, %get3A_274] {strides = array<i32>} : memref<64x768xf32, #tpu.memory_space<vmem>>, vector<1x16xf32>,
      %get3A_276 = vector.shape_cast %get3A_275 : vector<1x16xf32> to vector<16xf32>
      %mul3A_277 = arith.mulf %get3A_276, %get3A_24 : vector<16xf32>
      %add3A_278 = arith.addf %mul3A_272, %mul3A_277 : vector<16xf32>
      %swap3A_279 = arith.index_cast %scan3A_21 : i32 to index
      %swap3A_280 = arith.constant 240 : index
      %swap3A_281 = tpu.vector_load %arg10[%swap3A_279, %swap3A_280] {strides = array<i32>} : memref<64x768xf32, #tpu.memory_space<vmem>>, vector<1x16xf32>,
      %swap3A_282 = vector.shape_cast %swap3A_281 : vector<1x16xf32> to vector<16xf32>
      %swap3A_283 = vector.shape_cast %add3A_278 : vector<16xf32> to vector<1x16xf32>
      tpu.vector_store %arg10[%swap3A_279, %swap3A_280], %swap3A_283 {strides = array<i32>} : memref<64x768xf32, #tpu.memory_space<vmem>>, vector<1x16xf32>,
      %get3A_284 = arith.index_cast %scan3A_21 : i32 to index
      %get3A_285 = arith.constant 256 : index
      %get3A_286 = tpu.vector_load %arg10[%get3A_284, %get3A_285] {strides = array<i32>} : memref<64x768xf32, #tpu.memory_space<vmem>>, vector<1x16xf32>,
      %get3A_287 = vector.shape_cast %get3A_286 : vector<1x16xf32> to vector<16xf32>
      %mul3A_288 = arith.mulf %get3A_287, %get3A_28 : vector<16xf32>
      %get3A_289 = arith.index_cast %scan3A_21 : i32 to index
      %get3A_290 = arith.constant 256 : index
      %get3A_291 = tpu.vector_load %arg11[%get3A_289, %get3A_290] {strides = array<i32>} : memref<64x768xf32, #tpu.memory_space<vmem>>, vector<1x16xf32>,
      %get3A_292 = vector.shape_cast %get3A_291 : vector<1x16xf32> to vector<16xf32>
      %mul3A_293 = arith.mulf %get3A_292, %get3A_24 : vector<16xf32>
      %add3A_294 = arith.addf %mul3A_288, %mul3A_293 : vector<16xf32>
      %swap3A_295 = arith.index_cast %scan3A_21 : i32 to index
      %swap3A_296 = arith.constant 256 : index
      %swap3A_297 = tpu.vector_load %arg10[%swap3A_295, %swap3A_296] {strides = array<i32>} : memref<64x768xf32, #tpu.memory_space<vmem>>, vector<1x16xf32>,
      %swap3A_298 = vector.shape_cast %swap3A_297 : vector<1x16xf32> to vector<16xf32>
      %swap3A_299 = vector.shape_cast %add3A_294 : vector<16xf32> to vector<1x16xf32>
      tpu.vector_store %arg10[%swap3A_295, %swap3A_296], %swap3A_299 {strides = array<i32>} : memref<64x768xf32, #tpu.memory_space<vmem>>, vector<1x16xf32>,
      %get3A_300 = arith.index_cast %scan3A_21 : i32 to index
      %get3A_301 = arith.constant 272 : index
      %get3A_302 = tpu.vector_load %arg10[%get3A_300, %get3A_301] {strides = array<i32>} : memref<64x768xf32, #tpu.memory_space<vmem>>, vector<1x16xf32>,
      %get3A_303 = vector.shape_cast %get3A_302 : vector<1x16xf32> to vector<16xf32>
      %mul3A_304 = arith.mulf %get3A_303, %get3A_28 : vector<16xf32>
      %get3A_305 = arith.index_cast %scan3A_21 : i32 to index
      %get3A_306 = arith.constant 272 : index
      %get3A_307 = tpu.vector_load %arg11[%get3A_305, %get3A_306] {strides = array<i32>} : memref<64x768xf32, #tpu.memory_space<vmem>>, vector<1x16xf32>,
      %get3A_308 = vector.shape_cast %get3A_307 : vector<1x16xf32> to vector<16xf32>
      %mul3A_309 = arith.mulf %get3A_308, %get3A_24 : vector<16xf32>
      %add3A_310 = arith.addf %mul3A_304, %mul3A_309 : vector<16xf32>
      %swap3A_311 = arith.index_cast %scan3A_21 : i32 to index
      %swap3A_312 = arith.constant 272 : index
      %swap3A_313 = tpu.vector_load %arg10[%swap3A_311, %swap3A_312] {strides = array<i32>} : memref<64x768xf32, #tpu.memory_space<vmem>>, vector<1x16xf32>,
      %swap3A_314 = vector.shape_cast %swap3A_313 : vector<1x16xf32> to vector<16xf32>
      %swap3A_315 = vector.shape_cast %add3A_310 : vector<16xf32> to vector<1x16xf32>
      tpu.vector_store %arg10[%swap3A_311, %swap3A_312], %swap3A_315 {strides = array<i32>} : memref<64x768xf32, #tpu.memory_space<vmem>>, vector<1x16xf32>,
      %get3A_316 = arith.index_cast %scan3A_21 : i32 to index
      %get3A_317 = arith.constant 288 : index
      %get3A_318 = tpu.vector_load %arg10[%get3A_316, %get3A_317] {strides = array<i32>} : memref<64x768xf32, #tpu.memory_space<vmem>>, vector<1x16xf32>,
      %get3A_319 = vector.shape_cast %get3A_318 : vector<1x16xf32> to vector<16xf32>
      %mul3A_320 = arith.mulf %get3A_319, %get3A_28 : vector<16xf32>
      %get3A_321 = arith.index_cast %scan3A_21 : i32 to index
      %get3A_322 = arith.constant 288 : index
      %get3A_323 = tpu.vector_load %arg11[%get3A_321, %get3A_322] {strides = array<i32>} : memref<64x768xf32, #tpu.memory_space<vmem>>, vector<1x16xf32>,
      %get3A_324 = vector.shape_cast %get3A_323 : vector<1x16xf32> to vector<16xf32>
      %mul3A_325 = arith.mulf %get3A_324, %get3A_24 : vector<16xf32>
      %add3A_326 = arith.addf %mul3A_320, %mul3A_325 : vector<16xf32>
      %swap3A_327 = arith.index_cast %scan3A_21 : i32 to index
      %swap3A_328 = arith.constant 288 : index
      %swap3A_329 = tpu.vector_load %arg10[%swap3A_327, %swap3A_328] {strides = array<i32>} : memref<64x768xf32, #tpu.memory_space<vmem>>, vector<1x16xf32>,
      %swap3A_330 = vector.shape_cast %swap3A_329 : vector<1x16xf32> to vector<16xf32>
      %swap3A_331 = vector.shape_cast %add3A_326 : vector<16xf32> to vector<1x16xf32>
      tpu.vector_store %arg10[%swap3A_327, %swap3A_328], %swap3A_331 {strides = array<i32>} : memref<64x768xf32, #tpu.memory_space<vmem>>, vector<1x16xf32>,
      %get3A_332 = arith.index_cast %scan3A_21 : i32 to index
      %get3A_333 = arith.constant 304 : index
      %get3A_334 = tpu.vector_load %arg10[%get3A_332, %get3A_333] {strides = array<i32>} : memref<64x768xf32, #tpu.memory_space<vmem>>, vector<1x16xf32>,
      %get3A_335 = vector.shape_cast %get3A_334 : vector<1x16xf32> to vector<16xf32>
      %mul3A_336 = arith.mulf %get3A_335, %get3A_28 : vector<16xf32>
      %get3A_337 = arith.index_cast %scan3A_21 : i32 to index
      %get3A_338 = arith.constant 304 : index
      %get3A_339 = tpu.vector_load %arg11[%get3A_337, %get3A_338] {strides = array<i32>} : memref<64x768xf32, #tpu.memory_space<vmem>>, vector<1x16xf32>,
      %get3A_340 = vector.shape_cast %get3A_339 : vector<1x16xf32> to vector<16xf32>
      %mul3A_341 = arith.mulf %get3A_340, %get3A_24 : vector<16xf32>
      %add3A_342 = arith.addf %mul3A_336, %mul3A_341 : vector<16xf32>
      %swap3A_343 = arith.index_cast %scan3A_21 : i32 to index
      %swap3A_344 = arith.constant 304 : index
      %swap3A_345 = tpu.vector_load %arg10[%swap3A_343, %swap3A_344] {strides = array<i32>} : memref<64x768xf32, #tpu.memory_space<vmem>>, vector<1x16xf32>,
      %swap3A_346 = vector.shape_cast %swap3A_345 : vector<1x16xf32> to vector<16xf32>
      %swap3A_347 = vector.shape_cast %add3A_342 : vector<16xf32> to vector<1x16xf32>
      tpu.vector_store %arg10[%swap3A_343, %swap3A_344], %swap3A_347 {strides = array<i32>} : memref<64x768xf32, #tpu.memory_space<vmem>>, vector<1x16xf32>,
      %get3A_348 = arith.index_cast %scan3A_21 : i32 to index
      %get3A_349 = arith.constant 320 : index
      %get3A_350 = tpu.vector_load %arg10[%get3A_348, %get3A_349] {strides = array<i32>} : memref<64x768xf32, #tpu.memory_space<vmem>>, vector<1x16xf32>,
      %get3A_351 = vector.shape_cast %get3A_350 : vector<1x16xf32> to vector<16xf32>
      %mul3A_352 = arith.mulf %get3A_351, %get3A_28 : vector<16xf32>
      %get3A_353 = arith.index_cast %scan3A_21 : i32 to index
      %get3A_354 = arith.constant 320 : index
      %get3A_355 = tpu.vector_load %arg11[%get3A_353, %get3A_354] {strides = array<i32>} : memref<64x768xf32, #tpu.memory_space<vmem>>, vector<1x16xf32>,
      %get3A_356 = vector.shape_cast %get3A_355 : vector<1x16xf32> to vector<16xf32>
      %mul3A_357 = arith.mulf %get3A_356, %get3A_24 : vector<16xf32>
      %add3A_358 = arith.addf %mul3A_352, %mul3A_357 : vector<16xf32>
      %swap3A_359 = arith.index_cast %scan3A_21 : i32 to index
      %swap3A_360 = arith.constant 320 : index
      %swap3A_361 = tpu.vector_load %arg10[%swap3A_359, %swap3A_360] {strides = array<i32>} : memref<64x768xf32, #tpu.memory_space<vmem>>, vector<1x16xf32>,
      %swap3A_362 = vector.shape_cast %swap3A_361 : vector<1x16xf32> to vector<16xf32>
      %swap3A_363 = vector.shape_cast %add3A_358 : vector<16xf32> to vector<1x16xf32>
      tpu.vector_store %arg10[%swap3A_359, %swap3A_360], %swap3A_363 {strides = array<i32>} : memref<64x768xf32, #tpu.memory_space<vmem>>, vector<1x16xf32>,
      %get3A_364 = arith.index_cast %scan3A_21 : i32 to index
      %get3A_365 = arith.constant 336 : index
      %get3A_366 = tpu.vector_load %arg10[%get3A_364, %get3A_365] {strides = array<i32>} : memref<64x768xf32, #tpu.memory_space<vmem>>, vector<1x16xf32>,
      %get3A_367 = vector.shape_cast %get3A_366 : vector<1x16xf32> to vector<16xf32>
      %mul3A_368 = arith.mulf %get3A_367, %get3A_28 : vector<16xf32>
      %get3A_369 = arith.index_cast %scan3A_21 : i32 to index
      %get3A_370 = arith.constant 336 : index
      %get3A_371 = tpu.vector_load %arg11[%get3A_369, %get3A_370] {strides = array<i32>} : memref<64x768xf32, #tpu.memory_space<vmem>>, vector<1x16xf32>,
      %get3A_372 = vector.shape_cast %get3A_371 : vector<1x16xf32> to vector<16xf32>
      %mul3A_373 = arith.mulf %get3A_372, %get3A_24 : vector<16xf32>
      %add3A_374 = arith.addf %mul3A_368, %mul3A_373 : vector<16xf32>
      %swap3A_375 = arith.index_cast %scan3A_21 : i32 to index
      %swap3A_376 = arith.constant 336 : index
      %swap3A_377 = tpu.vector_load %arg10[%swap3A_375, %swap3A_376] {strides = array<i32>} : memref<64x768xf32, #tpu.memory_space<vmem>>, vector<1x16xf32>,
      %swap3A_378 = vector.shape_cast %swap3A_377 : vector<1x16xf32> to vector<16xf32>
      %swap3A_379 = vector.shape_cast %add3A_374 : vector<16xf32> to vector<1x16xf32>
      tpu.vector_store %arg10[%swap3A_375, %swap3A_376], %swap3A_379 {strides = array<i32>} : memref<64x768xf32, #tpu.memory_space<vmem>>, vector<1x16xf32>,
      %get3A_380 = arith.index_cast %scan3A_21 : i32 to index
      %get3A_381 = arith.constant 352 : index
      %get3A_382 = tpu.vector_load %arg10[%get3A_380, %get3A_381] {strides = array<i32>} : memref<64x768xf32, #tpu.memory_space<vmem>>, vector<1x16xf32>,
      %get3A_383 = vector.shape_cast %get3A_382 : vector<1x16xf32> to vector<16xf32>
      %mul3A_384 = arith.mulf %get3A_383, %get3A_28 : vector<16xf32>
      %get3A_385 = arith.index_cast %scan3A_21 : i32 to index
      %get3A_386 = arith.constant 352 : index
      %get3A_387 = tpu.vector_load %arg11[%get3A_385, %get3A_386] {strides = array<i32>} : memref<64x768xf32, #tpu.memory_space<vmem>>, vector<1x16xf32>,
      %get3A_388 = vector.shape_cast %get3A_387 : vector<1x16xf32> to vector<16xf32>
      %mul3A_389 = arith.mulf %get3A_388, %get3A_24 : vector<16xf32>
      %add3A_390 = arith.addf %mul3A_384, %mul3A_389 : vector<16xf32>
      %swap3A_391 = arith.index_cast %scan3A_21 : i32 to index
      %swap3A_392 = arith.constant 352 : index
      %swap3A_393 = tpu.vector_load %arg10[%swap3A_391, %swap3A_392] {strides = array<i32>} : memref<64x768xf32, #tpu.memory_space<vmem>>, vector<1x16xf32>,
      %swap3A_394 = vector.shape_cast %swap3A_393 : vector<1x16xf32> to vector<16xf32>
      %swap3A_395 = vector.shape_cast %add3A_390 : vector<16xf32> to vector<1x16xf32>
      tpu.vector_store %arg10[%swap3A_391, %swap3A_392], %swap3A_395 {strides = array<i32>} : memref<64x768xf32, #tpu.memory_space<vmem>>, vector<1x16xf32>,
      %get3A_396 = arith.index_cast %scan3A_21 : i32 to index
      %get3A_397 = arith.constant 368 : index
      %get3A_398 = tpu.vector_load %arg10[%get3A_396, %get3A_397] {strides = array<i32>} : memref<64x768xf32, #tpu.memory_space<vmem>>, vector<1x16xf32>,
      %get3A_399 = vector.shape_cast %get3A_398 : vector<1x16xf32> to vector<16xf32>
      %mul3A_400 = arith.mulf %get3A_399, %get3A_28 : vector<16xf32>
      %get3A_401 = arith.index_cast %scan3A_21 : i32 to index
      %get3A_402 = arith.constant 368 : index
      %get3A_403 = tpu.vector_load %arg11[%get3A_401, %get3A_402] {strides = array<i32>} : memref<64x768xf32, #tpu.memory_space<vmem>>, vector<1x16xf32>,
      %get3A_404 = vector.shape_cast %get3A_403 : vector<1x16xf32> to vector<16xf32>
      %mul3A_405 = arith.mulf %get3A_404, %get3A_24 : vector<16xf32>
      %add3A_406 = arith.addf %mul3A_400, %mul3A_405 : vector<16xf32>
      %swap3A_407 = arith.index_cast %scan3A_21 : i32 to index
      %swap3A_408 = arith.constant 368 : index
      %swap3A_409 = tpu.vector_load %arg10[%swap3A_407, %swap3A_408] {strides = array<i32>} : memref<64x768xf32, #tpu.memory_space<vmem>>, vector<1x16xf32>,
      %swap3A_410 = vector.shape_cast %swap3A_409 : vector<1x16xf32> to vector<16xf32>
      %swap3A_411 = vector.shape_cast %add3A_406 : vector<16xf32> to vector<1x16xf32>
      tpu.vector_store %arg10[%swap3A_407, %swap3A_408], %swap3A_411 {strides = array<i32>} : memref<64x768xf32, #tpu.memory_space<vmem>>, vector<1x16xf32>,
      %get3A_412 = arith.index_cast %scan3A_21 : i32 to index
      %get3A_413 = arith.constant 384 : index
      %get3A_414 = tpu.vector_load %arg10[%get3A_412, %get3A_413] {strides = array<i32>} : memref<64x768xf32, #tpu.memory_space<vmem>>, vector<1x16xf32>,
      %get3A_415 = vector.shape_cast %get3A_414 : vector<1x16xf32> to vector<16xf32>
      %mul3A_416 = arith.mulf %get3A_415, %get3A_28 : vector<16xf32>
      %get3A_417 = arith.index_cast %scan3A_21 : i32 to index
      %get3A_418 = arith.constant 384 : index
      %get3A_419 = tpu.vector_load %arg11[%get3A_417, %get3A_418] {strides = array<i32>} : memref<64x768xf32, #tpu.memory_space<vmem>>, vector<1x16xf32>,
      %get3A_420 = vector.shape_cast %get3A_419 : vector<1x16xf32> to vector<16xf32>
      %mul3A_421 = arith.mulf %get3A_420, %get3A_24 : vector<16xf32>
      %add3A_422 = arith.addf %mul3A_416, %mul3A_421 : vector<16xf32>
      %swap3A_423 = arith.index_cast %scan3A_21 : i32 to index
      %swap3A_424 = arith.constant 384 : index
      %swap3A_425 = tpu.vector_load %arg10[%swap3A_423, %swap3A_424] {strides = array<i32>} : memref<64x768xf32, #tpu.memory_space<vmem>>, vector<1x16xf32>,
      %swap3A_426 = vector.shape_cast %swap3A_425 : vector<1x16xf32> to vector<16xf32>
      %swap3A_427 = vector.shape_cast %add3A_422 : vector<16xf32> to vector<1x16xf32>
      tpu.vector_store %arg10[%swap3A_423, %swap3A_424], %swap3A_427 {strides = array<i32>} : memref<64x768xf32, #tpu.memory_space<vmem>>, vector<1x16xf32>,
      %get3A_428 = arith.index_cast %scan3A_21 : i32 to index
      %get3A_429 = arith.constant 400 : index
      %get3A_430 = tpu.vector_load %arg10[%get3A_428, %get3A_429] {strides = array<i32>} : memref<64x768xf32, #tpu.memory_space<vmem>>, vector<1x16xf32>,
      %get3A_431 = vector.shape_cast %get3A_430 : vector<1x16xf32> to vector<16xf32>
      %mul3A_432 = arith.mulf %get3A_431, %get3A_28 : vector<16xf32>
      %get3A_433 = arith.index_cast %scan3A_21 : i32 to index
      %get3A_434 = arith.constant 400 : index
      %get3A_435 = tpu.vector_load %arg11[%get3A_433, %get3A_434] {strides = array<i32>} : memref<64x768xf32, #tpu.memory_space<vmem>>, vector<1x16xf32>,
      %get3A_436 = vector.shape_cast %get3A_435 : vector<1x16xf32> to vector<16xf32>
      %mul3A_437 = arith.mulf %get3A_436, %get3A_24 : vector<16xf32>
      %add3A_438 = arith.addf %mul3A_432, %mul3A_437 : vector<16xf32>
      %swap3A_439 = arith.index_cast %scan3A_21 : i32 to index
      %swap3A_440 = arith.constant 400 : index
      %swap3A_441 = tpu.vector_load %arg10[%swap3A_439, %swap3A_440] {strides = array<i32>} : memref<64x768xf32, #tpu.memory_space<vmem>>, vector<1x16xf32>,
      %swap3A_442 = vector.shape_cast %swap3A_441 : vector<1x16xf32> to vector<16xf32>
      %swap3A_443 = vector.shape_cast %add3A_438 : vector<16xf32> to vector<1x16xf32>
      tpu.vector_store %arg10[%swap3A_439, %swap3A_440], %swap3A_443 {strides = array<i32>} : memref<64x768xf32, #tpu.memory_space<vmem>>, vector<1x16xf32>,
      %get3A_444 = arith.index_cast %scan3A_21 : i32 to index
      %get3A_445 = arith.constant 416 : index
      %get3A_446 = tpu.vector_load %arg10[%get3A_444, %get3A_445] {strides = array<i32>} : memref<64x768xf32, #tpu.memory_space<vmem>>, vector<1x16xf32>,
      %get3A_447 = vector.shape_cast %get3A_446 : vector<1x16xf32> to vector<16xf32>
      %mul3A_448 = arith.mulf %get3A_447, %get3A_28 : vector<16xf32>
      %get3A_449 = arith.index_cast %scan3A_21 : i32 to index
      %get3A_450 = arith.constant 416 : index
      %get3A_451 = tpu.vector_load %arg11[%get3A_449, %get3A_450] {strides = array<i32>} : memref<64x768xf32, #tpu.memory_space<vmem>>, vector<1x16xf32>,
      %get3A_452 = vector.shape_cast %get3A_451 : vector<1x16xf32> to vector<16xf32>
      %mul3A_453 = arith.mulf %get3A_452, %get3A_24 : vector<16xf32>
      %add3A_454 = arith.addf %mul3A_448, %mul3A_453 : vector<16xf32>
      %swap3A_455 = arith.index_cast %scan3A_21 : i32 to index
      %swap3A_456 = arith.constant 416 : index
      %swap3A_457 = tpu.vector_load %arg10[%swap3A_455, %swap3A_456] {strides = array<i32>} : memref<64x768xf32, #tpu.memory_space<vmem>>, vector<1x16xf32>,
      %swap3A_458 = vector.shape_cast %swap3A_457 : vector<1x16xf32> to vector<16xf32>
      %swap3A_459 = vector.shape_cast %add3A_454 : vector<16xf32> to vector<1x16xf32>
      tpu.vector_store %arg10[%swap3A_455, %swap3A_456], %swap3A_459 {strides = array<i32>} : memref<64x768xf32, #tpu.memory_space<vmem>>, vector<1x16xf32>,
      %get3A_460 = arith.index_cast %scan3A_21 : i32 to index
      %get3A_461 = arith.constant 432 : index
      %get3A_462 = tpu.vector_load %arg10[%get3A_460, %get3A_461] {strides = array<i32>} : memref<64x768xf32, #tpu.memory_space<vmem>>, vector<1x16xf32>,
      %get3A_463 = vector.shape_cast %get3A_462 : vector<1x16xf32> to vector<16xf32>
      %mul3A_464 = arith.mulf %get3A_463, %get3A_28 : vector<16xf32>
      %get3A_465 = arith.index_cast %scan3A_21 : i32 to index
      %get3A_466 = arith.constant 432 : index
      %get3A_467 = tpu.vector_load %arg11[%get3A_465, %get3A_466] {strides = array<i32>} : memref<64x768xf32, #tpu.memory_space<vmem>>, vector<1x16xf32>,
      %get3A_468 = vector.shape_cast %get3A_467 : vector<1x16xf32> to vector<16xf32>
      %mul3A_469 = arith.mulf %get3A_468, %get3A_24 : vector<16xf32>
      %add3A_470 = arith.addf %mul3A_464, %mul3A_469 : vector<16xf32>
      %swap3A_471 = arith.index_cast %scan3A_21 : i32 to index
      %swap3A_472 = arith.constant 432 : index
      %swap3A_473 = tpu.vector_load %arg10[%swap3A_471, %swap3A_472] {strides = array<i32>} : memref<64x768xf32, #tpu.memory_space<vmem>>, vector<1x16xf32>,
      %swap3A_474 = vector.shape_cast %swap3A_473 : vector<1x16xf32> to vector<16xf32>
      %swap3A_475 = vector.shape_cast %add3A_470 : vector<16xf32> to vector<1x16xf32>
      tpu.vector_store %arg10[%swap3A_471, %swap3A_472], %swap3A_475 {strides = array<i32>} : memref<64x768xf32, #tpu.memory_space<vmem>>, vector<1x16xf32>,
      %get3A_476 = arith.index_cast %scan3A_21 : i32 to index
      %get3A_477 = arith.constant 448 : index
      %get3A_478 = tpu.vector_load %arg10[%get3A_476, %get3A_477] {strides = array<i32>} : memref<64x768xf32, #tpu.memory_space<vmem>>, vector<1x16xf32>,
      %get3A_479 = vector.shape_cast %get3A_478 : vector<1x16xf32> to vector<16xf32>
      %mul3A_480 = arith.mulf %get3A_479, %get3A_28 : vector<16xf32>
      %get3A_481 = arith.index_cast %scan3A_21 : i32 to index
      %get3A_482 = arith.constant 448 : index
      %get3A_483 = tpu.vector_load %arg11[%get3A_481, %get3A_482] {strides = array<i32>} : memref<64x768xf32, #tpu.memory_space<vmem>>, vector<1x16xf32>,
      %get3A_484 = vector.shape_cast %get3A_483 : vector<1x16xf32> to vector<16xf32>
      %mul3A_485 = arith.mulf %get3A_484, %get3A_24 : vector<16xf32>
      %add3A_486 = arith.addf %mul3A_480, %mul3A_485 : vector<16xf32>
      %swap3A_487 = arith.index_cast %scan3A_21 : i32 to index
      %swap3A_488 = arith.constant 448 : index
      %swap3A_489 = tpu.vector_load %arg10[%swap3A_487, %swap3A_488] {strides = array<i32>} : memref<64x768xf32, #tpu.memory_space<vmem>>, vector<1x16xf32>,
      %swap3A_490 = vector.shape_cast %swap3A_489 : vector<1x16xf32> to vector<16xf32>
      %swap3A_491 = vector.shape_cast %add3A_486 : vector<16xf32> to vector<1x16xf32>
      tpu.vector_store %arg10[%swap3A_487, %swap3A_488], %swap3A_491 {strides = array<i32>} : memref<64x768xf32, #tpu.memory_space<vmem>>, vector<1x16xf32>,
      %get3A_492 = arith.index_cast %scan3A_21 : i32 to index
      %get3A_493 = arith.constant 464 : index
      %get3A_494 = tpu.vector_load %arg10[%get3A_492, %get3A_493] {strides = array<i32>} : memref<64x768xf32, #tpu.memory_space<vmem>>, vector<1x16xf32>,
      %get3A_495 = vector.shape_cast %get3A_494 : vector<1x16xf32> to vector<16xf32>
      %mul3A_496 = arith.mulf %get3A_495, %get3A_28 : vector<16xf32>
      %get3A_497 = arith.index_cast %scan3A_21 : i32 to index
      %get3A_498 = arith.constant 464 : index
      %get3A_499 = tpu.vector_load %arg11[%get3A_497, %get3A_498] {strides = array<i32>} : memref<64x768xf32, #tpu.memory_space<vmem>>, vector<1x16xf32>,
      %get3A_500 = vector.shape_cast %get3A_499 : vector<1x16xf32> to vector<16xf32>
      %mul3A_501 = arith.mulf %get3A_500, %get3A_24 : vector<16xf32>
      %add3A_502 = arith.addf %mul3A_496, %mul3A_501 : vector<16xf32>
      %swap3A_503 = arith.index_cast %scan3A_21 : i32 to index
      %swap3A_504 = arith.constant 464 : index
      %swap3A_505 = tpu.vector_load %arg10[%swap3A_503, %swap3A_504] {strides = array<i32>} : memref<64x768xf32, #tpu.memory_space<vmem>>, vector<1x16xf32>,
      %swap3A_506 = vector.shape_cast %swap3A_505 : vector<1x16xf32> to vector<16xf32>
      %swap3A_507 = vector.shape_cast %add3A_502 : vector<16xf32> to vector<1x16xf32>
      tpu.vector_store %arg10[%swap3A_503, %swap3A_504], %swap3A_507 {strides = array<i32>} : memref<64x768xf32, #tpu.memory_space<vmem>>, vector<1x16xf32>,
      %get3A_508 = arith.index_cast %scan3A_21 : i32 to index
      %get3A_509 = arith.constant 480 : index
      %get3A_510 = tpu.vector_load %arg10[%get3A_508, %get3A_509] {strides = array<i32>} : memref<64x768xf32, #tpu.memory_space<vmem>>, vector<1x16xf32>,
      %get3A_511 = vector.shape_cast %get3A_510 : vector<1x16xf32> to vector<16xf32>
      %mul3A_512 = arith.mulf %get3A_511, %get3A_28 : vector<16xf32>
      %get3A_513 = arith.index_cast %scan3A_21 : i32 to index
      %get3A_514 = arith.constant 480 : index
      %get3A_515 = tpu.vector_load %arg11[%get3A_513, %get3A_514] {strides = array<i32>} : memref<64x768xf32, #tpu.memory_space<vmem>>, vector<1x16xf32>,
      %get3A_516 = vector.shape_cast %get3A_515 : vector<1x16xf32> to vector<16xf32>
      %mul3A_517 = arith.mulf %get3A_516, %get3A_24 : vector<16xf32>
      %add3A_518 = arith.addf %mul3A_512, %mul3A_517 : vector<16xf32>
      %swap3A_519 = arith.index_cast %scan3A_21 : i32 to index
      %swap3A_520 = arith.constant 480 : index
      %swap3A_521 = tpu.vector_load %arg10[%swap3A_519, %swap3A_520] {strides = array<i32>} : memref<64x768xf32, #tpu.memory_space<vmem>>, vector<1x16xf32>,
      %swap3A_522 = vector.shape_cast %swap3A_521 : vector<1x16xf32> to vector<16xf32>
      %swap3A_523 = vector.shape_cast %add3A_518 : vector<16xf32> to vector<1x16xf32>
      tpu.vector_store %arg10[%swap3A_519, %swap3A_520], %swap3A_523 {strides = array<i32>} : memref<64x768xf32, #tpu.memory_space<vmem>>, vector<1x16xf32>,
      %get3A_524 = arith.index_cast %scan3A_21 : i32 to index
      %get3A_525 = arith.constant 496 : index
      %get3A_526 = tpu.vector_load %arg10[%get3A_524, %get3A_525] {strides = array<i32>} : memref<64x768xf32, #tpu.memory_space<vmem>>, vector<1x16xf32>,
      %get3A_527 = vector.shape_cast %get3A_526 : vector<1x16xf32> to vector<16xf32>
      %mul3A_528 = arith.mulf %get3A_527, %get3A_28 : vector<16xf32>
      %get3A_529 = arith.index_cast %scan3A_21 : i32 to index
      %get3A_530 = arith.constant 496 : index
      %get3A_531 = tpu.vector_load %arg11[%get3A_529, %get3A_530] {strides = array<i32>} : memref<64x768xf32, #tpu.memory_space<vmem>>, vector<1x16xf32>,
      %get3A_532 = vector.shape_cast %get3A_531 : vector<1x16xf32> to vector<16xf32>
      %mul3A_533 = arith.mulf %get3A_532, %get3A_24 : vector<16xf32>
      %add3A_534 = arith.addf %mul3A_528, %mul3A_533 : vector<16xf32>
      %swap3A_535 = arith.index_cast %scan3A_21 : i32 to index
      %swap3A_536 = arith.constant 496 : index
      %swap3A_537 = tpu.vector_load %arg10[%swap3A_535, %swap3A_536] {strides = array<i32>} : memref<64x768xf32, #tpu.memory_space<vmem>>, vector<1x16xf32>,
      %swap3A_538 = vector.shape_cast %swap3A_537 : vector<1x16xf32> to vector<16xf32>
      %swap3A_539 = vector.shape_cast %add3A_534 : vector<16xf32> to vector<1x16xf32>
      tpu.vector_store %arg10[%swap3A_535, %swap3A_536], %swap3A_539 {strides = array<i32>} : memref<64x768xf32, #tpu.memory_space<vmem>>, vector<1x16xf32>,
      %get3A_540 = arith.index_cast %scan3A_21 : i32 to index
      %get3A_541 = arith.constant 512 : index
      %get3A_542 = tpu.vector_load %arg10[%get3A_540, %get3A_541] {strides = array<i32>} : memref<64x768xf32, #tpu.memory_space<vmem>>, vector<1x16xf32>,
      %get3A_543 = vector.shape_cast %get3A_542 : vector<1x16xf32> to vector<16xf32>
      %mul3A_544 = arith.mulf %get3A_543, %get3A_28 : vector<16xf32>
      %get3A_545 = arith.index_cast %scan3A_21 : i32 to index
      %get3A_546 = arith.constant 512 : index
      %get3A_547 = tpu.vector_load %arg11[%get3A_545, %get3A_546] {strides = array<i32>} : memref<64x768xf32, #tpu.memory_space<vmem>>, vector<1x16xf32>,
      %get3A_548 = vector.shape_cast %get3A_547 : vector<1x16xf32> to vector<16xf32>
      %mul3A_549 = arith.mulf %get3A_548, %get3A_24 : vector<16xf32>
      %add3A_550 = arith.addf %mul3A_544, %mul3A_549 : vector<16xf32>
      %swap3A_551 = arith.index_cast %scan3A_21 : i32 to index
      %swap3A_552 = arith.constant 512 : index
      %swap3A_553 = tpu.vector_load %arg10[%swap3A_551, %swap3A_552] {strides = array<i32>} : memref<64x768xf32, #tpu.memory_space<vmem>>, vector<1x16xf32>,
      %swap3A_554 = vector.shape_cast %swap3A_553 : vector<1x16xf32> to vector<16xf32>
      %swap3A_555 = vector.shape_cast %add3A_550 : vector<16xf32> to vector<1x16xf32>
      tpu.vector_store %arg10[%swap3A_551, %swap3A_552], %swap3A_555 {strides = array<i32>} : memref<64x768xf32, #tpu.memory_space<vmem>>, vector<1x16xf32>,
      %get3A_556 = arith.index_cast %scan3A_21 : i32 to index
      %get3A_557 = arith.constant 528 : index
      %get3A_558 = tpu.vector_load %arg10[%get3A_556, %get3A_557] {strides = array<i32>} : memref<64x768xf32, #tpu.memory_space<vmem>>, vector<1x16xf32>,
      %get3A_559 = vector.shape_cast %get3A_558 : vector<1x16xf32> to vector<16xf32>
      %mul3A_560 = arith.mulf %get3A_559, %get3A_28 : vector<16xf32>
      %get3A_561 = arith.index_cast %scan3A_21 : i32 to index
      %get3A_562 = arith.constant 528 : index
      %get3A_563 = tpu.vector_load %arg11[%get3A_561, %get3A_562] {strides = array<i32>} : memref<64x768xf32, #tpu.memory_space<vmem>>, vector<1x16xf32>,
      %get3A_564 = vector.shape_cast %get3A_563 : vector<1x16xf32> to vector<16xf32>
      %mul3A_565 = arith.mulf %get3A_564, %get3A_24 : vector<16xf32>
      %add3A_566 = arith.addf %mul3A_560, %mul3A_565 : vector<16xf32>
      %swap3A_567 = arith.index_cast %scan3A_21 : i32 to index
      %swap3A_568 = arith.constant 528 : index
      %swap3A_569 = tpu.vector_load %arg10[%swap3A_567, %swap3A_568] {strides = array<i32>} : memref<64x768xf32, #tpu.memory_space<vmem>>, vector<1x16xf32>,
      %swap3A_570 = vector.shape_cast %swap3A_569 : vector<1x16xf32> to vector<16xf32>
      %swap3A_571 = vector.shape_cast %add3A_566 : vector<16xf32> to vector<1x16xf32>
      tpu.vector_store %arg10[%swap3A_567, %swap3A_568], %swap3A_571 {strides = array<i32>} : memref<64x768xf32, #tpu.memory_space<vmem>>, vector<1x16xf32>,
      %get3A_572 = arith.index_cast %scan3A_21 : i32 to index
      %get3A_573 = arith.constant 544 : index
      %get3A_574 = tpu.vector_load %arg10[%get3A_572, %get3A_573] {strides = array<i32>} : memref<64x768xf32, #tpu.memory_space<vmem>>, vector<1x16xf32>,
      %get3A_575 = vector.shape_cast %get3A_574 : vector<1x16xf32> to vector<16xf32>
      %mul3A_576 = arith.mulf %get3A_575, %get3A_28 : vector<16xf32>
      %get3A_577 = arith.index_cast %scan3A_21 : i32 to index
      %get3A_578 = arith.constant 544 : index
      %get3A_579 = tpu.vector_load %arg11[%get3A_577, %get3A_578] {strides = array<i32>} : memref<64x768xf32, #tpu.memory_space<vmem>>, vector<1x16xf32>,
      %get3A_580 = vector.shape_cast %get3A_579 : vector<1x16xf32> to vector<16xf32>
      %mul3A_581 = arith.mulf %get3A_580, %get3A_24 : vector<16xf32>
      %add3A_582 = arith.addf %mul3A_576, %mul3A_581 : vector<16xf32>
      %swap3A_583 = arith.index_cast %scan3A_21 : i32 to index
      %swap3A_584 = arith.constant 544 : index
      %swap3A_585 = tpu.vector_load %arg10[%swap3A_583, %swap3A_584] {strides = array<i32>} : memref<64x768xf32, #tpu.memory_space<vmem>>, vector<1x16xf32>,
      %swap3A_586 = vector.shape_cast %swap3A_585 : vector<1x16xf32> to vector<16xf32>
      %swap3A_587 = vector.shape_cast %add3A_582 : vector<16xf32> to vector<1x16xf32>
      tpu.vector_store %arg10[%swap3A_583, %swap3A_584], %swap3A_587 {strides = array<i32>} : memref<64x768xf32, #tpu.memory_space<vmem>>, vector<1x16xf32>,
      %get3A_588 = arith.index_cast %scan3A_21 : i32 to index
      %get3A_589 = arith.constant 560 : index
      %get3A_590 = tpu.vector_load %arg10[%get3A_588, %get3A_589] {strides = array<i32>} : memref<64x768xf32, #tpu.memory_space<vmem>>, vector<1x16xf32>,
      %get3A_591 = vector.shape_cast %get3A_590 : vector<1x16xf32> to vector<16xf32>
      %mul3A_592 = arith.mulf %get3A_591, %get3A_28 : vector<16xf32>
      %get3A_593 = arith.index_cast %scan3A_21 : i32 to index
      %get3A_594 = arith.constant 560 : index
      %get3A_595 = tpu.vector_load %arg11[%get3A_593, %get3A_594] {strides = array<i32>} : memref<64x768xf32, #tpu.memory_space<vmem>>, vector<1x16xf32>,
      %get3A_596 = vector.shape_cast %get3A_595 : vector<1x16xf32> to vector<16xf32>
      %mul3A_597 = arith.mulf %get3A_596, %get3A_24 : vector<16xf32>
      %add3A_598 = arith.addf %mul3A_592, %mul3A_597 : vector<16xf32>
      %swap3A_599 = arith.index_cast %scan3A_21 : i32 to index
      %swap3A_600 = arith.constant 560 : index
      %swap3A_601 = tpu.vector_load %arg10[%swap3A_599, %swap3A_600] {strides = array<i32>} : memref<64x768xf32, #tpu.memory_space<vmem>>, vector<1x16xf32>,
      %swap3A_602 = vector.shape_cast %swap3A_601 : vector<1x16xf32> to vector<16xf32>
      %swap3A_603 = vector.shape_cast %add3A_598 : vector<16xf32> to vector<1x16xf32>
      tpu.vector_store %arg10[%swap3A_599, %swap3A_600], %swap3A_603 {strides = array<i32>} : memref<64x768xf32, #tpu.memory_space<vmem>>, vector<1x16xf32>,
      %get3A_604 = arith.index_cast %scan3A_21 : i32 to index
      %get3A_605 = arith.constant 576 : index
      %get3A_606 = tpu.vector_load %arg10[%get3A_604, %get3A_605] {strides = array<i32>} : memref<64x768xf32, #tpu.memory_space<vmem>>, vector<1x16xf32>,
      %get3A_607 = vector.shape_cast %get3A_606 : vector<1x16xf32> to vector<16xf32>
      %mul3A_608 = arith.mulf %get3A_607, %get3A_28 : vector<16xf32>
      %get3A_609 = arith.index_cast %scan3A_21 : i32 to index
      %get3A_610 = arith.constant 576 : index
      %get3A_611 = tpu.vector_load %arg11[%get3A_609, %get3A_610] {strides = array<i32>} : memref<64x768xf32, #tpu.memory_space<vmem>>, vector<1x16xf32>,
      %get3A_612 = vector.shape_cast %get3A_611 : vector<1x16xf32> to vector<16xf32>
      %mul3A_613 = arith.mulf %get3A_612, %get3A_24 : vector<16xf32>
      %add3A_614 = arith.addf %mul3A_608, %mul3A_613 : vector<16xf32>
      %swap3A_615 = arith.index_cast %scan3A_21 : i32 to index
      %swap3A_616 = arith.constant 576 : index
      %swap3A_617 = tpu.vector_load %arg10[%swap3A_615, %swap3A_616] {strides = array<i32>} : memref<64x768xf32, #tpu.memory_space<vmem>>, vector<1x16xf32>,
      %swap3A_618 = vector.shape_cast %swap3A_617 : vector<1x16xf32> to vector<16xf32>
      %swap3A_619 = vector.shape_cast %add3A_614 : vector<16xf32> to vector<1x16xf32>
      tpu.vector_store %arg10[%swap3A_615, %swap3A_616], %swap3A_619 {strides = array<i32>} : memref<64x768xf32, #tpu.memory_space<vmem>>, vector<1x16xf32>,
      %get3A_620 = arith.index_cast %scan3A_21 : i32 to index
      %get3A_621 = arith.constant 592 : index
      %get3A_622 = tpu.vector_load %arg10[%get3A_620, %get3A_621] {strides = array<i32>} : memref<64x768xf32, #tpu.memory_space<vmem>>, vector<1x16xf32>,
      %get3A_623 = vector.shape_cast %get3A_622 : vector<1x16xf32> to vector<16xf32>
      %mul3A_624 = arith.mulf %get3A_623, %get3A_28 : vector<16xf32>
      %get3A_625 = arith.index_cast %scan3A_21 : i32 to index
      %get3A_626 = arith.constant 592 : index
      %get3A_627 = tpu.vector_load %arg11[%get3A_625, %get3A_626] {strides = array<i32>} : memref<64x768xf32, #tpu.memory_space<vmem>>, vector<1x16xf32>,
      %get3A_628 = vector.shape_cast %get3A_627 : vector<1x16xf32> to vector<16xf32>
      %mul3A_629 = arith.mulf %get3A_628, %get3A_24 : vector<16xf32>
      %add3A_630 = arith.addf %mul3A_624, %mul3A_629 : vector<16xf32>
      %swap3A_631 = arith.index_cast %scan3A_21 : i32 to index
      %swap3A_632 = arith.constant 592 : index
      %swap3A_633 = tpu.vector_load %arg10[%swap3A_631, %swap3A_632] {strides = array<i32>} : memref<64x768xf32, #tpu.memory_space<vmem>>, vector<1x16xf32>,
      %swap3A_634 = vector.shape_cast %swap3A_633 : vector<1x16xf32> to vector<16xf32>
      %swap3A_635 = vector.shape_cast %add3A_630 : vector<16xf32> to vector<1x16xf32>
      tpu.vector_store %arg10[%swap3A_631, %swap3A_632], %swap3A_635 {strides = array<i32>} : memref<64x768xf32, #tpu.memory_space<vmem>>, vector<1x16xf32>,
      %get3A_636 = arith.index_cast %scan3A_21 : i32 to index
      %get3A_637 = arith.constant 608 : index
      %get3A_638 = tpu.vector_load %arg10[%get3A_636, %get3A_637] {strides = array<i32>} : memref<64x768xf32, #tpu.memory_space<vmem>>, vector<1x16xf32>,
      %get3A_639 = vector.shape_cast %get3A_638 : vector<1x16xf32> to vector<16xf32>
      %mul3A_640 = arith.mulf %get3A_639, %get3A_28 : vector<16xf32>
      %get3A_641 = arith.index_cast %scan3A_21 : i32 to index
      %get3A_642 = arith.constant 608 : index
      %get3A_643 = tpu.vector_load %arg11[%get3A_641, %get3A_642] {strides = array<i32>} : memref<64x768xf32, #tpu.memory_space<vmem>>, vector<1x16xf32>,
      %get3A_644 = vector.shape_cast %get3A_643 : vector<1x16xf32> to vector<16xf32>
      %mul3A_645 = arith.mulf %get3A_644, %get3A_24 : vector<16xf32>
      %add3A_646 = arith.addf %mul3A_640, %mul3A_645 : vector<16xf32>
      %swap3A_647 = arith.index_cast %scan3A_21 : i32 to index
      %swap3A_648 = arith.constant 608 : index
      %swap3A_649 = tpu.vector_load %arg10[%swap3A_647, %swap3A_648] {strides = array<i32>} : memref<64x768xf32, #tpu.memory_space<vmem>>, vector<1x16xf32>,
      %swap3A_650 = vector.shape_cast %swap3A_649 : vector<1x16xf32> to vector<16xf32>
      %swap3A_651 = vector.shape_cast %add3A_646 : vector<16xf32> to vector<1x16xf32>
      tpu.vector_store %arg10[%swap3A_647, %swap3A_648], %swap3A_651 {strides = array<i32>} : memref<64x768xf32, #tpu.memory_space<vmem>>, vector<1x16xf32>,
      %get3A_652 = arith.index_cast %scan3A_21 : i32 to index
      %get3A_653 = arith.constant 624 : index
      %get3A_654 = tpu.vector_load %arg10[%get3A_652, %get3A_653] {strides = array<i32>} : memref<64x768xf32, #tpu.memory_space<vmem>>, vector<1x16xf32>,
      %get3A_655 = vector.shape_cast %get3A_654 : vector<1x16xf32> to vector<16xf32>
      %mul3A_656 = arith.mulf %get3A_655, %get3A_28 : vector<16xf32>
      %get3A_657 = arith.index_cast %scan3A_21 : i32 to index
      %get3A_658 = arith.constant 624 : index
      %get3A_659 = tpu.vector_load %arg11[%get3A_657, %get3A_658] {strides = array<i32>} : memref<64x768xf32, #tpu.memory_space<vmem>>, vector<1x16xf32>,
      %get3A_660 = vector.shape_cast %get3A_659 : vector<1x16xf32> to vector<16xf32>
      %mul3A_661 = arith.mulf %get3A_660, %get3A_24 : vector<16xf32>
      %add3A_662 = arith.addf %mul3A_656, %mul3A_661 : vector<16xf32>
      %swap3A_663 = arith.index_cast %scan3A_21 : i32 to index
      %swap3A_664 = arith.constant 624 : index
      %swap3A_665 = tpu.vector_load %arg10[%swap3A_663, %swap3A_664] {strides = array<i32>} : memref<64x768xf32, #tpu.memory_space<vmem>>, vector<1x16xf32>,
      %swap3A_666 = vector.shape_cast %swap3A_665 : vector<1x16xf32> to vector<16xf32>
      %swap3A_667 = vector.shape_cast %add3A_662 : vector<16xf32> to vector<1x16xf32>
      tpu.vector_store %arg10[%swap3A_663, %swap3A_664], %swap3A_667 {strides = array<i32>} : memref<64x768xf32, #tpu.memory_space<vmem>>, vector<1x16xf32>,
      %get3A_668 = arith.index_cast %scan3A_21 : i32 to index
      %get3A_669 = arith.constant 640 : index
      %get3A_670 = tpu.vector_load %arg10[%get3A_668, %get3A_669] {strides = array<i32>} : memref<64x768xf32, #tpu.memory_space<vmem>>, vector<1x16xf32>,
      %get3A_671 = vector.shape_cast %get3A_670 : vector<1x16xf32> to vector<16xf32>
      %mul3A_672 = arith.mulf %get3A_671, %get3A_28 : vector<16xf32>
      %get3A_673 = arith.index_cast %scan3A_21 : i32 to index
      %get3A_674 = arith.constant 640 : index
      %get3A_675 = tpu.vector_load %arg11[%get3A_673, %get3A_674] {strides = array<i32>} : memref<64x768xf32, #tpu.memory_space<vmem>>, vector<1x16xf32>,
      %get3A_676 = vector.shape_cast %get3A_675 : vector<1x16xf32> to vector<16xf32>
      %mul3A_677 = arith.mulf %get3A_676, %get3A_24 : vector<16xf32>
      %add3A_678 = arith.addf %mul3A_672, %mul3A_677 : vector<16xf32>
      %swap3A_679 = arith.index_cast %scan3A_21 : i32 to index
      %swap3A_680 = arith.constant 640 : index
      %swap3A_681 = tpu.vector_load %arg10[%swap3A_679, %swap3A_680] {strides = array<i32>} : memref<64x768xf32, #tpu.memory_space<vmem>>, vector<1x16xf32>,
      %swap3A_682 = vector.shape_cast %swap3A_681 : vector<1x16xf32> to vector<16xf32>
      %swap3A_683 = vector.shape_cast %add3A_678 : vector<16xf32> to vector<1x16xf32>
      tpu.vector_store %arg10[%swap3A_679, %swap3A_680], %swap3A_683 {strides = array<i32>} : memref<64x768xf32, #tpu.memory_space<vmem>>, vector<1x16xf32>,
      %get3A_684 = arith.index_cast %scan3A_21 : i32 to index
      %get3A_685 = arith.constant 656 : index
      %get3A_686 = tpu.vector_load %arg10[%get3A_684, %get3A_685] {strides = array<i32>} : memref<64x768xf32, #tpu.memory_space<vmem>>, vector<1x16xf32>,
      %get3A_687 = vector.shape_cast %get3A_686 : vector<1x16xf32> to vector<16xf32>
      %mul3A_688 = arith.mulf %get3A_687, %get3A_28 : vector<16xf32>
      %get3A_689 = arith.index_cast %scan3A_21 : i32 to index
      %get3A_690 = arith.constant 656 : index
      %get3A_691 = tpu.vector_load %arg11[%get3A_689, %get3A_690] {strides = array<i32>} : memref<64x768xf32, #tpu.memory_space<vmem>>, vector<1x16xf32>,
      %get3A_692 = vector.shape_cast %get3A_691 : vector<1x16xf32> to vector<16xf32>
      %mul3A_693 = arith.mulf %get3A_692, %get3A_24 : vector<16xf32>
      %add3A_694 = arith.addf %mul3A_688, %mul3A_693 : vector<16xf32>
      %swap3A_695 = arith.index_cast %scan3A_21 : i32 to index
      %swap3A_696 = arith.constant 656 : index
      %swap3A_697 = tpu.vector_load %arg10[%swap3A_695, %swap3A_696] {strides = array<i32>} : memref<64x768xf32, #tpu.memory_space<vmem>>, vector<1x16xf32>,
      %swap3A_698 = vector.shape_cast %swap3A_697 : vector<1x16xf32> to vector<16xf32>
      %swap3A_699 = vector.shape_cast %add3A_694 : vector<16xf32> to vector<1x16xf32>
      tpu.vector_store %arg10[%swap3A_695, %swap3A_696], %swap3A_699 {strides = array<i32>} : memref<64x768xf32, #tpu.memory_space<vmem>>, vector<1x16xf32>,
      %get3A_700 = arith.index_cast %scan3A_21 : i32 to index
      %get3A_701 = arith.constant 672 : index
      %get3A_702 = tpu.vector_load %arg10[%get3A_700, %get3A_701] {strides = array<i32>} : memref<64x768xf32, #tpu.memory_space<vmem>>, vector<1x16xf32>,
      %get3A_703 = vector.shape_cast %get3A_702 : vector<1x16xf32> to vector<16xf32>
      %mul3A_704 = arith.mulf %get3A_703, %get3A_28 : vector<16xf32>
      %get3A_705 = arith.index_cast %scan3A_21 : i32 to index
      %get3A_706 = arith.constant 672 : index
      %get3A_707 = tpu.vector_load %arg11[%get3A_705, %get3A_706] {strides = array<i32>} : memref<64x768xf32, #tpu.memory_space<vmem>>, vector<1x16xf32>,
      %get3A_708 = vector.shape_cast %get3A_707 : vector<1x16xf32> to vector<16xf32>
      %mul3A_709 = arith.mulf %get3A_708, %get3A_24 : vector<16xf32>
      %add3A_710 = arith.addf %mul3A_704, %mul3A_709 : vector<16xf32>
      %swap3A_711 = arith.index_cast %scan3A_21 : i32 to index
      %swap3A_712 = arith.constant 672 : index
      %swap3A_713 = tpu.vector_load %arg10[%swap3A_711, %swap3A_712] {strides = array<i32>} : memref<64x768xf32, #tpu.memory_space<vmem>>, vector<1x16xf32>,
      %swap3A_714 = vector.shape_cast %swap3A_713 : vector<1x16xf32> to vector<16xf32>
      %swap3A_715 = vector.shape_cast %add3A_710 : vector<16xf32> to vector<1x16xf32>
      tpu.vector_store %arg10[%swap3A_711, %swap3A_712], %swap3A_715 {strides = array<i32>} : memref<64x768xf32, #tpu.memory_space<vmem>>, vector<1x16xf32>,
      %get3A_716 = arith.index_cast %scan3A_21 : i32 to index
      %get3A_717 = arith.constant 688 : index
      %get3A_718 = tpu.vector_load %arg10[%get3A_716, %get3A_717] {strides = array<i32>} : memref<64x768xf32, #tpu.memory_space<vmem>>, vector<1x16xf32>,
      %get3A_719 = vector.shape_cast %get3A_718 : vector<1x16xf32> to vector<16xf32>
      %mul3A_720 = arith.mulf %get3A_719, %get3A_28 : vector<16xf32>
      %get3A_721 = arith.index_cast %scan3A_21 : i32 to index
      %get3A_722 = arith.constant 688 : index
      %get3A_723 = tpu.vector_load %arg11[%get3A_721, %get3A_722] {strides = array<i32>} : memref<64x768xf32, #tpu.memory_space<vmem>>, vector<1x16xf32>,
      %get3A_724 = vector.shape_cast %get3A_723 : vector<1x16xf32> to vector<16xf32>
      %mul3A_725 = arith.mulf %get3A_724, %get3A_24 : vector<16xf32>
      %add3A_726 = arith.addf %mul3A_720, %mul3A_725 : vector<16xf32>
      %swap3A_727 = arith.index_cast %scan3A_21 : i32 to index
      %swap3A_728 = arith.constant 688 : index
      %swap3A_729 = tpu.vector_load %arg10[%swap3A_727, %swap3A_728] {strides = array<i32>} : memref<64x768xf32, #tpu.memory_space<vmem>>, vector<1x16xf32>,
      %swap3A_730 = vector.shape_cast %swap3A_729 : vector<1x16xf32> to vector<16xf32>
      %swap3A_731 = vector.shape_cast %add3A_726 : vector<16xf32> to vector<1x16xf32>
      tpu.vector_store %arg10[%swap3A_727, %swap3A_728], %swap3A_731 {strides = array<i32>} : memref<64x768xf32, #tpu.memory_space<vmem>>, vector<1x16xf32>,
      %get3A_732 = arith.index_cast %scan3A_21 : i32 to index
      %get3A_733 = arith.constant 704 : index
      %get3A_734 = tpu.vector_load %arg10[%get3A_732, %get3A_733] {strides = array<i32>} : memref<64x768xf32, #tpu.memory_space<vmem>>, vector<1x16xf32>,
      %get3A_735 = vector.shape_cast %get3A_734 : vector<1x16xf32> to vector<16xf32>
      %mul3A_736 = arith.mulf %get3A_735, %get3A_28 : vector<16xf32>
      %get3A_737 = arith.index_cast %scan3A_21 : i32 to index
      %get3A_738 = arith.constant 704 : index
      %get3A_739 = tpu.vector_load %arg11[%get3A_737, %get3A_738] {strides = array<i32>} : memref<64x768xf32, #tpu.memory_space<vmem>>, vector<1x16xf32>,
      %get3A_740 = vector.shape_cast %get3A_739 : vector<1x16xf32> to vector<16xf32>
      %mul3A_741 = arith.mulf %get3A_740, %get3A_24 : vector<16xf32>
      %add3A_742 = arith.addf %mul3A_736, %mul3A_741 : vector<16xf32>
      %swap3A_743 = arith.index_cast %scan3A_21 : i32 to index
      %swap3A_744 = arith.constant 704 : index
      %swap3A_745 = tpu.vector_load %arg10[%swap3A_743, %swap3A_744] {strides = array<i32>} : memref<64x768xf32, #tpu.memory_space<vmem>>, vector<1x16xf32>,
      %swap3A_746 = vector.shape_cast %swap3A_745 : vector<1x16xf32> to vector<16xf32>
      %swap3A_747 = vector.shape_cast %add3A_742 : vector<16xf32> to vector<1x16xf32>
      tpu.vector_store %arg10[%swap3A_743, %swap3A_744], %swap3A_747 {strides = array<i32>} : memref<64x768xf32, #tpu.memory_space<vmem>>, vector<1x16xf32>,
      %get3A_748 = arith.index_cast %scan3A_21 : i32 to index
      %get3A_749 = arith.constant 720 : index
      %get3A_750 = tpu.vector_load %arg10[%get3A_748, %get3A_749] {strides = array<i32>} : memref<64x768xf32, #tpu.memory_space<vmem>>, vector<1x16xf32>,
      %get3A_751 = vector.shape_cast %get3A_750 : vector<1x16xf32> to vector<16xf32>
      %mul3A_752 = arith.mulf %get3A_751, %get3A_28 : vector<16xf32>
      %get3A_753 = arith.index_cast %scan3A_21 : i32 to index
      %get3A_754 = arith.constant 720 : index
      %get3A_755 = tpu.vector_load %arg11[%get3A_753, %get3A_754] {strides = array<i32>} : memref<64x768xf32, #tpu.memory_space<vmem>>, vector<1x16xf32>,
      %get3A_756 = vector.shape_cast %get3A_755 : vector<1x16xf32> to vector<16xf32>
      %mul3A_757 = arith.mulf %get3A_756, %get3A_24 : vector<16xf32>
      %add3A_758 = arith.addf %mul3A_752, %mul3A_757 : vector<16xf32>
      %swap3A_759 = arith.index_cast %scan3A_21 : i32 to index
      %swap3A_760 = arith.constant 720 : index
      %swap3A_761 = tpu.vector_load %arg10[%swap3A_759, %swap3A_760] {strides = array<i32>} : memref<64x768xf32, #tpu.memory_space<vmem>>, vector<1x16xf32>,
      %swap3A_762 = vector.shape_cast %swap3A_761 : vector<1x16xf32> to vector<16xf32>
      %swap3A_763 = vector.shape_cast %add3A_758 : vector<16xf32> to vector<1x16xf32>
      tpu.vector_store %arg10[%swap3A_759, %swap3A_760], %swap3A_763 {strides = array<i32>} : memref<64x768xf32, #tpu.memory_space<vmem>>, vector<1x16xf32>,
      %get3A_764 = arith.index_cast %scan3A_21 : i32 to index
      %get3A_765 = arith.constant 736 : index
      %get3A_766 = tpu.vector_load %arg10[%get3A_764, %get3A_765] {strides = array<i32>} : memref<64x768xf32, #tpu.memory_space<vmem>>, vector<1x16xf32>,
      %get3A_767 = vector.shape_cast %get3A_766 : vector<1x16xf32> to vector<16xf32>
      %mul3A_768 = arith.mulf %get3A_767, %get3A_28 : vector<16xf32>
      %get3A_769 = arith.index_cast %scan3A_21 : i32 to index
      %get3A_770 = arith.constant 736 : index
      %get3A_771 = tpu.vector_load %arg11[%get3A_769, %get3A_770] {strides = array<i32>} : memref<64x768xf32, #tpu.memory_space<vmem>>, vector<1x16xf32>,
      %get3A_772 = vector.shape_cast %get3A_771 : vector<1x16xf32> to vector<16xf32>
      %mul3A_773 = arith.mulf %get3A_772, %get3A_24 : vector<16xf32>
      %add3A_774 = arith.addf %mul3A_768, %mul3A_773 : vector<16xf32>
      %swap3A_775 = arith.index_cast %scan3A_21 : i32 to index
      %swap3A_776 = arith.constant 736 : index
      %swap3A_777 = tpu.vector_load %arg10[%swap3A_775, %swap3A_776] {strides = array<i32>} : memref<64x768xf32, #tpu.memory_space<vmem>>, vector<1x16xf32>,
      %swap3A_778 = vector.shape_cast %swap3A_777 : vector<1x16xf32> to vector<16xf32>
      %swap3A_779 = vector.shape_cast %add3A_774 : vector<16xf32> to vector<1x16xf32>
      tpu.vector_store %arg10[%swap3A_775, %swap3A_776], %swap3A_779 {strides = array<i32>} : memref<64x768xf32, #tpu.memory_space<vmem>>, vector<1x16xf32>,
      %get3A_780 = arith.index_cast %scan3A_21 : i32 to index
      %get3A_781 = arith.constant 752 : index
      %get3A_782 = tpu.vector_load %arg10[%get3A_780, %get3A_781] {strides = array<i32>} : memref<64x768xf32, #tpu.memory_space<vmem>>, vector<1x16xf32>,
      %get3A_783 = vector.shape_cast %get3A_782 : vector<1x16xf32> to vector<16xf32>
      %mul3A_784 = arith.mulf %get3A_783, %get3A_28 : vector<16xf32>
      %get3A_785 = arith.index_cast %scan3A_21 : i32 to index
      %get3A_786 = arith.constant 752 : index
      %get3A_787 = tpu.vector_load %arg11[%get3A_785, %get3A_786] {strides = array<i32>} : memref<64x768xf32, #tpu.memory_space<vmem>>, vector<1x16xf32>,
      %get3A_788 = vector.shape_cast %get3A_787 : vector<1x16xf32> to vector<16xf32>
      %mul3A_789 = arith.mulf %get3A_788, %get3A_24 : vector<16xf32>
      %add3A_790 = arith.addf %mul3A_784, %mul3A_789 : vector<16xf32>
      %swap3A_791 = arith.index_cast %scan3A_21 : i32 to index
      %swap3A_792 = arith.constant 752 : index
      %swap3A_793 = tpu.vector_load %arg10[%swap3A_791, %swap3A_792] {strides = array<i32>} : memref<64x768xf32, #tpu.memory_space<vmem>>, vector<1x16xf32>,
      %swap3A_794 = vector.shape_cast %swap3A_793 : vector<1x16xf32> to vector<16xf32>
      %swap3A_795 = vector.shape_cast %add3A_790 : vector<16xf32> to vector<1x16xf32>
      tpu.vector_store %arg10[%swap3A_791, %swap3A_792], %swap3A_795 {strides = array<i32>} : memref<64x768xf32, #tpu.memory_space<vmem>>, vector<1x16xf32>,
    }
    %scan3A_20 = arith.constant 64 : i32
    "tpu.region"() ({
      %run_scoped3A_21 = tpu.sem_alloc : memref<!tpu.dma_semaphore, #tpu.memory_space<semaphore_mem>>
      %dma_start3A_22 = arith.constant 0 : i32
      %dma_start3A_23 = tpu.memref_slice %arg5[%mul3A_2, %dma_start3A_22] : memref<2048x768xf32, #tpu.memory_space<hbm>> -> memref<64x768xf32, #tpu.memory_space<hbm>>
      %dma_start3A_24 = arith.constant 0 : i32
      %dma_start3A_25 = tpu.memref_slice %arg5[%mul3A_2, %dma_start3A_24] : memref<2048x768xf32, #tpu.memory_space<hbm>> -> memref<64x768xf32, #tpu.memory_space<hbm>>
      tpu.enqueue_dma source(%arg10 : memref<64x768xf32, #tpu.memory_space<vmem>>) target(%dma_start3A_25 : memref<64x768xf32, #tpu.memory_space<hbm>>) target_semaphore(%run_scoped3A_21 : memref<!tpu.dma_semaphore, #tpu.memory_space<semaphore_mem>>)
      %dma_wait3A_26 = arith.constant 0 : i32
      %dma_wait3A_27 = tpu.memref_slice %arg5[%mul3A_2, %dma_wait3A_26] : memref<2048x768xf32, #tpu.memory_space<hbm>> -> memref<64x768xf32, #tpu.memory_space<hbm>>
      %dma_wait3A_28 = arith.constant 0 : i32
      %dma_wait3A_29 = tpu.memref_slice %arg5[%mul3A_2, %dma_wait3A_28] : memref<2048x768xf32, #tpu.memory_space<hbm>> -> memref<64x768xf32, #tpu.memory_space<hbm>>
      tpu.wait_dma2 semaphore(%run_scoped3A_21 : memref<!tpu.dma_semaphore, #tpu.memory_space<semaphore_mem>>) src(%arg10 : memref<64x768xf32, #tpu.memory_space<vmem>>) dst(%dma_wait3A_29 : memref<64x768xf32, #tpu.memory_space<hbm>>)
      tpu.yield
    }) : () -> ()
    return
  }
}

#map = affine_map<(d0, d1) -> (0, 0)>
module attributes {stable_mosaic.version = 14 : i64} {
  func.func @_dispatch_body(%arg0: i32, %arg1: i32, %arg2: memref<2x2048xi32, #tpu.memory_space<hbm>>, %arg3: memref<2048x768xf32, #tpu.memory_space<hbm>>, %arg4: memref<5120x768xf32, #tpu.memory_space<hbm>>, %arg5: memref<64xi32, #tpu.memory_space<vmem>>, %arg6: memref<64xi32, #tpu.memory_space<vmem>>, %arg7: memref<64x768xf32, #tpu.memory_space<vmem>>, %arg8: memref<!tpu.dma_semaphore, #tpu.memory_space<semaphore_mem>>) attributes {dimension_semantics = [#tpu.dimension_semantics<core_parallel>, #tpu.dimension_semantics<subcore_parallel>], iteration_bounds = array<i64: 2, 16>, scalar_prefetch = 0 : i64, scratch_operands = 4 : i64, tpu.core_type = #tpu.core_type<sc_vector_subcore>, window_params = [{transform_indices = #map}, {transform_indices = #map}, {transform_indices = #map}]} {
    %mul3A = arith.constant 2 : i32
    %mul3A_0 = arith.muli %arg1, %mul3A : i32
    %add3A = arith.addi %mul3A_0, %arg0 : i32
    %mul3A_1 = arith.constant 64 : i32
    %mul3A_2 = arith.muli %add3A, %mul3A_1 : i32
    "tpu.region"() ({
      %run_scoped3A_14 = tpu.sem_alloc : memref<!tpu.dma_semaphore, #tpu.memory_space<semaphore_mem>>
      %dma_start3A_15 = arith.constant 0 : i32
      %dma_start3A_16 = tpu.memref_slice %arg3[%mul3A_2, %dma_start3A_15] : memref<2048x768xf32, #tpu.memory_space<hbm>> -> memref<64x768xf32, #tpu.memory_space<hbm>>
      %dma_start3A_17 = arith.constant 0 : i32
      %dma_start3A_18 = tpu.memref_slice %arg3[%mul3A_2, %dma_start3A_17] : memref<2048x768xf32, #tpu.memory_space<hbm>> -> memref<64x768xf32, #tpu.memory_space<hbm>>
      tpu.enqueue_dma source(%dma_start3A_18 : memref<64x768xf32, #tpu.memory_space<hbm>>) target(%arg7 : memref<64x768xf32, #tpu.memory_space<vmem>>) target_semaphore(%run_scoped3A_14 : memref<!tpu.dma_semaphore, #tpu.memory_space<semaphore_mem>>)
      %dma_wait3A_19 = arith.constant 0 : i32
      %dma_wait3A_20 = tpu.memref_slice %arg3[%mul3A_2, %dma_wait3A_19] : memref<2048x768xf32, #tpu.memory_space<hbm>> -> memref<64x768xf32, #tpu.memory_space<hbm>>
      %dma_wait3A_21 = arith.constant 0 : i32
      %dma_wait3A_22 = tpu.memref_slice %arg3[%mul3A_2, %dma_wait3A_21] : memref<2048x768xf32, #tpu.memory_space<hbm>> -> memref<64x768xf32, #tpu.memory_space<hbm>>
      tpu.wait_dma2 semaphore(%run_scoped3A_14 : memref<!tpu.dma_semaphore, #tpu.memory_space<semaphore_mem>>) src(%dma_wait3A_22 : memref<64x768xf32, #tpu.memory_space<hbm>>) dst(%arg7 : memref<64x768xf32, #tpu.memory_space<vmem>>)
      tpu.yield
    }) : () -> ()
    %run_scoped3A = arith.constant 0 : i32
    "tpu.region"() ({
      %run_scoped3A_14 = tpu.sem_alloc : memref<!tpu.dma_semaphore, #tpu.memory_space<semaphore_mem>>
      %dma_start3A_15 = tpu.memref_slice %arg2[%run_scoped3A, %mul3A_2] : memref<2x2048xi32, #tpu.memory_space<hbm>> -> memref<1x64xi32, #tpu.memory_space<hbm>>
      %dma_start3A_16 = tpu.memref_squeeze %dma_start3A_15 : memref<1x64xi32, #tpu.memory_space<hbm>> -> memref<64xi32, #tpu.memory_space<hbm>>
      %dma_start3A_17 = tpu.memref_slice %arg2[%run_scoped3A, %mul3A_2] : memref<2x2048xi32, #tpu.memory_space<hbm>> -> memref<1x64xi32, #tpu.memory_space<hbm>>
      %dma_start3A_18 = tpu.memref_squeeze %dma_start3A_17 : memref<1x64xi32, #tpu.memory_space<hbm>> -> memref<64xi32, #tpu.memory_space<hbm>>
      tpu.enqueue_dma source(%dma_start3A_18 : memref<64xi32, #tpu.memory_space<hbm>>) target(%arg5 : memref<64xi32, #tpu.memory_space<vmem>>) target_semaphore(%run_scoped3A_14 : memref<!tpu.dma_semaphore, #tpu.memory_space<semaphore_mem>>)
      %dma_wait3A_19 = tpu.memref_slice %arg2[%run_scoped3A, %mul3A_2] : memref<2x2048xi32, #tpu.memory_space<hbm>> -> memref<1x64xi32, #tpu.memory_space<hbm>>
      %dma_wait3A_20 = tpu.memref_squeeze %dma_wait3A_19 : memref<1x64xi32, #tpu.memory_space<hbm>> -> memref<64xi32, #tpu.memory_space<hbm>>
      %dma_wait3A_21 = tpu.memref_slice %arg2[%run_scoped3A, %mul3A_2] : memref<2x2048xi32, #tpu.memory_space<hbm>> -> memref<1x64xi32, #tpu.memory_space<hbm>>
      %dma_wait3A_22 = tpu.memref_squeeze %dma_wait3A_21 : memref<1x64xi32, #tpu.memory_space<hbm>> -> memref<64xi32, #tpu.memory_space<hbm>>
      tpu.wait_dma2 semaphore(%run_scoped3A_14 : memref<!tpu.dma_semaphore, #tpu.memory_space<semaphore_mem>>) src(%dma_wait3A_22 : memref<64xi32, #tpu.memory_space<hbm>>) dst(%arg5 : memref<64xi32, #tpu.memory_space<vmem>>)
      tpu.yield
    }) : () -> ()
    %dma_start3A = arith.constant 0 : i32
    %dma_start3A_3 = arith.constant 0 : i32
    %dma_start3A_4 = tpu.memref_slice %arg4[%dma_start3A, %dma_start3A_3] : memref<5120x768xf32, #tpu.memory_space<hbm>> -> memref<5120x768xf32, #tpu.memory_space<hbm>>
    tpu.enqueue_indirect_dma source(%arg7 : memref<64x768xf32, #tpu.memory_space<vmem>>) target(%dma_start3A_4 : memref<5120x768xf32, #tpu.memory_space<hbm>>) offsets(%arg5 : memref<64xi32, #tpu.memory_space<vmem>>) semaphore(%arg8 : memref<!tpu.dma_semaphore, #tpu.memory_space<semaphore_mem>>)
    %run_scoped3A_5 = arith.constant 1 : i32
    "tpu.region"() ({
      %run_scoped3A_14 = tpu.sem_alloc : memref<!tpu.dma_semaphore, #tpu.memory_space<semaphore_mem>>
      %dma_start3A_15 = tpu.memref_slice %arg2[%run_scoped3A_5, %mul3A_2] : memref<2x2048xi32, #tpu.memory_space<hbm>> -> memref<1x64xi32, #tpu.memory_space<hbm>>
      %dma_start3A_16 = tpu.memref_squeeze %dma_start3A_15 : memref<1x64xi32, #tpu.memory_space<hbm>> -> memref<64xi32, #tpu.memory_space<hbm>>
      %dma_start3A_17 = tpu.memref_slice %arg2[%run_scoped3A_5, %mul3A_2] : memref<2x2048xi32, #tpu.memory_space<hbm>> -> memref<1x64xi32, #tpu.memory_space<hbm>>
      %dma_start3A_18 = tpu.memref_squeeze %dma_start3A_17 : memref<1x64xi32, #tpu.memory_space<hbm>> -> memref<64xi32, #tpu.memory_space<hbm>>
      tpu.enqueue_dma source(%dma_start3A_18 : memref<64xi32, #tpu.memory_space<hbm>>) target(%arg6 : memref<64xi32, #tpu.memory_space<vmem>>) target_semaphore(%run_scoped3A_14 : memref<!tpu.dma_semaphore, #tpu.memory_space<semaphore_mem>>)
      %dma_wait3A_19 = tpu.memref_slice %arg2[%run_scoped3A_5, %mul3A_2] : memref<2x2048xi32, #tpu.memory_space<hbm>> -> memref<1x64xi32, #tpu.memory_space<hbm>>
      %dma_wait3A_20 = tpu.memref_squeeze %dma_wait3A_19 : memref<1x64xi32, #tpu.memory_space<hbm>> -> memref<64xi32, #tpu.memory_space<hbm>>
      %dma_wait3A_21 = tpu.memref_slice %arg2[%run_scoped3A_5, %mul3A_2] : memref<2x2048xi32, #tpu.memory_space<hbm>> -> memref<1x64xi32, #tpu.memory_space<hbm>>
      %dma_wait3A_22 = tpu.memref_squeeze %dma_wait3A_21 : memref<1x64xi32, #tpu.memory_space<hbm>> -> memref<64xi32, #tpu.memory_space<hbm>>
      tpu.wait_dma2 semaphore(%run_scoped3A_14 : memref<!tpu.dma_semaphore, #tpu.memory_space<semaphore_mem>>) src(%dma_wait3A_22 : memref<64xi32, #tpu.memory_space<hbm>>) dst(%arg6 : memref<64xi32, #tpu.memory_space<vmem>>)
      tpu.yield
    }) : () -> ()
    %dma_start3A_6 = arith.constant 0 : i32
    %dma_start3A_7 = arith.constant 0 : i32
    %dma_start3A_8 = tpu.memref_slice %arg4[%dma_start3A_6, %dma_start3A_7] : memref<5120x768xf32, #tpu.memory_space<hbm>> -> memref<5120x768xf32, #tpu.memory_space<hbm>>
    tpu.enqueue_indirect_dma source(%arg7 : memref<64x768xf32, #tpu.memory_space<vmem>>) target(%dma_start3A_8 : memref<5120x768xf32, #tpu.memory_space<hbm>>) offsets(%arg6 : memref<64xi32, #tpu.memory_space<vmem>>) semaphore(%arg8 : memref<!tpu.dma_semaphore, #tpu.memory_space<semaphore_mem>>)
    %dma_wait3A = arith.constant 0 : i32
    %dma_wait3A_9 = arith.constant 0 : i32
    %dma_wait3A_10 = tpu.memref_slice %arg4[%dma_wait3A, %dma_wait3A_9] : memref<5120x768xf32, #tpu.memory_space<hbm>> -> memref<5120x768xf32, #tpu.memory_space<hbm>>
    tpu.wait_indirect_dma semaphore(%arg8 : memref<!tpu.dma_semaphore, #tpu.memory_space<semaphore_mem>>) src(%arg7 : memref<64x768xf32, #tpu.memory_space<vmem>>) dst(%dma_wait3A_10 : memref<5120x768xf32, #tpu.memory_space<hbm>>)
    %dma_wait3A_11 = arith.constant 0 : i32
    %dma_wait3A_12 = arith.constant 0 : i32
    %dma_wait3A_13 = tpu.memref_slice %arg4[%dma_wait3A_11, %dma_wait3A_12] : memref<5120x768xf32, #tpu.memory_space<hbm>> -> memref<5120x768xf32, #tpu.memory_space<hbm>>
    tpu.wait_indirect_dma semaphore(%arg8 : memref<!tpu.dma_semaphore, #tpu.memory_space<semaphore_mem>>) src(%arg7 : memref<64x768xf32, #tpu.memory_space<vmem>>) dst(%dma_wait3A_13 : memref<5120x768xf32, #tpu.memory_space<hbm>>)
    return
  }
}

module attributes {stable_mosaic.version = 14 : i64} {
  func.func @_meta_body(%arg0: memref<32x128xi32, #tpu.memory_space<vmem>>, %arg1: memref<32x128xi32, #tpu.memory_space<vmem>>, %arg2: memref<1x128xi32, #tpu.memory_space<vmem>>) attributes {dimension_semantics = [], scalar_prefetch = 0 : i64, scratch_operands = 0 : i64, tpu.core_type = #tpu.core_type<tc>} {
    %get3A = arith.constant 0 : index
    %get3A_0 = arith.constant 0 : index
    %get3A_1 = vector.load %arg0[%get3A, %get3A_0] : memref<32x128xi32, #tpu.memory_space<vmem>>, vector<32x128xi32>
    %iota3A = tpu.iota {dimensions = array<i32: 0>} : vector<256x128xi32>
    %jit3A = arith.constant 32 : i32
    %div3A = vector.broadcast %jit3A : i32 to vector<256x128xi32>
    %div3A_2 = arith.divsi %iota3A, %div3A : vector<256x128xi32>
    %sign3A = arith.constant 0 : i32
    %sign3A_3 = vector.broadcast %sign3A : i32 to vector<256x128xi32>
    %sign3A_4 = arith.cmpi sgt, %iota3A, %sign3A_3 : vector<256x128xi32>
    %sign3A_5 = arith.extui %sign3A_4 : vector<256x128xi1> to vector<256x128xi32>
    %sign3A_6 = arith.constant 0 : i32
    %sign3A_7 = vector.broadcast %sign3A_6 : i32 to vector<256x128xi32>
    %sign3A_8 = arith.cmpi slt, %iota3A, %sign3A_7 : vector<256x128xi32>
    %sign3A_9 = arith.extui %sign3A_8 : vector<256x128xi1> to vector<256x128xi32>
    %sign3A_10 = arith.subi %sign3A_5, %sign3A_9 : vector<256x128xi32>
    %sign3A_11 = arith.constant 0 : i32
    %sign3A_12 = arith.cmpi sgt, %jit3A, %sign3A_11 : i32
    %sign3A_13 = arith.extui %sign3A_12 : i1 to i32
    %sign3A_14 = arith.constant 0 : i32
    %sign3A_15 = arith.cmpi slt, %jit3A, %sign3A_14 : i32
    %sign3A_16 = arith.extui %sign3A_15 : i1 to i32
    %sign3A_17 = arith.subi %sign3A_13, %sign3A_16 : i32
    %ne3A = vector.broadcast %sign3A_17 : i32 to vector<256x128xi32>
    %ne3A_18 = arith.cmpi ne, %sign3A_10, %ne3A : vector<256x128xi32>
    %rem3A = vector.broadcast %jit3A : i32 to vector<256x128xi32>
    %rem3A_19 = arith.remsi %iota3A, %rem3A : vector<256x128xi32>
    %ne3A_20 = arith.constant 0 : i32
    %ne3A_21 = vector.broadcast %ne3A_20 : i32 to vector<256x128xi32>
    %ne3A_22 = arith.cmpi ne, %rem3A_19, %ne3A_21 : vector<256x128xi32>
    %and3A = arith.andi %ne3A_18, %ne3A_22 : vector<256x128xi1>
    %sub3A = arith.constant 1 : i32
    %sub3A_23 = vector.broadcast %sub3A : i32 to vector<256x128xi32>
    %sub3A_24 = arith.subi %div3A_2, %sub3A_23 : vector<256x128xi32>
    %select_n3A = arith.select %and3A, %sub3A_24, %div3A_2 : vector<256x128xi1>, vector<256x128xi32>
    %concatenate3A = tpu.concatenate %get3A_1, %get3A_1, %get3A_1, %get3A_1, %get3A_1, %get3A_1, %get3A_1, %get3A_1 in 0 : vector<32x128xi32>, vector<32x128xi32>, vector<32x128xi32>, vector<32x128xi32>, vector<32x128xi32>, vector<32x128xi32>, vector<32x128xi32>, vector<32x128xi32> -> vector<256x128xi32>
    %eq3A = arith.cmpi eq, %concatenate3A, %select_n3A : vector<256x128xi32>
    %convert_element_type3A = arith.extui %eq3A : vector<256x128xi1> to vector<256x128xi32>
    %convert_element_type3A_25 = arith.sitofp %convert_element_type3A : vector<256x128xi32> to vector<256x128xf32>
    %iota3A_26 = tpu.iota {dimensions = array<i32: 0>} : vector<128x128xi32>
    %iota3A_27 = tpu.iota {dimensions = array<i32: 1>} : vector<128x128xi32>
    %le3A = arith.cmpi sle, %iota3A_26, %iota3A_27 : vector<128x128xi32>
    %convert_element_type3A_28 = arith.extui %le3A : vector<128x128xi1> to vector<128x128xi32>
    %convert_element_type3A_29 = arith.sitofp %convert_element_type3A_28 : vector<128x128xi32> to vector<128x128xf32>
    %dot_general3A = arith.constant dense<0.000000e+00> : vector<256x128xf32>
    %dot_general3A_30 = tpu.matmul %convert_element_type3A_25, %convert_element_type3A_29, %dot_general3A {dimension_numbers = #tpu.dot_dimension_numbers<[1], [0], [0], [1], [0, 0, 1, 1], [], []>, transpose_lhs_hint = false} : vector<256x128xf32>, vector<128x128xf32>, vector<256x128xf32> -> vector<256x128xf32>
    %slice3A = vector.extract_strided_slice %dot_general3A_30 {offsets = [0, 127], sizes = [256, 1], strides = [1, 1]} : vector<256x128xf32> to vector<256x1xf32>
    %iota3A_31 = tpu.iota {dimensions = array<i32: 0>} : vector<256x256xi32>
    %iota3A_32 = tpu.iota {dimensions = array<i32: 1>} : vector<256x256xi32>
    %jit3A_33 = arith.constant 32 : i32
    %div3A_34 = vector.broadcast %jit3A_33 : i32 to vector<256x256xi32>
    %div3A_35 = arith.divsi %iota3A_31, %div3A_34 : vector<256x256xi32>
    %sign3A_36 = arith.constant 0 : i32
    %sign3A_37 = vector.broadcast %sign3A_36 : i32 to vector<256x256xi32>
    %sign3A_38 = arith.cmpi sgt, %iota3A_31, %sign3A_37 : vector<256x256xi32>
    %sign3A_39 = arith.extui %sign3A_38 : vector<256x256xi1> to vector<256x256xi32>
    %sign3A_40 = arith.constant 0 : i32
    %sign3A_41 = vector.broadcast %sign3A_40 : i32 to vector<256x256xi32>
    %sign3A_42 = arith.cmpi slt, %iota3A_31, %sign3A_41 : vector<256x256xi32>
    %sign3A_43 = arith.extui %sign3A_42 : vector<256x256xi1> to vector<256x256xi32>
    %sign3A_44 = arith.subi %sign3A_39, %sign3A_43 : vector<256x256xi32>
    %sign3A_45 = arith.constant 0 : i32
    %sign3A_46 = arith.cmpi sgt, %jit3A_33, %sign3A_45 : i32
    %sign3A_47 = arith.extui %sign3A_46 : i1 to i32
    %sign3A_48 = arith.constant 0 : i32
    %sign3A_49 = arith.cmpi slt, %jit3A_33, %sign3A_48 : i32
    %sign3A_50 = arith.extui %sign3A_49 : i1 to i32
    %sign3A_51 = arith.subi %sign3A_47, %sign3A_50 : i32
    %ne3A_52 = vector.broadcast %sign3A_51 : i32 to vector<256x256xi32>
    %ne3A_53 = arith.cmpi ne, %sign3A_44, %ne3A_52 : vector<256x256xi32>
    %rem3A_54 = vector.broadcast %jit3A_33 : i32 to vector<256x256xi32>
    %rem3A_55 = arith.remsi %iota3A_31, %rem3A_54 : vector<256x256xi32>
    %ne3A_56 = arith.constant 0 : i32
    %ne3A_57 = vector.broadcast %ne3A_56 : i32 to vector<256x256xi32>
    %ne3A_58 = arith.cmpi ne, %rem3A_55, %ne3A_57 : vector<256x256xi32>
    %and3A_59 = arith.andi %ne3A_53, %ne3A_58 : vector<256x256xi1>
    %sub3A_60 = arith.constant 1 : i32
    %sub3A_61 = vector.broadcast %sub3A_60 : i32 to vector<256x256xi32>
    %sub3A_62 = arith.subi %div3A_35, %sub3A_61 : vector<256x256xi32>
    %select_n3A_63 = arith.select %and3A_59, %sub3A_62, %div3A_35 : vector<256x256xi1>, vector<256x256xi32>
    %jit3A_64 = arith.constant 32 : i32
    %div3A_65 = vector.broadcast %jit3A_64 : i32 to vector<256x256xi32>
    %div3A_66 = arith.divsi %iota3A_32, %div3A_65 : vector<256x256xi32>
    %sign3A_67 = arith.constant 0 : i32
    %sign3A_68 = vector.broadcast %sign3A_67 : i32 to vector<256x256xi32>
    %sign3A_69 = arith.cmpi sgt, %iota3A_32, %sign3A_68 : vector<256x256xi32>
    %sign3A_70 = arith.extui %sign3A_69 : vector<256x256xi1> to vector<256x256xi32>
    %sign3A_71 = arith.constant 0 : i32
    %sign3A_72 = vector.broadcast %sign3A_71 : i32 to vector<256x256xi32>
    %sign3A_73 = arith.cmpi slt, %iota3A_32, %sign3A_72 : vector<256x256xi32>
    %sign3A_74 = arith.extui %sign3A_73 : vector<256x256xi1> to vector<256x256xi32>
    %sign3A_75 = arith.subi %sign3A_70, %sign3A_74 : vector<256x256xi32>
    %sign3A_76 = arith.constant 0 : i32
    %sign3A_77 = arith.cmpi sgt, %jit3A_64, %sign3A_76 : i32
    %sign3A_78 = arith.extui %sign3A_77 : i1 to i32
    %sign3A_79 = arith.constant 0 : i32
    %sign3A_80 = arith.cmpi slt, %jit3A_64, %sign3A_79 : i32
    %sign3A_81 = arith.extui %sign3A_80 : i1 to i32
    %sign3A_82 = arith.subi %sign3A_78, %sign3A_81 : i32
    %ne3A_83 = vector.broadcast %sign3A_82 : i32 to vector<256x256xi32>
    %ne3A_84 = arith.cmpi ne, %sign3A_75, %ne3A_83 : vector<256x256xi32>
    %rem3A_85 = vector.broadcast %jit3A_64 : i32 to vector<256x256xi32>
    %rem3A_86 = arith.remsi %iota3A_32, %rem3A_85 : vector<256x256xi32>
    %ne3A_87 = arith.constant 0 : i32
    %ne3A_88 = vector.broadcast %ne3A_87 : i32 to vector<256x256xi32>
    %ne3A_89 = arith.cmpi ne, %rem3A_86, %ne3A_88 : vector<256x256xi32>
    %and3A_90 = arith.andi %ne3A_84, %ne3A_89 : vector<256x256xi1>
    %sub3A_91 = arith.constant 1 : i32
    %sub3A_92 = vector.broadcast %sub3A_91 : i32 to vector<256x256xi32>
    %sub3A_93 = arith.subi %div3A_66, %sub3A_92 : vector<256x256xi32>
    %select_n3A_94 = arith.select %and3A_90, %sub3A_93, %div3A_66 : vector<256x256xi1>, vector<256x256xi32>
    %eq3A_95 = arith.cmpi eq, %select_n3A_63, %select_n3A_94 : vector<256x256xi32>
    %jit3A_96 = arith.constant 32 : i32
    %eq3A_97 = arith.constant 0 : i32
    %eq3A_98 = arith.cmpi eq, %jit3A_96, %eq3A_97 : i32
    %jit3A_99 = arith.constant 1 : i32
    %select_n3A_100 = arith.select %eq3A_98, %jit3A_99, %jit3A_96 : i32
    %rem3A_101 = vector.broadcast %select_n3A_100 : i32 to vector<256x256xi32>
    %rem3A_102 = arith.remsi %iota3A_32, %rem3A_101 : vector<256x256xi32>
    %ne3A_103 = arith.constant 0 : i32
    %ne3A_104 = vector.broadcast %ne3A_103 : i32 to vector<256x256xi32>
    %ne3A_105 = arith.cmpi ne, %rem3A_102, %ne3A_104 : vector<256x256xi32>
    %lt3A = arith.constant 0 : i32
    %lt3A_106 = vector.broadcast %lt3A : i32 to vector<256x256xi32>
    %lt3A_107 = arith.cmpi slt, %rem3A_102, %lt3A_106 : vector<256x256xi32>
    %lt3A_108 = arith.constant 0 : i32
    %lt3A_109 = arith.cmpi slt, %select_n3A_100, %lt3A_108 : i32
    %ne3A_110 = vector.broadcast %lt3A_109 : i1 to vector<256x256xi1>
    %ne3A_111 = vector.broadcast %ne3A_110 : vector<256x256xi1> to vector<256x256xi1>
    %ne3A_112 = arith.xori %lt3A_107, %ne3A_111 : vector<256x256xi1>
    %and3A_113 = arith.andi %ne3A_112, %ne3A_105 : vector<256x256xi1>
    %add3A = vector.broadcast %select_n3A_100 : i32 to vector<256x256xi32>
    %add3A_114 = arith.addi %rem3A_102, %add3A : vector<256x256xi32>
    %select_n3A_115 = arith.select %and3A_113, %add3A_114, %rem3A_102 : vector<256x256xi1>, vector<256x256xi32>
    %jit3A_116 = arith.constant 32 : i32
    %eq3A_117 = arith.constant 0 : i32
    %eq3A_118 = arith.cmpi eq, %jit3A_116, %eq3A_117 : i32
    %jit3A_119 = arith.constant 1 : i32
    %select_n3A_120 = arith.select %eq3A_118, %jit3A_119, %jit3A_116 : i32
    %rem3A_121 = vector.broadcast %select_n3A_120 : i32 to vector<256x256xi32>
    %rem3A_122 = arith.remsi %iota3A_31, %rem3A_121 : vector<256x256xi32>
    %ne3A_123 = arith.constant 0 : i32
    %ne3A_124 = vector.broadcast %ne3A_123 : i32 to vector<256x256xi32>
    %ne3A_125 = arith.cmpi ne, %rem3A_122, %ne3A_124 : vector<256x256xi32>
    %lt3A_126 = arith.constant 0 : i32
    %lt3A_127 = vector.broadcast %lt3A_126 : i32 to vector<256x256xi32>
    %lt3A_128 = arith.cmpi slt, %rem3A_122, %lt3A_127 : vector<256x256xi32>
    %lt3A_129 = arith.constant 0 : i32
    %lt3A_130 = arith.cmpi slt, %select_n3A_120, %lt3A_129 : i32
    %ne3A_131 = vector.broadcast %lt3A_130 : i1 to vector<256x256xi1>
    %ne3A_132 = vector.broadcast %ne3A_131 : vector<256x256xi1> to vector<256x256xi1>
    %ne3A_133 = arith.xori %lt3A_128, %ne3A_132 : vector<256x256xi1>
    %and3A_134 = arith.andi %ne3A_133, %ne3A_125 : vector<256x256xi1>
    %add3A_135 = vector.broadcast %select_n3A_120 : i32 to vector<256x256xi32>
    %add3A_136 = arith.addi %rem3A_122, %add3A_135 : vector<256x256xi32>
    %select_n3A_137 = arith.select %and3A_134, %add3A_136, %rem3A_122 : vector<256x256xi1>, vector<256x256xi32>
    %lt3A_138 = arith.cmpi slt, %select_n3A_115, %select_n3A_137 : vector<256x256xi32>
    %and3A_139 = arith.andi %eq3A_95, %lt3A_138 : vector<256x256xi1>
    %convert_element_type3A_140 = arith.extui %and3A_139 : vector<256x256xi1> to vector<256x256xi32>
    %convert_element_type3A_141 = arith.sitofp %convert_element_type3A_140 : vector<256x256xi32> to vector<256x256xf32>
    %dot_general3A_142 = arith.constant dense<0.000000e+00> : vector<256x1xf32>
    %dot_general3A_143 = tpu.matmul %convert_element_type3A_141, %slice3A, %dot_general3A_142 {dimension_numbers = #tpu.dot_dimension_numbers<[1], [0], [0], [1], [0, 0, 1, 1], [], []>, transpose_lhs_hint = false} : vector<256x256xf32>, vector<256x1xf32>, vector<256x1xf32> -> vector<256x1xf32>
    %convert_element_type3A_144 = arith.extui %eq3A_95 : vector<256x256xi1> to vector<256x256xi32>
    %convert_element_type3A_145 = arith.sitofp %convert_element_type3A_144 : vector<256x256xi32> to vector<256x256xf32>
    %dot_general3A_146 = arith.constant dense<0.000000e+00> : vector<256x1xf32>
    %dot_general3A_147 = tpu.matmul %convert_element_type3A_145, %slice3A, %dot_general3A_146 {dimension_numbers = #tpu.dot_dimension_numbers<[1], [0], [0], [1], [0, 0, 1, 1], [], []>, transpose_lhs_hint = false} : vector<256x256xf32>, vector<256x1xf32>, vector<256x1xf32> -> vector<256x1xf32>
    %add3A_148 = arith.constant 1.270000e+02 : f32
    %add3A_149 = vector.broadcast %add3A_148 : f32 to vector<256x1xf32>
    %add3A_150 = arith.addf %dot_general3A_147, %add3A_149 : vector<256x1xf32>
    %div3A_151 = arith.constant 1.280000e+02 : f32
    %div3A_152 = vector.broadcast %div3A_151 : f32 to vector<256x1xf32>
    %div3A_153 = arith.divf %add3A_150, %div3A_152 : vector<256x1xf32>
    %floor3A = math.floor %div3A_153 : vector<256x1xf32>
    %mul3A = arith.constant 1.280000e+02 : f32
    %mul3A_154 = vector.broadcast %mul3A : f32 to vector<256x1xf32>
    %mul3A_155 = arith.mulf %floor3A, %mul3A_154 : vector<256x1xf32>
    %jit3A_156 = arith.constant 32 : i32
    %eq3A_157 = arith.constant 0 : i32
    %eq3A_158 = arith.cmpi eq, %jit3A_156, %eq3A_157 : i32
    %jit3A_159 = arith.constant 1 : i32
    %select_n3A_160 = arith.select %eq3A_158, %jit3A_159, %jit3A_156 : i32
    %rem3A_161 = vector.broadcast %select_n3A_160 : i32 to vector<256x256xi32>
    %rem3A_162 = arith.remsi %iota3A_32, %rem3A_161 : vector<256x256xi32>
    %ne3A_163 = arith.constant 0 : i32
    %ne3A_164 = vector.broadcast %ne3A_163 : i32 to vector<256x256xi32>
    %ne3A_165 = arith.cmpi ne, %rem3A_162, %ne3A_164 : vector<256x256xi32>
    %lt3A_166 = arith.constant 0 : i32
    %lt3A_167 = vector.broadcast %lt3A_166 : i32 to vector<256x256xi32>
    %lt3A_168 = arith.cmpi slt, %rem3A_162, %lt3A_167 : vector<256x256xi32>
    %lt3A_169 = arith.constant 0 : i32
    %lt3A_170 = arith.cmpi slt, %select_n3A_160, %lt3A_169 : i32
    %ne3A_171 = vector.broadcast %lt3A_170 : i1 to vector<256x256xi1>
    %ne3A_172 = vector.broadcast %ne3A_171 : vector<256x256xi1> to vector<256x256xi1>
    %ne3A_173 = arith.xori %lt3A_168, %ne3A_172 : vector<256x256xi1>
    %and3A_174 = arith.andi %ne3A_173, %ne3A_165 : vector<256x256xi1>
    %add3A_175 = vector.broadcast %select_n3A_160 : i32 to vector<256x256xi32>
    %add3A_176 = arith.addi %rem3A_162, %add3A_175 : vector<256x256xi32>
    %select_n3A_177 = arith.select %and3A_174, %add3A_176, %rem3A_162 : vector<256x256xi1>, vector<256x256xi32>
    %eq3A_178 = arith.constant 0 : i32
    %eq3A_179 = vector.broadcast %eq3A_178 : i32 to vector<256x256xi32>
    %eq3A_180 = arith.cmpi eq, %select_n3A_177, %eq3A_179 : vector<256x256xi32>
    %jit3A_181 = arith.constant 32 : i32
    %div3A_182 = vector.broadcast %jit3A_181 : i32 to vector<256x256xi32>
    %div3A_183 = arith.divsi %iota3A_32, %div3A_182 : vector<256x256xi32>
    %sign3A_184 = arith.constant 0 : i32
    %sign3A_185 = vector.broadcast %sign3A_184 : i32 to vector<256x256xi32>
    %sign3A_186 = arith.cmpi sgt, %iota3A_32, %sign3A_185 : vector<256x256xi32>
    %sign3A_187 = arith.extui %sign3A_186 : vector<256x256xi1> to vector<256x256xi32>
    %sign3A_188 = arith.constant 0 : i32
    %sign3A_189 = vector.broadcast %sign3A_188 : i32 to vector<256x256xi32>
    %sign3A_190 = arith.cmpi slt, %iota3A_32, %sign3A_189 : vector<256x256xi32>
    %sign3A_191 = arith.extui %sign3A_190 : vector<256x256xi1> to vector<256x256xi32>
    %sign3A_192 = arith.subi %sign3A_187, %sign3A_191 : vector<256x256xi32>
    %sign3A_193 = arith.constant 0 : i32
    %sign3A_194 = arith.cmpi sgt, %jit3A_181, %sign3A_193 : i32
    %sign3A_195 = arith.extui %sign3A_194 : i1 to i32
    %sign3A_196 = arith.constant 0 : i32
    %sign3A_197 = arith.cmpi slt, %jit3A_181, %sign3A_196 : i32
    %sign3A_198 = arith.extui %sign3A_197 : i1 to i32
    %sign3A_199 = arith.subi %sign3A_195, %sign3A_198 : i32
    %ne3A_200 = vector.broadcast %sign3A_199 : i32 to vector<256x256xi32>
    %ne3A_201 = arith.cmpi ne, %sign3A_192, %ne3A_200 : vector<256x256xi32>
    %rem3A_202 = vector.broadcast %jit3A_181 : i32 to vector<256x256xi32>
    %rem3A_203 = arith.remsi %iota3A_32, %rem3A_202 : vector<256x256xi32>
    %ne3A_204 = arith.constant 0 : i32
    %ne3A_205 = vector.broadcast %ne3A_204 : i32 to vector<256x256xi32>
    %ne3A_206 = arith.cmpi ne, %rem3A_203, %ne3A_205 : vector<256x256xi32>
    %and3A_207 = arith.andi %ne3A_201, %ne3A_206 : vector<256x256xi1>
    %sub3A_208 = arith.constant 1 : i32
    %sub3A_209 = vector.broadcast %sub3A_208 : i32 to vector<256x256xi32>
    %sub3A_210 = arith.subi %div3A_183, %sub3A_209 : vector<256x256xi32>
    %select_n3A_211 = arith.select %and3A_207, %sub3A_210, %div3A_183 : vector<256x256xi1>, vector<256x256xi32>
    %jit3A_212 = arith.constant 32 : i32
    %div3A_213 = vector.broadcast %jit3A_212 : i32 to vector<256x256xi32>
    %div3A_214 = arith.divsi %iota3A_31, %div3A_213 : vector<256x256xi32>
    %sign3A_215 = arith.constant 0 : i32
    %sign3A_216 = vector.broadcast %sign3A_215 : i32 to vector<256x256xi32>
    %sign3A_217 = arith.cmpi sgt, %iota3A_31, %sign3A_216 : vector<256x256xi32>
    %sign3A_218 = arith.extui %sign3A_217 : vector<256x256xi1> to vector<256x256xi32>
    %sign3A_219 = arith.constant 0 : i32
    %sign3A_220 = vector.broadcast %sign3A_219 : i32 to vector<256x256xi32>
    %sign3A_221 = arith.cmpi slt, %iota3A_31, %sign3A_220 : vector<256x256xi32>
    %sign3A_222 = arith.extui %sign3A_221 : vector<256x256xi1> to vector<256x256xi32>
    %sign3A_223 = arith.subi %sign3A_218, %sign3A_222 : vector<256x256xi32>
    %sign3A_224 = arith.constant 0 : i32
    %sign3A_225 = arith.cmpi sgt, %jit3A_212, %sign3A_224 : i32
    %sign3A_226 = arith.extui %sign3A_225 : i1 to i32
    %sign3A_227 = arith.constant 0 : i32
    %sign3A_228 = arith.cmpi slt, %jit3A_212, %sign3A_227 : i32
    %sign3A_229 = arith.extui %sign3A_228 : i1 to i32
    %sign3A_230 = arith.subi %sign3A_226, %sign3A_229 : i32
    %ne3A_231 = vector.broadcast %sign3A_230 : i32 to vector<256x256xi32>
    %ne3A_232 = arith.cmpi ne, %sign3A_223, %ne3A_231 : vector<256x256xi32>
    %rem3A_233 = vector.broadcast %jit3A_212 : i32 to vector<256x256xi32>
    %rem3A_234 = arith.remsi %iota3A_31, %rem3A_233 : vector<256x256xi32>
    %ne3A_235 = arith.constant 0 : i32
    %ne3A_236 = vector.broadcast %ne3A_235 : i32 to vector<256x256xi32>
    %ne3A_237 = arith.cmpi ne, %rem3A_234, %ne3A_236 : vector<256x256xi32>
    %and3A_238 = arith.andi %ne3A_232, %ne3A_237 : vector<256x256xi1>
    %sub3A_239 = arith.constant 1 : i32
    %sub3A_240 = vector.broadcast %sub3A_239 : i32 to vector<256x256xi32>
    %sub3A_241 = arith.subi %div3A_214, %sub3A_240 : vector<256x256xi32>
    %select_n3A_242 = arith.select %and3A_238, %sub3A_241, %div3A_214 : vector<256x256xi1>, vector<256x256xi32>
    %lt3A_243 = arith.cmpi slt, %select_n3A_211, %select_n3A_242 : vector<256x256xi32>
    %and3A_244 = arith.andi %eq3A_180, %lt3A_243 : vector<256x256xi1>
    %convert_element_type3A_245 = arith.extui %and3A_244 : vector<256x256xi1> to vector<256x256xi32>
    %convert_element_type3A_246 = arith.sitofp %convert_element_type3A_245 : vector<256x256xi32> to vector<256x256xf32>
    %dot_general3A_247 = arith.constant dense<0.000000e+00> : vector<256x1xf32>
    %dot_general3A_248 = tpu.matmul %convert_element_type3A_246, %mul3A_155, %dot_general3A_247 {dimension_numbers = #tpu.dot_dimension_numbers<[1], [0], [0], [1], [0, 0, 1, 1], [], []>, transpose_lhs_hint = false} : vector<256x256xf32>, vector<256x1xf32>, vector<256x1xf32> -> vector<256x1xf32>
    %add3A_249 = vector.broadcast %dot_general3A_143 : vector<256x1xf32> to vector<256x128xf32>
    %add3A_250 = arith.addf %dot_general3A_30, %add3A_249 : vector<256x128xf32>
    %add3A_251 = vector.broadcast %dot_general3A_248 : vector<256x1xf32> to vector<256x128xf32>
    %add3A_252 = arith.addf %add3A_250, %add3A_251 : vector<256x128xf32>
    %sub3A_253 = arith.constant 1.000000e+00 : f32
    %sub3A_254 = vector.broadcast %sub3A_253 : f32 to vector<256x128xf32>
    %sub3A_255 = arith.subf %add3A_252, %sub3A_254 : vector<256x128xf32>
    %mul3A_256 = arith.mulf %sub3A_255, %convert_element_type3A_25 : vector<256x128xf32>
    %iota3A_257 = tpu.iota {dimensions = array<i32: 0>} : vector<32x256xi32>
    %iota3A_258 = tpu.iota {dimensions = array<i32: 1>} : vector<32x256xi32>
    %jit3A_259 = arith.constant 32 : i32
    %eq3A_260 = arith.constant 0 : i32
    %eq3A_261 = arith.cmpi eq, %jit3A_259, %eq3A_260 : i32
    %jit3A_262 = arith.constant 1 : i32
    %select_n3A_263 = arith.select %eq3A_261, %jit3A_262, %jit3A_259 : i32
    %rem3A_264 = vector.broadcast %select_n3A_263 : i32 to vector<32x256xi32>
    %rem3A_265 = arith.remsi %iota3A_258, %rem3A_264 : vector<32x256xi32>
    %ne3A_266 = arith.constant 0 : i32
    %ne3A_267 = vector.broadcast %ne3A_266 : i32 to vector<32x256xi32>
    %ne3A_268 = arith.cmpi ne, %rem3A_265, %ne3A_267 : vector<32x256xi32>
    %lt3A_269 = arith.constant 0 : i32
    %lt3A_270 = vector.broadcast %lt3A_269 : i32 to vector<32x256xi32>
    %lt3A_271 = arith.cmpi slt, %rem3A_265, %lt3A_270 : vector<32x256xi32>
    %lt3A_272 = arith.constant 0 : i32
    %lt3A_273 = arith.cmpi slt, %select_n3A_263, %lt3A_272 : i32
    %ne3A_274 = vector.broadcast %lt3A_273 : i1 to vector<32x256xi1>
    %ne3A_275 = vector.broadcast %ne3A_274 : vector<32x256xi1> to vector<32x256xi1>
    %ne3A_276 = arith.xori %lt3A_271, %ne3A_275 : vector<32x256xi1>
    %and3A_277 = arith.andi %ne3A_276, %ne3A_268 : vector<32x256xi1>
    %add3A_278 = vector.broadcast %select_n3A_263 : i32 to vector<32x256xi32>
    %add3A_279 = arith.addi %rem3A_265, %add3A_278 : vector<32x256xi32>
    %select_n3A_280 = arith.select %and3A_277, %add3A_279, %rem3A_265 : vector<32x256xi1>, vector<32x256xi32>
    %eq3A_281 = arith.cmpi eq, %select_n3A_280, %iota3A_257 : vector<32x256xi32>
    %convert_element_type3A_282 = arith.extui %eq3A_281 : vector<32x256xi1> to vector<32x256xi32>
    %convert_element_type3A_283 = arith.sitofp %convert_element_type3A_282 : vector<32x256xi32> to vector<32x256xf32>
    %dot_general3A_284 = arith.constant dense<0.000000e+00> : vector<32x128xf32>
    %dot_general3A_285 = tpu.matmul %convert_element_type3A_283, %mul3A_256, %dot_general3A_284 {dimension_numbers = #tpu.dot_dimension_numbers<[1], [0], [0], [1], [0, 0, 1, 1], [], []>, precision = #tpu.contract_precision<fp32>, transpose_lhs_hint = false} : vector<32x256xf32>, vector<256x128xf32>, vector<32x128xf32> -> vector<32x128xf32>
    %convert_element_type3A_286 = arith.fptosi %dot_general3A_285 : vector<32x128xf32> to vector<32x128xi32>
    %swap3A = arith.constant 0 : index
    %swap3A_287 = arith.constant 0 : index
    %swap3A_288 = vector.load %arg1[%swap3A, %swap3A_287] : memref<32x128xi32, #tpu.memory_space<vmem>>, vector<32x128xi32>
    tpu.vector_store %arg1[%swap3A, %swap3A_287], %convert_element_type3A_286 {strides = array<i32>} : memref<32x128xi32, #tpu.memory_space<vmem>>, vector<32x128xi32>,
    %add3A_289 = arith.addf %dot_general3A_248, %mul3A_155 : vector<256x1xf32>
    %iota3A_290 = tpu.iota {dimensions = array<i32: 1>} : vector<256x128xi32>
    %mul3A_291 = arith.constant 128 : i32
    %mul3A_292 = vector.broadcast %mul3A_291 : i32 to vector<256x128xi32>
    %mul3A_293 = arith.muli %iota3A_290, %mul3A_292 : vector<256x128xi32>
    %convert_element_type3A_294 = arith.sitofp %mul3A_293 : vector<256x128xi32> to vector<256x128xf32>
    %iota3A_295 = tpu.iota {dimensions = array<i32: 0>} : vector<256x128xi32>
    %jit3A_296 = arith.constant 32 : i32
    %eq3A_297 = arith.constant 0 : i32
    %eq3A_298 = arith.cmpi eq, %jit3A_296, %eq3A_297 : i32
    %jit3A_299 = arith.constant 1 : i32
    %select_n3A_300 = arith.select %eq3A_298, %jit3A_299, %jit3A_296 : i32
    %rem3A_301 = vector.broadcast %select_n3A_300 : i32 to vector<256x128xi32>
    %rem3A_302 = arith.remsi %iota3A_295, %rem3A_301 : vector<256x128xi32>
    %ne3A_303 = arith.constant 0 : i32
    %ne3A_304 = vector.broadcast %ne3A_303 : i32 to vector<256x128xi32>
    %ne3A_305 = arith.cmpi ne, %rem3A_302, %ne3A_304 : vector<256x128xi32>
    %lt3A_306 = arith.constant 0 : i32
    %lt3A_307 = vector.broadcast %lt3A_306 : i32 to vector<256x128xi32>
    %lt3A_308 = arith.cmpi slt, %rem3A_302, %lt3A_307 : vector<256x128xi32>
    %lt3A_309 = arith.constant 0 : i32
    %lt3A_310 = arith.cmpi slt, %select_n3A_300, %lt3A_309 : i32
    %ne3A_311 = vector.broadcast %lt3A_310 : i1 to vector<256x128xi1>
    %ne3A_312 = vector.broadcast %ne3A_311 : vector<256x128xi1> to vector<256x128xi1>
    %ne3A_313 = arith.xori %lt3A_308, %ne3A_312 : vector<256x128xi1>
    %and3A_314 = arith.andi %ne3A_313, %ne3A_305 : vector<256x128xi1>
    %add3A_315 = vector.broadcast %select_n3A_300 : i32 to vector<256x128xi32>
    %add3A_316 = arith.addi %rem3A_302, %add3A_315 : vector<256x128xi32>
    %select_n3A_317 = arith.select %and3A_314, %add3A_316, %rem3A_302 : vector<256x128xi1>, vector<256x128xi32>
    %eq3A_318 = arith.constant 0 : i32
    %eq3A_319 = vector.broadcast %eq3A_318 : i32 to vector<256x128xi32>
    %eq3A_320 = arith.cmpi eq, %select_n3A_317, %eq3A_319 : vector<256x128xi32>
    %ge3A = vector.broadcast %add3A_289 : vector<256x1xf32> to vector<256x128xf32>
    %ge3A_321 = arith.cmpf oge, %convert_element_type3A_294, %ge3A : vector<256x128xf32>
    %and3A_322 = arith.andi %eq3A_320, %ge3A_321 : vector<256x128xi1>
    %jit3A_323 = arith.constant 1.000000e+00 : f32
    %jit3A_324 = arith.constant 0.000000e+00 : f32
    %broadcast_in_dim3A = vector.broadcast %jit3A_323 : f32 to vector<256x128xf32>
    %broadcast_in_dim3A_325 = vector.broadcast %jit3A_324 : f32 to vector<256x128xf32>
    %select_n3A_326 = arith.select %and3A_322, %broadcast_in_dim3A, %broadcast_in_dim3A_325 : vector<256x128xi1>, vector<256x128xf32>
    %reduce_sum3A = arith.constant dense<0.000000e+00> : vector<128xf32>
    %reduce_sum3A_327 = vector.multi_reduction <add>, %select_n3A_326, %reduce_sum3A [0] : vector<256x128xf32> to vector<128xf32>
    %min3A = arith.constant 7.000000e+00 : f32
    %min3A_328 = vector.broadcast %min3A : f32 to vector<128xf32>
    %min3A_329 = arith.minimumf %reduce_sum3A_327, %min3A_328 : vector<128xf32>
    %broadcast_in_dim3A_330 = vector.shape_cast %min3A_329 : vector<128xf32> to vector<1x128xf32>
    %convert_element_type3A_331 = arith.fptosi %broadcast_in_dim3A_330 : vector<1x128xf32> to vector<1x128xi32>
    %swap3A_332 = arith.constant 0 : index
    %swap3A_333 = arith.constant 0 : index
    %swap3A_334 = vector.load %arg2[%swap3A_332, %swap3A_333] : memref<1x128xi32, #tpu.memory_space<vmem>>, vector<1x128xi32>
    tpu.vector_store %arg2[%swap3A_332, %swap3A_333], %convert_element_type3A_331 {strides = array<i32>} : memref<1x128xi32, #tpu.memory_space<vmem>>, vector<1x128xi32>,
    return
  }
}

module attributes {stable_mosaic.version = 14 : i64} {
  func.func @_gemm_tile(%arg0: i32, %arg1: memref<40xi32, #tpu.memory_space<smem>>, %arg2: memref<128x768xf32, #tpu.memory_space<vmem>>, %arg3: memref<1x768x3072xf32, #tpu.memory_space<vmem>>, %arg4: memref<1x1536x768xf32, #tpu.memory_space<vmem>>, %arg5: memref<128x768xf32, #tpu.memory_space<vmem>>) attributes {dimension_semantics = [#tpu.dimension_semantics<arbitrary>], iteration_bounds = array<i64: 40>, scalar_prefetch = 1 : i64, scratch_operands = 0 : i64, tpu.core_type = #tpu.core_type<tc>, window_params = [{transform_indices = @transform_0, window_bounds = array<i64: 128, 768>}, {transform_indices = @transform_1, window_bounds = array<i64: 1, 768, 3072>}, {transform_indices = @transform_2, window_bounds = array<i64: 1, 1536, 768>}, {transform_indices = @transform_3, window_bounds = array<i64: 128, 768>}]} {
    %get3A = arith.constant 0 : index
    %get3A_0 = arith.constant 0 : index
    %get3A_1 = vector.load %arg2[%get3A, %get3A_0] : memref<128x768xf32, #tpu.memory_space<vmem>>, vector<128x768xf32>
    %get3A_2 = arith.constant 0 : index
    %get3A_3 = arith.constant 0 : index
    %get3A_4 = arith.constant 0 : index
    %get3A_5 = vector.load %arg3[%get3A_2, %get3A_3, %get3A_4] : memref<1x768x3072xf32, #tpu.memory_space<vmem>>, vector<1x768x3072xf32>
    %get3A_6 = vector.shape_cast %get3A_5 : vector<1x768x3072xf32> to vector<768x3072xf32>
    %dot_general3A = arith.constant dense<0.000000e+00> : vector<128x3072xf32>
    %dot_general3A_7 = tpu.matmul %get3A_1, %get3A_6, %dot_general3A {dimension_numbers = #tpu.dot_dimension_numbers<[1], [0], [0], [1], [0, 0, 1, 1], [], []>, transpose_lhs_hint = false} : vector<128x768xf32>, vector<768x3072xf32>, vector<128x3072xf32> -> vector<128x3072xf32>
    %slice3A = vector.extract_strided_slice %dot_general3A_7 {offsets = [0, 0], sizes = [128, 1536], strides = [1, 1]} : vector<128x3072xf32> to vector<128x1536xf32>
    %slice3A_8 = vector.extract_strided_slice %dot_general3A_7 {offsets = [0, 1536], sizes = [128, 1536], strides = [1, 1]} : vector<128x3072xf32> to vector<128x1536xf32>
    %logistic3A = arith.negf %slice3A : vector<128x1536xf32>
    %logistic3A_9 = math.exp %logistic3A : vector<128x1536xf32>
    %logistic3A_10 = arith.constant 1.000000e+00 : f32
    %logistic3A_11 = vector.broadcast %logistic3A_10 : f32 to vector<128x1536xf32>
    %logistic3A_12 = arith.addf %logistic3A_11, %logistic3A_9 : vector<128x1536xf32>
    %logistic3A_13 = arith.divf %logistic3A_11, %logistic3A_12 : vector<128x1536xf32>
    %mul3A = arith.mulf %slice3A, %logistic3A_13 : vector<128x1536xf32>
    %mul3A_14 = arith.mulf %mul3A, %slice3A_8 : vector<128x1536xf32>
    %get3A_15 = arith.constant 0 : index
    %get3A_16 = arith.constant 0 : index
    %get3A_17 = arith.constant 0 : index
    %get3A_18 = vector.load %arg4[%get3A_15, %get3A_16, %get3A_17] : memref<1x1536x768xf32, #tpu.memory_space<vmem>>, vector<1x1536x768xf32>
    %get3A_19 = vector.shape_cast %get3A_18 : vector<1x1536x768xf32> to vector<1536x768xf32>
    %dot_general3A_20 = arith.constant dense<0.000000e+00> : vector<128x768xf32>
    %dot_general3A_21 = tpu.matmul %mul3A_14, %get3A_19, %dot_general3A_20 {dimension_numbers = #tpu.dot_dimension_numbers<[1], [0], [0], [1], [0, 0, 1, 1], [], []>, transpose_lhs_hint = false} : vector<128x1536xf32>, vector<1536x768xf32>, vector<128x768xf32> -> vector<128x768xf32>
    %swap3A = arith.constant 0 : index
    %swap3A_22 = arith.constant 0 : index
    %swap3A_23 = vector.load %arg5[%swap3A, %swap3A_22] : memref<128x768xf32, #tpu.memory_space<vmem>>, vector<128x768xf32>
    tpu.vector_store %arg5[%swap3A, %swap3A_22], %dot_general3A_21 {strides = array<i32>} : memref<128x768xf32, #tpu.memory_space<vmem>>, vector<128x768xf32>,
    return
  }
  func.func @transform_0(%arg0: i32, %arg1: memref<40xi32, #tpu.memory_space<smem>>) -> (i32, i32) {
    %c0_i32 = arith.constant 0 : i32
    %c0_i32_0 = arith.constant 0 : i32
    return %arg0, %c0_i32 : i32, i32
  }
  func.func @transform_1(%arg0: i32, %arg1: memref<40xi32, #tpu.memory_space<smem>>) -> (i32, i32, i32) {
    %get3A = arith.index_cast %arg0 : i32 to index
    %get3A_0 = memref.load %arg1[%get3A] : memref<40xi32, #tpu.memory_space<smem>>
    %c0_i32 = arith.constant 0 : i32
    %c0_i32_1 = arith.constant 0 : i32
    %c0_i32_2 = arith.constant 0 : i32
    return %get3A_0, %c0_i32, %c0_i32_1 : i32, i32, i32
  }
  func.func @transform_2(%arg0: i32, %arg1: memref<40xi32, #tpu.memory_space<smem>>) -> (i32, i32, i32) {
    %get3A = arith.index_cast %arg0 : i32 to index
    %get3A_0 = memref.load %arg1[%get3A] : memref<40xi32, #tpu.memory_space<smem>>
    %c0_i32 = arith.constant 0 : i32
    %c0_i32_1 = arith.constant 0 : i32
    %c0_i32_2 = arith.constant 0 : i32
    return %get3A_0, %c0_i32, %c0_i32_1 : i32, i32, i32
  }
  func.func @transform_3(%arg0: i32, %arg1: memref<40xi32, #tpu.memory_space<smem>>) -> (i32, i32) {
    %c0_i32 = arith.constant 0 : i32
    %c0_i32_0 = arith.constant 0 : i32
    return %arg0, %c0_i32 : i32, i32
  }
}

</mosaic_0001>

<sc_bundles>
// kernel: kernel.6.cloned.1.call-start
scs
__scs_entry_jumppad:
0x0: {  	(pc) =	sbr.rel $0x88, $3  }
0x1: {  	(tag) =	ssettag $0x0;
	lr =	simm.s32 $0x1  }
0x2: {  	[smem:$0x3F9C] =	sst lr;
	_ =	strace $0xD0000000  }
0x3: {  	_ = 	snop  }
0x4: {  	_ = 	snop  }
0x5: {  	_ = 	snop  }
0x6: {  	_ = 	snop  }
0x7: {  	_ = 	snop  }
__scs_overlays_trampoline_lowered:
0x8: {  	[smem:$0x3FAB] =	sst s0  }
0x9: {  	[smem:$0x3FAC] =	sst s1  }
0xa: {  	[smem:$0x3FAD] =	sst s2  }
0xb: {  	[smem:$0x3FAE] =	sst s3  }
0xc: {  	[smem:$0x3FAF] =	sst s4  }
0xd: {  	[smem:$0x3FB0] =	sst s5  }
0xe: {  	[smem:$0x3FB1] =	sst s6  }
0xf: {  	[smem:$0x3FB2] =	sst s7  }
0x10: {  	[smem:$0x3FB3] =	sst s8  }
0x11: {  	[smem:$0x3FB4] =	sst s9;
	s0 =	simm.s32 @!p0 $0x0  }
0x12: {  	s1 =	sld [smem:$0x3F9A];
	s0 =	simm.s32 @p0 $0x1  }
0x13: {  	[smem:$0x3FB5] =	sst s0;
	s0 =	simm.s32 @!p1 $0x0  }
0x14: {  	s2 =	sld [smem:$0x3F99];
	s0 =	simm.s32 @p1 $0x1  }
0x15: {  	[smem:$0x3FB6] =	sst s0;
	s0 =	simm.s32 @!p2 $0x0  }
0x16: {  	s3 =	sld [smem:$0x3FDB];
	s0 =	simm.s32 @p2 $0x1  }
0x17: {  	s4 =	simm.s32 $0x1BF5;
	[smem:$0x3FB8] =	sst s0  }
0x18: {  	s0 =	sld [smem:$0x3F9B];
	_ =	swait.ge [sflag:s4], $0x0  }
0x19: {  	s7 =	sld [smem:$0x3F9C]  }
0x1a: {  	s8 =	sadd.s32 $0xFFFFE003, lr  }
0x1b: {  	s9 =	sadd.s32 $0xFFFFFEF7, lr;
	s5 =	simm.s32 $0xFFFFFFFF;
	p2 =	slt.u32 s8, $0xFFFFF086  }
0x1c: {  	p1 =	slt.u32 s9, $0xF7A;
	s5 =	simm.s32 @!p2 $0x0  }
0x1d: {  	s5 =	simm.s32 @p1 $0x1;
	p0 =	seq.s32 s7, s2  }
0x1e: {  	s7 =	smul.u32 @!p0 $0xF7A, s2;
	p2 =	seq.s32 @!p0 s5, $0x0  }
0x1f: {  	s9 =	smul.u32 $0xF7A, s1;
	s8 =	simm.s32 @!p0 $0x1BF5;
	p2 =	por !p2, p0  }
0x20: {  	[sflag:s8] =	ssyncset.s32 @!p0 $0xFFFFF086;
	s6 =	sadd.s32 @!p0 s3, s7;
	s7 =	simm.s32 @!p0 $0x108  }
0x21: {  	s3 =	sadd.s32 s3, s9;
	s6 =	sadd.s32 @!p0 $0x88, s6;
	s7 =	simm.s32 @p2 $0x1082  }
0x22: {  	[simem:s7], [sflag:s8] =	dma.local @!p0 [hbm:s6], $0xF7A  }
0x23: {  	s9 =	sor.u32 $0xD0000000, s2;
	s6 =	simm.s32 $0x108;
	_ =	swait.ge @!p0 [sflag:s8], $0x0  }
0x24: {  	s3 =	sadd.s32 $0x88, s3;
	s6 =	simm.s32 @!p1 $0x1082;
	[sflag:s4] =	ssyncset.s32 $0xFFFFF086  }
0x25: {  	[simem:s6], [sflag:s4] =	dma.local [hbm:s3], $0xF7A  }
0x26: {  	[smem:$0x3F9C] =	sst s1;
	(tag) =	ssettag s2;
	_ =	strace s9  }
0x27: {  	s1 =	sld [smem:$0x3FAC]  }
0x28: {  	s2 =	sld [smem:$0x3FAD]  }
0x29: {  	s4 =	sld [smem:$0x3FAF]  }
0x2a: {  	p0 =	seq.s32 s5, $0x0;
	s5 =	sld [smem:$0x3FB0]  }
0x2b: {  	s6 =	sld [smem:$0x3FB1]  }
0x2c: {  	s7 =	sld [smem:$0x3FB2]  }
0x2d: {  	s3 =	simm.s32 $0x108;
	s8 =	sld [smem:$0x3FB3]  }
0x2e: {  	s3 =	simm.s32 @!p0 $0x1082;
	s9 =	sld [smem:$0x3FB4]  }
0x2f: {  	lr =	sadd.s32 s0, s3;
	s0 =	sld [smem:$0x3FAB]  }
0x30: {  	s3 =	sld [smem:$0x3FAE]  }
0x31: {  	[smem:$0x3FB7] =	sst s10  }
0x32: {  	s10 =	sld [smem:$0x3FB5];
	_ =	sdelay $0x3  }
0x33: {  	p0 =	seq.s32 s10, $0x1;
	s10 =	sld [smem:$0x3FB7];
	_ =	sdelay $0x3  }
0x34: {  	[smem:$0x3FB7] =	sst s10  }
0x35: {  	s10 =	sld [smem:$0x3FB6];
	_ =	sdelay $0x3  }
0x36: {  	p1 =	seq.s32 s10, $0x1;
	s10 =	sld [smem:$0x3FB7];
	_ =	sdelay $0x3  }
0x37: {  	[smem:$0x3FB7] =	sst s10  }
0x38: {  	s10 =	sld [smem:$0x3FB8]  }
0x39: {  	_ = 	snop;
	(pc) =	sbr.ind lr, $3  }
0x3a: {  	_ = 	snop  }
0x3b: {  	_ = 	snop  }
0x3c: {  	p2 =	seq.s32 s10, $0x1;
	s10 =	sld [smem:$0x3FB7]  }
0x3d: {  	_ =	shalt  }
0x3e: {  	_ =	shalt  }
0x3f: {  	_ =	shalt  }
0x40: {  	_ =	shalt  }
0x41: {  	_ =	shalt  }
0x42: {  	_ =	shalt  }
0x43: {  	_ =	shalt  }
0x44: {  	_ =	shalt  }
0x45: {  	_ =	shalt  }
0x46: {  	_ =	shalt  }
0x47: {  	_ =	shalt  }
0x48: {  	_ =	shalt  }
0x49: {  	_ =	shalt  }
0x4a: {  	_ =	shalt  }
0x4b: {  	_ =	shalt  }
0x4c: {  	_ =	shalt  }
0x4d: {  	_ =	shalt  }
0x4e: {  	_ =	shalt  }
0x4f: {  	_ =	shalt  }
0x50: {  	_ =	shalt  }
0x51: {  	_ =	shalt  }
0x52: {  	_ =	shalt  }
0x53: {  	_ =	shalt  }
0x54: {  	_ =	shalt  }
0x55: {  	_ =	shalt  }
0x56: {  	_ =	shalt  }
0x57: {  	_ =	shalt  }
0x58: {  	_ =	shalt  }
0x59: {  	_ =	shalt  }
0x5a: {  	_ =	shalt  }
0x5b: {  	_ =	shalt  }
0x5c: {  	_ =	shalt  }
0x5d: {  	_ =	shalt  }
0x5e: {  	_ =	shalt  }
0x5f: {  	_ =	shalt  }
0x60: {  	_ =	shalt  }
0x61: {  	_ =	shalt  }
0x62: {  	_ =	shalt  }
0x63: {  	_ =	shalt  }
0x64: {  	_ =	shalt  }
0x65: {  	_ =	shalt  }
0x66: {  	_ =	shalt  }
0x67: {  	_ =	shalt  }
0x68: {  	_ =	shalt  }
0x69: {  	_ =	shalt  }
0x6a: {  	_ =	shalt  }
0x6b: {  	_ =	shalt  }
0x6c: {  	_ =	shalt  }
0x6d: {  	_ =	shalt  }
0x6e: {  	_ =	shalt  }
0x6f: {  	_ =	shalt  }
0x70: {  	_ =	shalt  }
0x71: {  	_ =	shalt  }
0x72: {  	_ =	shalt  }
0x73: {  	_ =	shalt  }
0x74: {  	_ =	shalt  }
0x75: {  	_ =	shalt  }
0x76: {  	_ =	shalt  }
0x77: {  	_ =	shalt  }
0x78: {  	_ =	shalt  }
0x79: {  	_ =	shalt  }
0x7a: {  	_ =	shalt  }
0x7b: {  	_ =	shalt  }
0x7c: {  	_ =	shalt  }
0x7d: {  	_ =	shalt  }
0x7e: {  	_ =	shalt  }
0x7f: {  	_ =	shalt  }
0x80: {  	_ =	shalt  }
0x81: {  	_ =	shalt  }
0x82: {  	_ =	shalt  }
0x83: {  	_ =	shalt  }
0x84: {  	_ =	shalt  }
0x85: {  	_ =	shalt  }
0x86: {  	_ =	shalt  }
0x87: {  	_ =	shalt  }
.Lfunc_end0:
.L_simem_size_0:
called_computation_lowered:
.L_overlay_start_0:
0x88: {  	s2 =	sld [smem:$0x3FD9]  }
0x89: {  	s3 =	sld [smem:$0x3FFE];
	_ =	sdelay $0x1  }
0x8a: {  	s1 =	srdreg.scid  }
0x8b: {  	s0 =	sand.u32 $0x1, s1  }
0x8c: {  	s17 =	sshll.u32 s0, $0xA;
	s2 =	sadd.s32 s3, s2  }
0x8d: {  	s2 =	sadd.s32 s2, s17  }
0x8e: {  	[smem:$0x3FC3] =	sst s2  }
0x8f: {  	_ = 	snop  }
0x90: {  	s2 =	sld [smem:$0x3FC9];
	(tm) =	ssettm $0x1  }
0x91: {  	s18 =	sld [smem:$0x3FFB];
	_ =	sdelay $0x3  }
0x92: {  	_ =	strace s18  }
0x93: {  	s3 =	sld [smem:$0x3FFC];
	_ =	sdelay $0x3  }
0x94: {  	_ =	strace s3  }
0x95: {  	s3 =	sld [smem:$0x3FFD];
	_ =	sdelay $0x3  }
0x96: {  	_ =	strace s3  }
0x97: {  	_ =	strace $0x8FFFFFFF  }
0x98: {  	s19 =	sld [smem:$0x3FDB];
	_ =	sdelay $0x1  }
0x99: {  	s4 =	simm.s32 $_scs_section_size  }
0x9a: {  	s5 =	simm.s32 $_size__tile_overlayer_lowered;
	s6 =	simm.s32 $_tile_overlayer_lowered  }
0x9b: {  	s22 =	simm.s32 $0x1BFF;
	s21 =	sshll.u32 s6, $0x1;
	s3 =	sadd.s32 s4, s19  }
0x9c: {  	s7 =	simm.s32 $0x0;
	s20 =	sshll.u32 s5, $0x1;
	s5 =	sadd.s32 s21, s3  }
0x9d: {  	[timem:s7], [sflag:s22] =	dma.local [hbm:s5], s20  }
0x9e: {  	_ =	swait.ge [sflag:s22], s20  }
0x9f: {  	s4 =	ssub.s32 $0x0, s20;
	[sflag:s22] =	ssyncset.done $0x0  }
0xa0: {  	[sflag:s22] =	ssyncadd.s32 s4;
	_ =	sdelay $0x1  }
0xa1: {  	s23 =	simm.s32 $0x1B8B  }
0xa2: {  	_ =	swait.ge [sflag:s23], $0x1  }
0xa3: {  	[sflag:s23] =	ssyncset.done $0x0  }
0xa4: {  	s25 =	simm.s32 $0x1B8E;
	s24 =	sld [smem:$0x3FFE];
	[sflag:s23] =	ssyncadd.s32 $0xFFFFFFFF  }
0xa5: {  	s26 =	simm.s32 $execute0_lowered;
	[smem:$0x3FD2] =	sst s25  }
0xa6: {  	s5 =	sshll.u32 s26, $0x1;
	_ =	strace $0x80000046;
	[dreg:$0x1] =	wrdreg $0xFFFFFFFF  }
0xa7: {  	s28 =	simm.s32 $_size_execute0_lowered;
	s3 =	sadd.s32 s3, s5;
	[dreg:$0x0] =	wrdreg $0x0  }
0xa8: {  	s5 =	sshll.u32 s28, $0x1;
	[dreg:$0x2] =	wrdreg s3  }
0xa9: {  	[dreg:$0x3] =	wrdreg s5  }
0xaa: {  	[dreg:$0x4] =	wrdreg $0xC0  }
0xab: {  	_ =	task [dreg:s7], $0x5FFFF  }
0xac: {  	[dreg:$0x1] =	wrdreg $0xFFFFFFFF  }
0xad: {  	[dreg:$0x0] =	wrdreg $0x60  }
0xae: {  	[dreg:$0x2] =	wrdreg s24  }
0xaf: {  	[dreg:$0x3] =	wrdreg s2  }
0xb0: {  	[dreg:$0x4] =	wrdreg $0x9  }
0xb1: {  	_ =	task.clear_ibuf [dreg:s7], $0x5FFFF;
	_ =	strace $0x90000046  }
0xb2: {  	s29 =	simm.s32 $0x9;
	_ =	strace $0x80000048  }
0xb3: {  	_ =	swait.ge [sflag:s29], $0x1  }
0xb4: {  	[sflag:s29] =	ssyncadd.s32 $0xFFFFFFFF  }
0xb5: {  	_ =	strace $0x90000048  }
0xb6: {  	_ =	sfence  }
0xb7: {  	s30 =	sld [smem:$0x0];
	_ =	sdelay $0x2  }
0xb8: {  	s31 =	sshll.u32 s1, $0xD;
	s1 =	sshrl.u32 s1, $0x2  }
0xb9: {  	s3 =	sand.u32 $0x4000, s31;
	s1 =	sadd.s32 s1, s30  }
0xba: {  	s0 =	sor.u32 s3, s0;
	s1 =	sshll.u32 s1, $0x11  }
0xbb: {  	s0 =	sor.u32 s1, s0  }
0xbc: {  	s0 =	sadd.s32 $0x8F2B, s0  }
0xbd: {  	[sflag:s0] =	ssyncadd.remote.s32 $0x1  }
0xbe: {  	_ =	sfence.sel $0xFFFF  }
0xbf: {  	[dreg:$0x0] =	wrdreg $0xFFFFFFFF;
	(pc) =	sbr.abs _section_cstart, $3  }
0xc0: {  	[dreg:$0x1] =	wrdreg $0xFFFFFFFF  }
0xc1: {  	_ =	task.clear_ibuf [dreg:s7], $0x2FFFF;
	_ =	strace $0x9FFFFFFF  }
0xc2: {  	(tm) =	ssettm $0x7FFFFFFF  }
0xc3: {  	_ =	shalt  }
tec
execute0_lowered:
.L_overlay_start_1:
0x0: {  	(tag) =	ssettag $0x1  }
0x1: {  	s0 =	rddreg [dreg:$0x0]  }
0x2: {  	s1 =	rddreg [dreg:$0x1];
	s3 =	srdreg.scid;
	s2 =	simm.s32 $0x0  }
0x3: {  	s4 =	stileid.u32;
	s26 =	simm.s32 $0x80;
	s11 =	simm.s32 $0x900  }
0x4: {  	s12 =	simm.s32 $0x1100;
	s13 =	simm.s32 $0x1900;
	s14 =	simm.s32 $0x2100  }
0x5: {  	s15 =	simm.s32 $0x2900;
	s16 =	simm.s32 $0x3100;
	s17 =	simm.s32 $0x3900  }
0x6: {  	s18 =	simm.s32 $0x4100;
	s19 =	simm.s32 $0x4900;
	s20 =	simm.s32 $0x5100  }
0x7: {  	s28 =	simm.s32 $0x8900;
	s29 =	simm.s32 $0x9100;
	s30 =	simm.s32 $0x9900  }
0x8: {  	s31 =	simm.s32 $0xA100;
	s3 =	sand.u32 $0x1, s3;
	[smem:$0x7FF] =	sst s2  }
0x9: {  	s4 =	sshll.u32 s4, $0x7;
	s6 =	sadd.s32 $0xE00, s0;
	s5 =	sshll.u32 s3, $0x6  }
0xa: {  	_ =	strace $0x80000047;
	s8 =	ssub.s32 $0x2, s3;
	s3 =	sadd.s32 $0x1000, s0  }
0xb: {  	[dreg:$0x6] =	wrdreg s26;
	s26 =	simm.s32 $0x8100;
	s4 =	sor.u32 s5, s4  }
0xc: {  	s10 =	sshrl.u32 s8, $0x1;
	s7 =	sshrl.u32 s4, $0x3;
	s4 =	sshll.u32 s4, $0x1  }
0xd: {  	s23 =	ssub.s32 s8, s10;
	s7 =	smul.u32 $0x300, s7;
	s9 =	sand.u32 $0xF00, s4  }
0xe: {  	s8 =	simm.s32 $0x2;
	s4 =	sor.u32 s5, s4;
	s9 =	sor.u32 s5, s9  }
0xf: {  	s4 =	sshrl.u32 s4, $0x3;
	s5 =	sadd.s32 $0x1200, s0;
	s1 =	sadd.s32 s1, s7  }
0x10: {  	s21 =	sshrl.u32 s9, $0x3;
	s24 =	sor.u32 $0x10, s4;
	s4 =	sadd.s32 $0x1100, s0  }
0x11: {  	[dreg:$0x3] =	wrdreg s1;
	s22 =	sadd.s32 s6, s21;
	s25 =	sadd.s32 s6, s24  }
0x12: {  	v2 =	vlaneseq.u32;
	s6 =	smax.u32 s23, $0x1;
	s1 =	simm.s32 $0x1;
	s21 =	simm.s32 $0x5900  }
0x13: {  	vm0 =	vmmov $0xffff;
	v1 =	vshrl.u32 v2, $0x3;
	s23 =	simm.s32 $0x6900;
	s24 =	simm.s32 $0x7100;
	[dreg:$0x4] =	wrdreg s22  }
0x14: {  	v0 =	vand.u32 $0x7, v2;
	v2 =	vor.u32 $0x8, v2;
	v1 =	vmul.u32 $0x8, v1;
	[dreg:$0x5] =	wrdreg s25;
	s22 =	simm.s32 $0x6100;
	s25 =	simm.s32 $0x7900  }
.LBB2_1:
0x15: {  	s9 =	rddreg [dreg:$0x3];
	s0 =	simm.s32 $0x100  }
0x16: {  	[tilespmem:s0], [sflag:$0x2] =	stream.linear.gather [hbm4b:s9+s2], $0xC000, $0x38;
	[tilespmem:$0xC100] =	vst v63  }
0x17: {  	_ =	swait.ge [sflag:s8], $0xC000  }
0x18: {  	[sflag:s8] =	ssyncset.done $0x0  }
0x19: {  	s7 =	rddreg [dreg:$0x4];
	[sflag:s8] =	ssyncadd.s32 $0xFFFF4000  }
0x1a: {  	[tilespmem:s2], [sflag:$0x2] =	stream.linear.gather [hbm4b:s7+s2], $0x40, $0x38;
	[tilespmem:$0xC100] =	vst v63  }
0x1b: {  	_ =	swait.ge [sflag:s8], $0x40  }
0x1c: {  	[sflag:s8] =	ssyncset.done $0x0  }
0x1d: {  	[sflag:s8] =	ssyncadd.s32 $0xFFFFFFC0  }
0x1e: {  	v3 =	vld [tilespmem:$0x0];
	_ =	sdelay $0x4  }
0x1f: {  	v4 =	vshrl.u32 v3, $0x3  }
0x20: {  	v4 =	vmul.u32 $0x30, v4  }
0x21: {  	v3 =	vand.u32 $0x7, v3  }
0x22: {  	v3 =	vor.u32 v3, v4  }
0x23: {  	v4 =	vperm.xlane v3, v0;
	_ =	sdelay $0x1  }
0x24: {  	v4 =	vadd.s32 v1, v4;
	_ =	sdelay $0x3  }
0x25: {  	v3 =	vperm.xlane v3, v2  }
0x26: {  	[hbm4b:s3+s2] =	stream.indirect_vreg.scatter [tilespmem:s0], [sflag:$0x1], $0x80, v4, vm0, $0xb8;
	[tilespmem:$0xC100] =	vst v63  }
0x27: {  	v3 =	vadd.s32 v1, v3  }
0x28: {  	[hbm4b:s4+s2] =	stream.indirect_vreg.scatter [tilespmem:s11], [sflag:$0x1], $0x80, v4, vm0, $0xb8;
	[tilespmem:$0xC100] =	vst v63  }
0x29: {  	_ = 	snop  }
0x2a: {  	[hbm4b:s5+s2] =	stream.indirect_vreg.scatter [tilespmem:s12], [sflag:$0x1], $0x80, v4, vm0, $0xb8;
	[tilespmem:$0xC100] =	vst v63  }
0x2b: {  	_ = 	snop  }
0x2c: {  	[hbm4b:s3+s2] =	stream.indirect_vreg.scatter [tilespmem:s13], [sflag:$0x1], $0x80, v3, vm0, $0xb8;
	[tilespmem:$0xC100] =	vst v63  }
0x2d: {  	_ = 	snop  }
0x2e: {  	[hbm4b:s4+s2] =	stream.indirect_vreg.scatter [tilespmem:s14], [sflag:$0x1], $0x80, v3, vm0, $0xb8;
	[tilespmem:$0xC100] =	vst v63  }
0x2f: {  	_ = 	snop  }
0x30: {  	[hbm4b:s5+s2] =	stream.indirect_vreg.scatter [tilespmem:s15], [sflag:$0x1], $0x80, v3, vm0, $0xb8;
	[tilespmem:$0xC100] =	vst v63  }
0x31: {  	v3 =	vld [tilespmem:$0x10];
	_ =	sdelay $0x4  }
0x32: {  	v57 =	vshrl.u32 v3, $0x3  }
0x33: {  	v4 =	vmul.u32 $0x30, v57  }
0x34: {  	v3 =	vand.u32 $0x7, v3  }
0x35: {  	v3 =	vor.u32 v3, v4  }
0x36: {  	v4 =	vperm.xlane v3, v0;
	_ =	sdelay $0x1  }
0x37: {  	v4 =	vadd.s32 v1, v4;
	_ =	sdelay $0x3  }
0x38: {  	v3 =	vperm.xlane v3, v2  }
0x39: {  	[hbm4b:s3+s2] =	stream.indirect_vreg.scatter [tilespmem:s16], [sflag:$0x1], $0x80, v4, vm0, $0xb8;
	[tilespmem:$0xC100] =	vst v63  }
0x3a: {  	v3 =	vadd.s32 v1, v3  }
0x3b: {  	[hbm4b:s4+s2] =	stream.indirect_vreg.scatter [tilespmem:s17], [sflag:$0x1], $0x80, v4, vm0, $0xb8;
	[tilespmem:$0xC100] =	vst v63  }
0x3c: {  	_ = 	snop  }
0x3d: {  	[hbm4b:s5+s2] =	stream.indirect_vreg.scatter [tilespmem:s18], [sflag:$0x1], $0x80, v4, vm0, $0xb8;
	[tilespmem:$0xC100] =	vst v63  }
0x3e: {  	_ = 	snop  }
0x3f: {  	[hbm4b:s3+s2] =	stream.indirect_vreg.scatter [tilespmem:s19], [sflag:$0x1], $0x80, v3, vm0, $0xb8;
	[tilespmem:$0xC100] =	vst v63  }
0x40: {  	_ = 	snop  }
0x41: {  	[hbm4b:s4+s2] =	stream.indirect_vreg.scatter [tilespmem:s20], [sflag:$0x1], $0x80, v3, vm0, $0xb8;
	[tilespmem:$0xC100] =	vst v63  }
0x42: {  	_ = 	snop  }
0x43: {  	[hbm4b:s5+s2] =	stream.indirect_vreg.scatter [tilespmem:s21], [sflag:$0x1], $0x80, v3, vm0, $0xb8;
	[tilespmem:$0xC100] =	vst v63  }
0x44: {  	v3 =	vld [tilespmem:$0x20];
	_ =	sdelay $0x4  }
0x45: {  	v58 =	vshrl.u32 v3, $0x3  }
0x46: {  	v4 =	vmul.u32 $0x30, v58  }
0x47: {  	v3 =	vand.u32 $0x7, v3  }
0x48: {  	v3 =	vor.u32 v3, v4  }
0x49: {  	v4 =	vperm.xlane v3, v0;
	_ =	sdelay $0x1  }
0x4a: {  	v4 =	vadd.s32 v1, v4;
	_ =	sdelay $0x3  }
0x4b: {  	v3 =	vperm.xlane v3, v2  }
0x4c: {  	[hbm4b:s3+s2] =	stream.indirect_vreg.scatter [tilespmem:s22], [sflag:$0x1], $0x80, v4, vm0, $0xb8;
	[tilespmem:$0xC100] =	vst v63  }
0x4d: {  	v3 =	vadd.s32 v1, v3  }
0x4e: {  	[hbm4b:s4+s2] =	stream.indirect_vreg.scatter [tilespmem:s23], [sflag:$0x1], $0x80, v4, vm0, $0xb8;
	[tilespmem:$0xC100] =	vst v63  }
0x4f: {  	_ = 	snop  }
0x50: {  	[hbm4b:s5+s2] =	stream.indirect_vreg.scatter [tilespmem:s24], [sflag:$0x1], $0x80, v4, vm0, $0xb8;
	[tilespmem:$0xC100] =	vst v63  }
0x51: {  	_ = 	snop  }
0x52: {  	[hbm4b:s3+s2] =	stream.indirect_vreg.scatter [tilespmem:s25], [sflag:$0x1], $0x80, v3, vm0, $0xb8;
	[tilespmem:$0xC100] =	vst v63  }
0x53: {  	_ = 	snop  }
0x54: {  	[hbm4b:s4+s2] =	stream.indirect_vreg.scatter [tilespmem:s26], [sflag:$0x1], $0x80, v3, vm0, $0xb8;
	[tilespmem:$0xC100] =	vst v63  }
0x55: {  	_ = 	snop  }
0x56: {  	[hbm4b:s5+s2] =	stream.indirect_vreg.scatter [tilespmem:s28], [sflag:$0x1], $0x80, v3, vm0, $0xb8;
	[tilespmem:$0xC100] =	vst v63  }
0x57: {  	v3 =	vld [tilespmem:$0x30];
	_ =	sdelay $0x4  }
0x58: {  	v59 =	vshrl.u32 v3, $0x3  }
0x59: {  	v4 =	vmul.u32 $0x30, v59  }
0x5a: {  	v3 =	vand.u32 $0x7, v3  }
0x5b: {  	v3 =	vor.u32 v3, v4  }
0x5c: {  	v4 =	vperm.xlane v3, v0;
	_ =	sdelay $0x1  }
0x5d: {  	v4 =	vadd.s32 v1, v4;
	_ =	sdelay $0x3  }
0x5e: {  	v3 =	vperm.xlane v3, v2  }
0x5f: {  	[hbm4b:s3+s2] =	stream.indirect_vreg.scatter [tilespmem:s29], [sflag:$0x1], $0x80, v4, vm0, $0xb8;
	[tilespmem:$0xC100] =	vst v63  }
0x60: {  	v3 =	vadd.s32 v1, v3  }
0x61: {  	[hbm4b:s4+s2] =	stream.indirect_vreg.scatter [tilespmem:s30], [sflag:$0x1], $0x80, v4, vm0, $0xb8;
	[tilespmem:$0xC100] =	vst v63  }
0x62: {  	_ = 	snop  }
0x63: {  	[hbm4b:s5+s2] =	stream.indirect_vreg.scatter [tilespmem:s31], [sflag:$0x1], $0x80, v4, vm0, $0xb8;
	[tilespmem:$0xC100] =	vst v63  }
0x64: {  	s7 =	simm.s32 $0xA900  }
0x65: {  	[hbm4b:s3+s2] =	stream.indirect_vreg.scatter [tilespmem:s7], [sflag:$0x1], $0x80, v3, vm0, $0xb8;
	[tilespmem:$0xC100] =	vst v63  }
0x66: {  	s10 =	simm.s32 $0xB100  }
0x67: {  	[hbm4b:s4+s2] =	stream.indirect_vreg.scatter [tilespmem:s10], [sflag:$0x1], $0x80, v3, vm0, $0xb8;
	[tilespmem:$0xC100] =	vst v63  }
0x68: {  	s9 =	rddreg [dreg:$0x5];
	s7 =	simm.s32 $0xB900  }
0x69: {  	[hbm4b:s5+s2] =	stream.indirect_vreg.scatter [tilespmem:s7], [sflag:$0x1], $0x80, v3, vm0, $0xb8;
	[tilespmem:$0xC100] =	vst v63  }
0x6a: {  	s10 =	rddreg [dreg:$0x6]  }
0x6b: {  	[tilespmem:s10], [sflag:$0x2] =	stream.linear.gather [hbm4b:s9+s2], $0x40, $0x38;
	[tilespmem:$0xC100] =	vst v63  }
0x6c: {  	_ =	swait.ge [sflag:s8], $0x40  }
0x6d: {  	[sflag:s8] =	ssyncset.done $0x0  }
0x6e: {  	[sflag:s8] =	ssyncadd.s32 $0xFFFFFFC0  }
0x6f: {  	v3 =	vld [tilespmem:$0x80];
	_ =	sdelay $0x4  }
0x70: {  	v60 =	vshrl.u32 v3, $0x3  }
0x71: {  	v4 =	vmul.u32 $0x30, v60  }
0x72: {  	v3 =	vand.u32 $0x7, v3  }
0x73: {  	v3 =	vor.u32 v3, v4  }
0x74: {  	v4 =	vperm.xlane v3, v0;
	_ =	sdelay $0x1  }
0x75: {  	v4 =	vadd.s32 v1, v4;
	_ =	sdelay $0x3  }
0x76: {  	v3 =	vperm.xlane v3, v2  }
0x77: {  	[hbm4b:s3+s2] =	stream.indirect_vreg.scatter [tilespmem:s0], [sflag:$0x1], $0x80, v4, vm0, $0xb8;
	[tilespmem:$0xC100] =	vst v63  }
0x78: {  	v3 =	vadd.s32 v1, v3  }
0x79: {  	[hbm4b:s4+s2] =	stream.indirect_vreg.scatter [tilespmem:s11], [sflag:$0x1], $0x80, v4, vm0, $0xb8;
	[tilespmem:$0xC100] =	vst v63  }
0x7a: {  	_ = 	snop  }
0x7b: {  	[hbm4b:s5+s2] =	stream.indirect_vreg.scatter [tilespmem:s12], [sflag:$0x1], $0x80, v4, vm0, $0xb8;
	[tilespmem:$0xC100] =	vst v63  }
0x7c: {  	_ = 	snop  }
0x7d: {  	[hbm4b:s3+s2] =	stream.indirect_vreg.scatter [tilespmem:s13], [sflag:$0x1], $0x80, v3, vm0, $0xb8;
	[tilespmem:$0xC100] =	vst v63  }
0x7e: {  	_ = 	snop  }
0x7f: {  	[hbm4b:s4+s2] =	stream.indirect_vreg.scatter [tilespmem:s14], [sflag:$0x1], $0x80, v3, vm0, $0xb8;
	[tilespmem:$0xC100] =	vst v63  }
0x80: {  	_ = 	snop  }
0x81: {  	[hbm4b:s5+s2] =	stream.indirect_vreg.scatter [tilespmem:s15], [sflag:$0x1], $0x80, v3, vm0, $0xb8;
	[tilespmem:$0xC100] =	vst v63  }
0x82: {  	v3 =	vld [tilespmem:$0x90];
	_ =	sdelay $0x4  }
0x83: {  	v61 =	vshrl.u32 v3, $0x3  }
0x84: {  	v4 =	vmul.u32 $0x30, v61  }
0x85: {  	v3 =	vand.u32 $0x7, v3  }
0x86: {  	v3 =	vor.u32 v3, v4  }
0x87: {  	v4 =	vperm.xlane v3, v0;
	_ =	sdelay $0x1  }
0x88: {  	v4 =	vadd.s32 v1, v4;
	_ =	sdelay $0x3  }
0x89: {  	v3 =	vperm.xlane v3, v2  }
0x8a: {  	[hbm4b:s3+s2] =	stream.indirect_vreg.scatter [tilespmem:s16], [sflag:$0x1], $0x80, v4, vm0, $0xb8;
	[tilespmem:$0xC100] =	vst v63  }
0x8b: {  	v3 =	vadd.s32 v1, v3  }
0x8c: {  	[hbm4b:s4+s2] =	stream.indirect_vreg.scatter [tilespmem:s17], [sflag:$0x1], $0x80, v4, vm0, $0xb8;
	[tilespmem:$0xC100] =	vst v63  }
0x8d: {  	_ = 	snop  }
0x8e: {  	[hbm4b:s5+s2] =	stream.indirect_vreg.scatter [tilespmem:s18], [sflag:$0x1], $0x80, v4, vm0, $0xb8;
	[tilespmem:$0xC100] =	vst v63  }
0x8f: {  	_ = 	snop  }
0x90: {  	[hbm4b:s3+s2] =	stream.indirect_vreg.scatter [tilespmem:s19], [sflag:$0x1], $0x80, v3, vm0, $0xb8;
	[tilespmem:$0xC100] =	vst v63  }
0x91: {  	_ = 	snop  }
0x92: {  	[hbm4b:s4+s2] =	stream.indirect_vreg.scatter [tilespmem:s20], [sflag:$0x1], $0x80, v3, vm0, $0xb8;
	[tilespmem:$0xC100] =	vst v63  }
0x93: {  	_ = 	snop  }
0x94: {  	[hbm4b:s5+s2] =	stream.indirect_vreg.scatter [tilespmem:s21], [sflag:$0x1], $0x80, v3, vm0, $0xb8;
	[tilespmem:$0xC100] =	vst v63  }
0x95: {  	v3 =	vld [tilespmem:$0xA0];
	_ =	sdelay $0x4  }
0x96: {  	v62 =	vshrl.u32 v3, $0x3  }
0x97: {  	v4 =	vmul.u32 $0x30, v62  }
0x98: {  	v3 =	vand.u32 $0x7, v3  }
0x99: {  	v3 =	vor.u32 v3, v4  }
0x9a: {  	v4 =	vperm.xlane v3, v0;
	_ =	sdelay $0x1  }
0x9b: {  	v4 =	vadd.s32 v1, v4;
	_ =	sdelay $0x3  }
0x9c: {  	v3 =	vperm.xlane v3, v2  }
0x9d: {  	[hbm4b:s3+s2] =	stream.indirect_vreg.scatter [tilespmem:s22], [sflag:$0x1], $0x80, v4, vm0, $0xb8;
	[tilespmem:$0xC100] =	vst v63  }
0x9e: {  	v3 =	vadd.s32 v1, v3  }
0x9f: {  	[hbm4b:s4+s2] =	stream.indirect_vreg.scatter [tilespmem:s23], [sflag:$0x1], $0x80, v4, vm0, $0xb8;
	[tilespmem:$0xC100] =	vst v63  }
0xa0: {  	_ = 	snop  }
0xa1: {  	[hbm4b:s5+s2] =	stream.indirect_vreg.scatter [tilespmem:s24], [sflag:$0x1], $0x80, v4, vm0, $0xb8;
	[tilespmem:$0xC100] =	vst v63  }
0xa2: {  	_ = 	snop  }
0xa3: {  	[hbm4b:s3+s2] =	stream.indirect_vreg.scatter [tilespmem:s25], [sflag:$0x1], $0x80, v3, vm0, $0xb8;
	[tilespmem:$0xC100] =	vst v63  }
0xa4: {  	_ = 	snop  }
0xa5: {  	[hbm4b:s4+s2] =	stream.indirect_vreg.scatter [tilespmem:s26], [sflag:$0x1], $0x80, v3, vm0, $0xb8;
	[tilespmem:$0xC100] =	vst v63  }
0xa6: {  	_ = 	snop  }
0xa7: {  	[hbm4b:s5+s2] =	stream.indirect_vreg.scatter [tilespmem:s28], [sflag:$0x1], $0x80, v3, vm0, $0xb8;
	[tilespmem:$0xC100] =	vst v63  }
0xa8: {  	v3 =	vld [tilespmem:$0xB0];
	_ =	sdelay $0x4  }
0xa9: {  	v63 =	vshrl.u32 v3, $0x3  }
0xaa: {  	v4 =	vmul.u32 $0x30, v63  }
0xab: {  	v3 =	vand.u32 $0x7, v3  }
0xac: {  	v3 =	vor.u32 v3, v4  }
0xad: {  	v4 =	vperm.xlane v3, v0;
	_ =	sdelay $0x1  }
0xae: {  	v4 =	vadd.s32 v1, v4;
	_ =	sdelay $0x3  }
0xaf: {  	v3 =	vperm.xlane v3, v2  }
0xb0: {  	[hbm4b:s3+s2] =	stream.indirect_vreg.scatter [tilespmem:s29], [sflag:$0x1], $0x80, v4, vm0, $0xb8;
	[tilespmem:$0xC100] =	vst v63  }
0xb1: {  	v3 =	vadd.s32 v1, v3  }
0xb2: {  	[hbm4b:s4+s2] =	stream.indirect_vreg.scatter [tilespmem:s30], [sflag:$0x1], $0x80, v4, vm0, $0xb8;
	[tilespmem:$0xC100] =	vst v63  }
0xb3: {  	_ = 	snop  }
0xb4: {  	[hbm4b:s5+s2] =	stream.indirect_vreg.scatter [tilespmem:s31], [sflag:$0x1], $0x80, v4, vm0, $0xb8;
	[tilespmem:$0xC100] =	vst v63  }
0xb5: {  	s9 =	simm.s32 $0xA900  }
0xb6: {  	[hbm4b:s3+s2] =	stream.indirect_vreg.scatter [tilespmem:s9], [sflag:$0x1], $0x80, v3, vm0, $0xb8;
	[tilespmem:$0xC100] =	vst v63  }
0xb7: {  	s10 =	simm.s32 $0xB100  }
0xb8: {  	[hbm4b:s4+s2] =	stream.indirect_vreg.scatter [tilespmem:s10], [sflag:$0x1], $0x80, v3, vm0, $0xb8;
	[tilespmem:$0xC100] =	vst v63  }
0xb9: {  	_ = 	snop  }
0xba: {  	[hbm4b:s5+s2] =	stream.indirect_vreg.scatter [tilespmem:s7], [sflag:$0x1], $0x80, v3, vm0, $0xb8;
	[tilespmem:$0xC100] =	vst v63  }
0xbb: {  	p0 =	sne.s32 s6, $0x1;
	_ =	swait.ge [sflag:s1], $0xC000  }
.Ltmp0:
0xbc: {  	[sflag:s1] =	ssyncset.done $0x0;
	(pc) =	sbr.rel @p0 .LBB2_1-.Ltmp0, $4  }
0xbd: {  	[sflag:s1] =	ssyncadd.s32 $0xFFFF4000  }
0xbe: {  	_ =	swait.ge [sflag:s1], $0xC000  }
0xbf: {  	[sflag:s1] =	ssyncset.done $0x0  }
0xc0: {  	s6 =	sadd.s32 $0xFFFFFFFF, s6;
	[sflag:s1] =	ssyncadd.s32 $0xFFFF4000  }
0xc1: {  	_ =	sfence.sel $0x180000  }
0xc2: {  	[bflag:$0x0] =	sbarrier.arrive $0xFFFF  }
0xc3: {  	_ =	strace $0x90000047  }
0xc4: {  	s0 =	stileid.u32;
	[bflag:$0x2] =	sbarrier.arrive $0xFFFF  }
0xc5: {  	p0 =	sne.s32 s0, $0x0;
	s0 =	rddreg [dreg:$0x2]  }
0xc6: {  	s0 =	sadd.s32 @!p0 $0x100000, s0  }
0xc7: {  	[sflag:s0] =	ssyncadd.tile.s32 @!p0 $0x1;
	_ =	shalt  }
.Lfunc_end2:
_tile_overlayer_lowered:
.L_overlay_start_2:
0xc8: {  	(tag) =	ssettag $0x2  }
0xc9: {  	s0 =	rddreg [dreg:$0x0];
	s2 =	stileid.u32  }
0xca: {  	s1 =	rddreg [dreg:$0x1];
	p0 =	sne.s32 s2, $0x0  }
0xcb: {  	s3 =	rddreg [dreg:$0x2];
	[bflag:$0x3] =	sbarrier.arrive $0xFFFF;
	s2 =	simm.s32 @!p0 $0x1C02  }
0xcc: {  	[timem:s3], [sflag:s2] =	dma.local @!p0 [hbm:s0], s1  }
0xcd: {  	s0 =	simm.s32 @!p0 $0x2  }
0xce: {  	_ =	swait.ge @!p0 [sflag:s0], s1  }
0xcf: {  	s1 =	ssub.s32 @!p0 $0x0, s1;
	[sflag:s0] =	ssyncset.done @!p0 $0x0  }
0xd0: {  	[sflag:s0] =	ssyncadd.s32 @!p0 s1  }
0xd1: {  	[bflag:$0x3] =	sbarrier.arrive $0xFFFF  }
0xd2: {  	_ =	shalt  }

// kernel: kernel.9.cloned.1.call-start
scs
__scs_entry_jumppad:
0x0: {  	(pc) =	sbr.rel $0x88, $3  }
0x1: {  	(tag) =	ssettag $0x0;
	lr =	simm.s32 $0x1  }
0x2: {  	[smem:$0x3F9C] =	sst lr;
	_ =	strace $0xD0000000  }
0x3: {  	_ = 	snop  }
0x4: {  	_ = 	snop  }
0x5: {  	_ = 	snop  }
0x6: {  	_ = 	snop  }
0x7: {  	_ = 	snop  }
__scs_overlays_trampoline_lowered:
0x8: {  	[smem:$0x3FAB] =	sst s0  }
0x9: {  	[smem:$0x3FAC] =	sst s1  }
0xa: {  	[smem:$0x3FAD] =	sst s2  }
0xb: {  	[smem:$0x3FAE] =	sst s3  }
0xc: {  	[smem:$0x3FAF] =	sst s4  }
0xd: {  	[smem:$0x3FB0] =	sst s5  }
0xe: {  	[smem:$0x3FB1] =	sst s6  }
0xf: {  	[smem:$0x3FB2] =	sst s7  }
0x10: {  	[smem:$0x3FB3] =	sst s8  }
0x11: {  	[smem:$0x3FB4] =	sst s9;
	s0 =	simm.s32 @!p0 $0x0  }
0x12: {  	s1 =	sld [smem:$0x3F9A];
	s0 =	simm.s32 @p0 $0x1  }
0x13: {  	[smem:$0x3FB5] =	sst s0;
	s0 =	simm.s32 @!p1 $0x0  }
0x14: {  	s2 =	sld [smem:$0x3F99];
	s0 =	simm.s32 @p1 $0x1  }
0x15: {  	[smem:$0x3FB6] =	sst s0;
	s0 =	simm.s32 @!p2 $0x0  }
0x16: {  	s3 =	sld [smem:$0x3FDB];
	s0 =	simm.s32 @p2 $0x1  }
0x17: {  	s4 =	simm.s32 $0x1BF5;
	[smem:$0x3FB8] =	sst s0  }
0x18: {  	s0 =	sld [smem:$0x3F9B];
	_ =	swait.ge [sflag:s4], $0x0  }
0x19: {  	s7 =	sld [smem:$0x3F9C]  }
0x1a: {  	s8 =	sadd.s32 $0xFFFFE003, lr  }
0x1b: {  	s9 =	sadd.s32 $0xFFFFFEF7, lr;
	s5 =	simm.s32 $0xFFFFFFFF;
	p2 =	slt.u32 s8, $0xFFFFF086  }
0x1c: {  	p1 =	slt.u32 s9, $0xF7A;
	s5 =	simm.s32 @!p2 $0x0  }
0x1d: {  	s5 =	simm.s32 @p1 $0x1;
	p0 =	seq.s32 s7, s2  }
0x1e: {  	s7 =	smul.u32 @!p0 $0xF7A, s2;
	p2 =	seq.s32 @!p0 s5, $0x0  }
0x1f: {  	s9 =	smul.u32 $0xF7A, s1;
	s8 =	simm.s32 @!p0 $0x1BF5;
	p2 =	por !p2, p0  }
0x20: {  	[sflag:s8] =	ssyncset.s32 @!p0 $0xFFFFF086;
	s6 =	sadd.s32 @!p0 s3, s7;
	s7 =	simm.s32 @!p0 $0x108  }
0x21: {  	s3 =	sadd.s32 s3, s9;
	s6 =	sadd.s32 @!p0 $0x88, s6;
	s7 =	simm.s32 @p2 $0x1082  }
0x22: {  	[simem:s7], [sflag:s8] =	dma.local @!p0 [hbm:s6], $0xF7A  }
0x23: {  	s9 =	sor.u32 $0xD0000000, s2;
	s6 =	simm.s32 $0x108;
	_ =	swait.ge @!p0 [sflag:s8], $0x0  }
0x24: {  	s3 =	sadd.s32 $0x88, s3;
	s6 =	simm.s32 @!p1 $0x1082;
	[sflag:s4] =	ssyncset.s32 $0xFFFFF086  }
0x25: {  	[simem:s6], [sflag:s4] =	dma.local [hbm:s3], $0xF7A  }
0x26: {  	[smem:$0x3F9C] =	sst s1;
	(tag) =	ssettag s2;
	_ =	strace s9  }
0x27: {  	s1 =	sld [smem:$0x3FAC]  }
0x28: {  	s2 =	sld [smem:$0x3FAD]  }
0x29: {  	s4 =	sld [smem:$0x3FAF]  }
0x2a: {  	p0 =	seq.s32 s5, $0x0;
	s5 =	sld [smem:$0x3FB0]  }
0x2b: {  	s6 =	sld [smem:$0x3FB1]  }
0x2c: {  	s7 =	sld [smem:$0x3FB2]  }
0x2d: {  	s3 =	simm.s32 $0x108;
	s8 =	sld [smem:$0x3FB3]  }
0x2e: {  	s3 =	simm.s32 @!p0 $0x1082;
	s9 =	sld [smem:$0x3FB4]  }
0x2f: {  	lr =	sadd.s32 s0, s3;
	s0 =	sld [smem:$0x3FAB]  }
0x30: {  	s3 =	sld [smem:$0x3FAE]  }
0x31: {  	[smem:$0x3FB7] =	sst s10  }
0x32: {  	s10 =	sld [smem:$0x3FB5];
	_ =	sdelay $0x3  }
0x33: {  	p0 =	seq.s32 s10, $0x1;
	s10 =	sld [smem:$0x3FB7];
	_ =	sdelay $0x3  }
0x34: {  	[smem:$0x3FB7] =	sst s10  }
0x35: {  	s10 =	sld [smem:$0x3FB6];
	_ =	sdelay $0x3  }
0x36: {  	p1 =	seq.s32 s10, $0x1;
	s10 =	sld [smem:$0x3FB7];
	_ =	sdelay $0x3  }
0x37: {  	[smem:$0x3FB7] =	sst s10  }
0x38: {  	s10 =	sld [smem:$0x3FB8]  }
0x39: {  	_ = 	snop;
	(pc) =	sbr.ind lr, $3  }
0x3a: {  	_ = 	snop  }
0x3b: {  	_ = 	snop  }
0x3c: {  	p2 =	seq.s32 s10, $0x1;
	s10 =	sld [smem:$0x3FB7]  }
0x3d: {  	_ =	shalt  }
0x3e: {  	_ =	shalt  }
0x3f: {  	_ =	shalt  }
0x40: {  	_ =	shalt  }
0x41: {  	_ =	shalt  }
0x42: {  	_ =	shalt  }
0x43: {  	_ =	shalt  }
0x44: {  	_ =	shalt  }
0x45: {  	_ =	shalt  }
0x46: {  	_ =	shalt  }
0x47: {  	_ =	shalt  }
0x48: {  	_ =	shalt  }
0x49: {  	_ =	shalt  }
0x4a: {  	_ =	shalt  }
0x4b: {  	_ =	shalt  }
0x4c: {  	_ =	shalt  }
0x4d: {  	_ =	shalt  }
0x4e: {  	_ =	shalt  }
0x4f: {  	_ =	shalt  }
0x50: {  	_ =	shalt  }
0x51: {  	_ =	shalt  }
0x52: {  	_ =	shalt  }
0x53: {  	_ =	shalt  }
0x54: {  	_ =	shalt  }
0x55: {  	_ =	shalt  }
0x56: {  	_ =	shalt  }
0x57: {  	_ =	shalt  }
0x58: {  	_ =	shalt  }
0x59: {  	_ =	shalt  }
0x5a: {  	_ =	shalt  }
0x5b: {  	_ =	shalt  }
0x5c: {  	_ =	shalt  }
0x5d: {  	_ =	shalt  }
0x5e: {  	_ =	shalt  }
0x5f: {  	_ =	shalt  }
0x60: {  	_ =	shalt  }
0x61: {  	_ =	shalt  }
0x62: {  	_ =	shalt  }
0x63: {  	_ =	shalt  }
0x64: {  	_ =	shalt  }
0x65: {  	_ =	shalt  }
0x66: {  	_ =	shalt  }
0x67: {  	_ =	shalt  }
0x68: {  	_ =	shalt  }
0x69: {  	_ =	shalt  }
0x6a: {  	_ =	shalt  }
0x6b: {  	_ =	shalt  }
0x6c: {  	_ =	shalt  }
0x6d: {  	_ =	shalt  }
0x6e: {  	_ =	shalt  }
0x6f: {  	_ =	shalt  }
0x70: {  	_ =	shalt  }
0x71: {  	_ =	shalt  }
0x72: {  	_ =	shalt  }
0x73: {  	_ =	shalt  }
0x74: {  	_ =	shalt  }
0x75: {  	_ =	shalt  }
0x76: {  	_ =	shalt  }
0x77: {  	_ =	shalt  }
0x78: {  	_ =	shalt  }
0x79: {  	_ =	shalt  }
0x7a: {  	_ =	shalt  }
0x7b: {  	_ =	shalt  }
0x7c: {  	_ =	shalt  }
0x7d: {  	_ =	shalt  }
0x7e: {  	_ =	shalt  }
0x7f: {  	_ =	shalt  }
0x80: {  	_ =	shalt  }
0x81: {  	_ =	shalt  }
0x82: {  	_ =	shalt  }
0x83: {  	_ =	shalt  }
0x84: {  	_ =	shalt  }
0x85: {  	_ =	shalt  }
0x86: {  	_ =	shalt  }
0x87: {  	_ =	shalt  }
.Lfunc_end0:
.L_simem_size_0:
called_computation.1_lowered:
.L_overlay_start_0:
0x88: {  	s2 =	sld [smem:$0x3FD9]  }
0x89: {  	s3 =	sld [smem:$0x3FFE];
	_ =	sdelay $0x1  }
0x8a: {  	s1 =	srdreg.scid  }
0x8b: {  	s0 =	sand.u32 $0x1, s1  }
0x8c: {  	s17 =	sshll.u32 s0, $0xA;
	s2 =	sadd.s32 s3, s2  }
0x8d: {  	s2 =	sadd.s32 s2, s17  }
0x8e: {  	[smem:$0x3FC3] =	sst s2  }
0x8f: {  	_ = 	snop  }
0x90: {  	s2 =	sld [smem:$0x3FD0];
	(tm) =	ssettm $0x1  }
0x91: {  	s18 =	sld [smem:$0x3FFB];
	_ =	sdelay $0x3  }
0x92: {  	_ =	strace s18  }
0x93: {  	s3 =	sld [smem:$0x3FFC];
	_ =	sdelay $0x3  }
0x94: {  	_ =	strace s3  }
0x95: {  	s3 =	sld [smem:$0x3FFD];
	_ =	sdelay $0x3  }
0x96: {  	_ =	strace s3  }
0x97: {  	_ =	strace $0x8FFFFFFF  }
0x98: {  	s19 =	sld [smem:$0x3FDB];
	_ =	sdelay $0x1  }
0x99: {  	s4 =	simm.s32 $_scs_section_size  }
0x9a: {  	s5 =	simm.s32 $_size__tile_overlayer_lowered;
	s6 =	simm.s32 $_tile_overlayer_lowered  }
0x9b: {  	s22 =	simm.s32 $0x1BFF;
	s21 =	sshll.u32 s6, $0x1;
	s3 =	sadd.s32 s4, s19  }
0x9c: {  	s7 =	simm.s32 $0x0;
	s20 =	sshll.u32 s5, $0x1;
	s5 =	sadd.s32 s21, s3  }
0x9d: {  	[timem:s7], [sflag:s22] =	dma.local [hbm:s5], s20  }
0x9e: {  	_ =	swait.ge [sflag:s22], s20  }
0x9f: {  	s4 =	ssub.s32 $0x0, s20;
	[sflag:s22] =	ssyncset.done $0x0  }
0xa0: {  	[sflag:s22] =	ssyncadd.s32 s4;
	_ =	sdelay $0x1  }
0xa1: {  	s23 =	simm.s32 $0x1B8B  }
0xa2: {  	_ =	swait.ge [sflag:s23], $0x1  }
0xa3: {  	[sflag:s23] =	ssyncset.done $0x0  }
0xa4: {  	s25 =	simm.s32 $0x1B8E;
	s24 =	sld [smem:$0x3FFE];
	[sflag:s23] =	ssyncadd.s32 $0xFFFFFFFF  }
0xa5: {  	s26 =	simm.s32 $execute0_lowered;
	[smem:$0x3FD2] =	sst s25  }
0xa6: {  	s5 =	sshll.u32 s26, $0x1;
	_ =	strace $0x80000049;
	[dreg:$0x1] =	wrdreg $0xFFFFFFFF  }
0xa7: {  	s28 =	simm.s32 $_size_execute0_lowered;
	s3 =	sadd.s32 s3, s5;
	[dreg:$0x0] =	wrdreg $0x0  }
0xa8: {  	s5 =	sshll.u32 s28, $0x1;
	[dreg:$0x2] =	wrdreg s3  }
0xa9: {  	[dreg:$0x3] =	wrdreg s5  }
0xaa: {  	[dreg:$0x4] =	wrdreg $0xC0  }
0xab: {  	_ =	task [dreg:s7], $0x5FFFF  }
0xac: {  	[dreg:$0x1] =	wrdreg $0xFFFFFFFF  }
0xad: {  	[dreg:$0x0] =	wrdreg $0x60  }
0xae: {  	[dreg:$0x2] =	wrdreg s24  }
0xaf: {  	[dreg:$0x3] =	wrdreg s2  }
0xb0: {  	[dreg:$0x4] =	wrdreg $0x9  }
0xb1: {  	_ =	task.clear_ibuf [dreg:s7], $0x5FFFF;
	_ =	strace $0x90000049  }
0xb2: {  	s29 =	simm.s32 $0x9;
	_ =	strace $0x8000004B  }
0xb3: {  	_ =	swait.ge [sflag:s29], $0x1  }
0xb4: {  	[sflag:s29] =	ssyncadd.s32 $0xFFFFFFFF  }
0xb5: {  	_ =	strace $0x9000004B  }
0xb6: {  	_ =	sfence  }
0xb7: {  	s30 =	sld [smem:$0x0];
	_ =	sdelay $0x2  }
0xb8: {  	s31 =	sshll.u32 s1, $0xD;
	s1 =	sshrl.u32 s1, $0x2  }
0xb9: {  	s3 =	sand.u32 $0x4000, s31;
	s1 =	sadd.s32 s1, s30  }
0xba: {  	s0 =	sor.u32 s3, s0;
	s1 =	sshll.u32 s1, $0x11  }
0xbb: {  	s0 =	sor.u32 s1, s0  }
0xbc: {  	s0 =	sadd.s32 $0x8F2B, s0  }
0xbd: {  	[sflag:s0] =	ssyncadd.remote.s32 $0x1  }
0xbe: {  	_ =	sfence.sel $0xFFFF  }
0xbf: {  	[dreg:$0x0] =	wrdreg $0xFFFFFFFF;
	(pc) =	sbr.abs _section_cstart, $3  }
0xc0: {  	[dreg:$0x1] =	wrdreg $0xFFFFFFFF  }
0xc1: {  	_ =	task.clear_ibuf [dreg:s7], $0x2FFFF;
	_ =	strace $0x9FFFFFFF  }
0xc2: {  	(tm) =	ssettm $0x7FFFFFFF  }
0xc3: {  	_ =	shalt  }
tec
execute0_lowered:
.L_overlay_start_1:
0x0: {  	(tag) =	ssettag $0x1  }
0x1: {  	s0 =	rddreg [dreg:$0x0]  }
0x2: {  	s1 =	rddreg [dreg:$0x1]  }
0x3: {  	s2 =	srdreg.scid;
	s4 =	stileid.u32  }
0x4: {  	s13 =	simm.s32 $0x4100;
	s15 =	simm.s32 $0x17900;
	s16 =	simm.s32 $0x18100  }
0x5: {  	s17 =	simm.s32 $0x18900;
	s18 =	simm.s32 $0x19100;
	s19 =	simm.s32 $0x19900  }
0x6: {  	s20 =	simm.s32 $0x1A100;
	s21 =	simm.s32 $0x1A900;
	s22 =	simm.s32 $0x1B100  }
0x7: {  	s23 =	simm.s32 $0x1B900;
	s24 =	simm.s32 $0x1;
	s3 =	sand.u32 $0x1, s2  }
0x8: {  	s2 =	simm.s32 $0x0;
	s4 =	sshll.u32 s4, $0x7;
	s8 =	sadd.s32 $0xE00, s0  }
0x9: {  	s5 =	sshll.u32 s3, $0x6;
	[smem:$0x7FF] =	sst s2;
	s9 =	ssub.s32 $0x2, s3  }
0xa: {  	s3 =	sadd.s32 $0x1000, s0;
	s6 =	sor.u32 s5, s4;
	_ =	strace $0x8000004A  }
0xb: {  	s26 =	sshrl.u32 s9, $0x1;
	s7 =	sshll.u32 s6, $0x1;
	s4 =	sshll.u32 s6, $0x4  }
0xc: {  	s12 =	ssub.s32 s9, s26;
	s6 =	sshrl.u32 s6, $0x3;
	s26 =	simm.s32 $0x0  }
0xd: {  	s25 =	sand.u32 $0xF00, s7;
	s10 =	sadd.s32 s4, s0;
	s7 =	sor.u32 s5, s7  }
0xe: {  	s30 =	smul.u32 $0x300, s6;
	s6 =	sadd.s32 $0x1100, s0;
	s11 =	sor.u32 s5, s25  }
0xf: {  	s5 =	sadd.s32 $0x79000, s10;
	s29 =	sshrl.u32 s7, $0x3;
	s7 =	sadd.s32 $0x1200, s0  }
0x10: {  	v2 =	vlaneseq.u32;
	s9 =	sadd.s32 $0x81000, s10;
	s25 =	simm.s32 $0x2;
	s28 =	sshrl.u32 s11, $0x3  }
0x11: {  	vm0 =	vmmov $0xffff;
	v1 =	vshrl.u32 v2, $0x3;
	s31 =	sor.u32 $0x10, s29;
	s10 =	sadd.s32 s1, s30;
	s11 =	smax.u32 s12, $0x1  }
0x12: {  	v0 =	vand.u32 $0x7, v2;
	v2 =	vor.u32 $0x8, v2;
	v1 =	vmul.u32 $0x8, v1;
	s12 =	simm.s32 $0x3;
	s4 =	sadd.s32 s8, s28;
	s8 =	sadd.s32 s8, s31  }
.LBB2_1:
0x13: {  	[tilespmem:s2], [sflag:$0x3] =	stream.linear.gather [hbm4b:s4+s2], $0x40, $0x38;
	[tilespmem:$0x1C100] =	vst v63  }
0x14: {  	_ =	swait.ge [sflag:s12], $0x40  }
0x15: {  	[sflag:s12] =	ssyncset.done $0x0  }
0x16: {  	s28 =	simm.s32 $0x100;
	[sflag:s12] =	ssyncadd.s32 $0xFFFFFFC0  }
0x17: {  	[tilespmem:s28], [sflag:$0x3] =	stream.linear.gather [hbm4b:s5+s2], $0x2000, $0x38;
	[tilespmem:$0x1C100] =	vst v63  }
0x18: {  	_ =	swait.ge [sflag:s12], $0x2000  }
0x19: {  	[sflag:s12] =	ssyncset.done $0x0  }
0x1a: {  	[sflag:s12] =	ssyncadd.s32 $0xFFFFE000  }
0x1b: {  	v3 =	vld [tilespmem:$0x0];
	_ =	sdelay $0x4  }
0x1c: {  	v4 =	vshrl.u32 v3, $0x3  }
0x1d: {  	v4 =	vmul.u32 $0x30, v4  }
0x1e: {  	v3 =	vand.u32 $0x7, v3  }
0x1f: {  	v3 =	vor.u32 v3, v4  }
0x20: {  	v4 =	vperm.xlane v3, v0;
	_ =	sdelay $0x1  }
0x21: {  	v4 =	vadd.s32 v1, v4;
	_ =	sdelay $0x3  }
0x22: {  	v3 =	vperm.xlane v3, v2  }
0x23: {  	[tilespmem:s13], [sflag:$0x1] =	stream.indirect_vreg.gather [hbm4b:s3+s2], $0x80, v4, vm0, $0xb8;
	[tilespmem:$0x1C100] =	vst v63  }
0x24: {  	s0 =	simm.s32 $0x4900;
	v3 =	vadd.s32 v1, v3  }
0x25: {  	[tilespmem:s0], [sflag:$0x1] =	stream.indirect_vreg.gather [hbm4b:s6+s2], $0x80, v4, vm0, $0xb8;
	[tilespmem:$0x1C100] =	vst v63  }
0x26: {  	s14 =	simm.s32 $0x5100  }
0x27: {  	[tilespmem:s14], [sflag:$0x1] =	stream.indirect_vreg.gather [hbm4b:s7+s2], $0x80, v4, vm0, $0xb8;
	[tilespmem:$0x1C100] =	vst v63  }
0x28: {  	s1 =	simm.s32 $0x5900  }
0x29: {  	[tilespmem:s1], [sflag:$0x1] =	stream.indirect_vreg.gather [hbm4b:s3+s2], $0x80, v3, vm0, $0xb8;
	[tilespmem:$0x1C100] =	vst v63  }
0x2a: {  	s14 =	simm.s32 $0x6100  }
0x2b: {  	[tilespmem:s14], [sflag:$0x1] =	stream.indirect_vreg.gather [hbm4b:s6+s2], $0x80, v3, vm0, $0xb8;
	[tilespmem:$0x1C100] =	vst v63  }
0x2c: {  	s1 =	simm.s32 $0x6900  }
0x2d: {  	[tilespmem:s1], [sflag:$0x1] =	stream.indirect_vreg.gather [hbm4b:s7+s2], $0x80, v3, vm0, $0xb8;
	[tilespmem:$0x1C100] =	vst v63  }
0x2e: {  	v3 =	vld [tilespmem:$0x10];
	_ =	sdelay $0x4  }
0x2f: {  	v4 =	vshrl.u32 v3, $0x3  }
0x30: {  	v4 =	vmul.u32 $0x30, v4  }
0x31: {  	v3 =	vand.u32 $0x7, v3  }
0x32: {  	v3 =	vor.u32 v3, v4  }
0x33: {  	v4 =	vperm.xlane v3, v0;
	_ =	sdelay $0x1  }
0x34: {  	v4 =	vadd.s32 v1, v4;
	_ =	sdelay $0x3  }
0x35: {  	s14 =	simm.s32 $0x7100;
	v3 =	vperm.xlane v3, v2  }
0x36: {  	[tilespmem:s14], [sflag:$0x1] =	stream.indirect_vreg.gather [hbm4b:s3+s2], $0x80, v4, vm0, $0xb8;
	[tilespmem:$0x1C100] =	vst v63  }
0x37: {  	s1 =	simm.s32 $0x7900;
	v3 =	vadd.s32 v1, v3  }
0x38: {  	[tilespmem:s1], [sflag:$0x1] =	stream.indirect_vreg.gather [hbm4b:s6+s2], $0x80, v4, vm0, $0xb8;
	[tilespmem:$0x1C100] =	vst v63  }
0x39: {  	s14 =	simm.s32 $0x8100  }
0x3a: {  	[tilespmem:s14], [sflag:$0x1] =	stream.indirect_vreg.gather [hbm4b:s7+s2], $0x80, v4, vm0, $0xb8;
	[tilespmem:$0x1C100] =	vst v63  }
0x3b: {  	s1 =	simm.s32 $0x8900  }
0x3c: {  	[tilespmem:s1], [sflag:$0x1] =	stream.indirect_vreg.gather [hbm4b:s3+s2], $0x80, v3, vm0, $0xb8;
	[tilespmem:$0x1C100] =	vst v63  }
0x3d: {  	s14 =	simm.s32 $0x9100  }
0x3e: {  	[tilespmem:s14], [sflag:$0x1] =	stream.indirect_vreg.gather [hbm4b:s6+s2], $0x80, v3, vm0, $0xb8;
	[tilespmem:$0x1C100] =	vst v63  }
0x3f: {  	s1 =	simm.s32 $0x9900  }
0x40: {  	[tilespmem:s1], [sflag:$0x1] =	stream.indirect_vreg.gather [hbm4b:s7+s2], $0x80, v3, vm0, $0xb8;
	[tilespmem:$0x1C100] =	vst v63  }
0x41: {  	v3 =	vld [tilespmem:$0x20];
	_ =	sdelay $0x4  }
0x42: {  	v4 =	vshrl.u32 v3, $0x3  }
0x43: {  	v4 =	vmul.u32 $0x30, v4  }
0x44: {  	v3 =	vand.u32 $0x7, v3  }
0x45: {  	v3 =	vor.u32 v3, v4  }
0x46: {  	v4 =	vperm.xlane v3, v0;
	_ =	sdelay $0x1  }
0x47: {  	v4 =	vadd.s32 v1, v4;
	_ =	sdelay $0x3  }
0x48: {  	s14 =	simm.s32 $0xA100;
	v3 =	vperm.xlane v3, v2  }
0x49: {  	[tilespmem:s14], [sflag:$0x1] =	stream.indirect_vreg.gather [hbm4b:s3+s2], $0x80, v4, vm0, $0xb8;
	[tilespmem:$0x1C100] =	vst v63  }
0x4a: {  	s1 =	simm.s32 $0xA900;
	v3 =	vadd.s32 v1, v3  }
0x4b: {  	[tilespmem:s1], [sflag:$0x1] =	stream.indirect_vreg.gather [hbm4b:s6+s2], $0x80, v4, vm0, $0xb8;
	[tilespmem:$0x1C100] =	vst v63  }
0x4c: {  	s14 =	simm.s32 $0xB100  }
0x4d: {  	[tilespmem:s14], [sflag:$0x1] =	stream.indirect_vreg.gather [hbm4b:s7+s2], $0x80, v4, vm0, $0xb8;
	[tilespmem:$0x1C100] =	vst v63  }
0x4e: {  	s1 =	simm.s32 $0xB900  }
0x4f: {  	[tilespmem:s1], [sflag:$0x1] =	stream.indirect_vreg.gather [hbm4b:s3+s2], $0x80, v3, vm0, $0xb8;
	[tilespmem:$0x1C100] =	vst v63  }
0x50: {  	s14 =	simm.s32 $0xC100  }
0x51: {  	[tilespmem:s14], [sflag:$0x1] =	stream.indirect_vreg.gather [hbm4b:s6+s2], $0x80, v3, vm0, $0xb8;
	[tilespmem:$0x1C100] =	vst v63  }
0x52: {  	s1 =	simm.s32 $0xC900  }
0x53: {  	[tilespmem:s1], [sflag:$0x1] =	stream.indirect_vreg.gather [hbm4b:s7+s2], $0x80, v3, vm0, $0xb8;
	[tilespmem:$0x1C100] =	vst v63  }
0x54: {  	v3 =	vld [tilespmem:$0x30];
	_ =	sdelay $0x4  }
0x55: {  	v4 =	vshrl.u32 v3, $0x3  }
0x56: {  	v4 =	vmul.u32 $0x30, v4  }
0x57: {  	v3 =	vand.u32 $0x7, v3  }
0x58: {  	v3 =	vor.u32 v3, v4  }
0x59: {  	v4 =	vperm.xlane v3, v0;
	_ =	sdelay $0x1  }
0x5a: {  	v4 =	vadd.s32 v1, v4;
	_ =	sdelay $0x3  }
0x5b: {  	s14 =	simm.s32 $0xD100;
	v3 =	vperm.xlane v3, v2  }
0x5c: {  	[tilespmem:s14], [sflag:$0x1] =	stream.indirect_vreg.gather [hbm4b:s3+s2], $0x80, v4, vm0, $0xb8;
	[tilespmem:$0x1C100] =	vst v63  }
0x5d: {  	s1 =	simm.s32 $0xD900;
	v3 =	vadd.s32 v1, v3  }
0x5e: {  	[tilespmem:s1], [sflag:$0x1] =	stream.indirect_vreg.gather [hbm4b:s6+s2], $0x80, v4, vm0, $0xb8;
	[tilespmem:$0x1C100] =	vst v63  }
0x5f: {  	s14 =	simm.s32 $0xE100  }
0x60: {  	[tilespmem:s14], [sflag:$0x1] =	stream.indirect_vreg.gather [hbm4b:s7+s2], $0x80, v4, vm0, $0xb8;
	[tilespmem:$0x1C100] =	vst v63  }
0x61: {  	s1 =	simm.s32 $0xE900  }
0x62: {  	[tilespmem:s1], [sflag:$0x1] =	stream.indirect_vreg.gather [hbm4b:s3+s2], $0x80, v3, vm0, $0xb8;
	[tilespmem:$0x1C100] =	vst v63  }
0x63: {  	s14 =	simm.s32 $0xF100  }
0x64: {  	[tilespmem:s14], [sflag:$0x1] =	stream.indirect_vreg.gather [hbm4b:s6+s2], $0x80, v3, vm0, $0xb8;
	[tilespmem:$0x1C100] =	vst v63  }
0x65: {  	s1 =	simm.s32 $0xF900  }
0x66: {  	[tilespmem:s1], [sflag:$0x1] =	stream.indirect_vreg.gather [hbm4b:s7+s2], $0x80, v3, vm0, $0xb8;
	[tilespmem:$0x1C100] =	vst v63  }
0x67: {  	s14 =	simm.s32 $0x80  }
0x68: {  	[tilespmem:s14], [sflag:$0x3] =	stream.linear.gather [hbm4b:s8+s2], $0x40, $0x38;
	[tilespmem:$0x1C100] =	vst v63  }
0x69: {  	_ =	swait.ge [sflag:s12], $0x40  }
0x6a: {  	[sflag:s12] =	ssyncset.done $0x0  }
0x6b: {  	s29 =	simm.s32 $0x2100;
	[sflag:s12] =	ssyncadd.s32 $0xFFFFFFC0  }
0x6c: {  	[tilespmem:s29], [sflag:$0x3] =	stream.linear.gather [hbm4b:s9+s2], $0x2000, $0x38;
	[tilespmem:$0x1C100] =	vst v63  }
0x6d: {  	_ =	swait.ge [sflag:s12], $0x2000  }
0x6e: {  	[sflag:s12] =	ssyncset.done $0x0  }
0x6f: {  	[sflag:s12] =	ssyncadd.s32 $0xFFFFE000  }
0x70: {  	v3 =	vld [tilespmem:$0x80];
	_ =	sdelay $0x4  }
0x71: {  	v4 =	vshrl.u32 v3, $0x3  }
0x72: {  	v4 =	vmul.u32 $0x30, v4  }
0x73: {  	v3 =	vand.u32 $0x7, v3  }
0x74: {  	v3 =	vor.u32 v3, v4  }
0x75: {  	v4 =	vperm.xlane v3, v0;
	_ =	sdelay $0x1  }
0x76: {  	v4 =	vadd.s32 v1, v4;
	_ =	sdelay $0x3  }
0x77: {  	s1 =	simm.s32 $0x10100;
	v3 =	vperm.xlane v3, v2  }
0x78: {  	[tilespmem:s1], [sflag:$0x2] =	stream.indirect_vreg.gather [hbm4b:s3+s2], $0x80, v4, vm0, $0xb8;
	[tilespmem:$0x1C100] =	vst v63  }
0x79: {  	s14 =	simm.s32 $0x10900;
	v3 =	vadd.s32 v1, v3  }
0x7a: {  	[tilespmem:s14], [sflag:$0x2] =	stream.indirect_vreg.gather [hbm4b:s6+s2], $0x80, v4, vm0, $0xb8;
	[tilespmem:$0x1C100] =	vst v63  }
0x7b: {  	s1 =	simm.s32 $0x11100  }
0x7c: {  	[tilespmem:s1], [sflag:$0x2] =	stream.indirect_vreg.gather [hbm4b:s7+s2], $0x80, v4, vm0, $0xb8;
	[tilespmem:$0x1C100] =	vst v63  }
0x7d: {  	s14 =	simm.s32 $0x11900  }
0x7e: {  	[tilespmem:s14], [sflag:$0x2] =	stream.indirect_vreg.gather [hbm4b:s3+s2], $0x80, v3, vm0, $0xb8;
	[tilespmem:$0x1C100] =	vst v63  }
0x7f: {  	s1 =	simm.s32 $0x12100  }
0x80: {  	[tilespmem:s1], [sflag:$0x2] =	stream.indirect_vreg.gather [hbm4b:s6+s2], $0x80, v3, vm0, $0xb8;
	[tilespmem:$0x1C100] =	vst v63  }
0x81: {  	s14 =	simm.s32 $0x12900  }
0x82: {  	[tilespmem:s14], [sflag:$0x2] =	stream.indirect_vreg.gather [hbm4b:s7+s2], $0x80, v3, vm0, $0xb8;
	[tilespmem:$0x1C100] =	vst v63  }
0x83: {  	v3 =	vld [tilespmem:$0x90];
	_ =	sdelay $0x4  }
0x84: {  	v4 =	vshrl.u32 v3, $0x3  }
0x85: {  	v4 =	vmul.u32 $0x30, v4  }
0x86: {  	v3 =	vand.u32 $0x7, v3  }
0x87: {  	v3 =	vor.u32 v3, v4  }
0x88: {  	v4 =	vperm.xlane v3, v0;
	_ =	sdelay $0x1  }
0x89: {  	v4 =	vadd.s32 v1, v4;
	_ =	sdelay $0x3  }
0x8a: {  	s1 =	simm.s32 $0x13100;
	v3 =	vperm.xlane v3, v2  }
0x8b: {  	[tilespmem:s1], [sflag:$0x2] =	stream.indirect_vreg.gather [hbm4b:s3+s2], $0x80, v4, vm0, $0xb8;
	[tilespmem:$0x1C100] =	vst v63  }
0x8c: {  	s14 =	simm.s32 $0x13900;
	v3 =	vadd.s32 v1, v3  }
0x8d: {  	[tilespmem:s14], [sflag:$0x2] =	stream.indirect_vreg.gather [hbm4b:s6+s2], $0x80, v4, vm0, $0xb8;
	[tilespmem:$0x1C100] =	vst v63  }
0x8e: {  	s1 =	simm.s32 $0x14100  }
0x8f: {  	[tilespmem:s1], [sflag:$0x2] =	stream.indirect_vreg.gather [hbm4b:s7+s2], $0x80, v4, vm0, $0xb8;
	[tilespmem:$0x1C100] =	vst v63  }
0x90: {  	s14 =	simm.s32 $0x14900  }
0x91: {  	[tilespmem:s14], [sflag:$0x2] =	stream.indirect_vreg.gather [hbm4b:s3+s2], $0x80, v3, vm0, $0xb8;
	[tilespmem:$0x1C100] =	vst v63  }
0x92: {  	s1 =	simm.s32 $0x15100  }
0x93: {  	[tilespmem:s1], [sflag:$0x2] =	stream.indirect_vreg.gather [hbm4b:s6+s2], $0x80, v3, vm0, $0xb8;
	[tilespmem:$0x1C100] =	vst v63  }
0x94: {  	s14 =	simm.s32 $0x15900  }
0x95: {  	[tilespmem:s14], [sflag:$0x2] =	stream.indirect_vreg.gather [hbm4b:s7+s2], $0x80, v3, vm0, $0xb8;
	[tilespmem:$0x1C100] =	vst v63  }
0x96: {  	v3 =	vld [tilespmem:$0xA0];
	_ =	sdelay $0x4  }
0x97: {  	v4 =	vshrl.u32 v3, $0x3  }
0x98: {  	v4 =	vmul.u32 $0x30, v4  }
0x99: {  	v3 =	vand.u32 $0x7, v3  }
0x9a: {  	v3 =	vor.u32 v3, v4  }
0x9b: {  	v4 =	vperm.xlane v3, v0;
	_ =	sdelay $0x1  }
0x9c: {  	v4 =	vadd.s32 v1, v4;
	_ =	sdelay $0x3  }
0x9d: {  	s1 =	simm.s32 $0x16100;
	v3 =	vperm.xlane v3, v2  }
0x9e: {  	[tilespmem:s1], [sflag:$0x2] =	stream.indirect_vreg.gather [hbm4b:s3+s2], $0x80, v4, vm0, $0xb8;
	[tilespmem:$0x1C100] =	vst v63  }
0x9f: {  	s14 =	simm.s32 $0x16900;
	v3 =	vadd.s32 v1, v3  }
0xa0: {  	[tilespmem:s14], [sflag:$0x2] =	stream.indirect_vreg.gather [hbm4b:s6+s2], $0x80, v4, vm0, $0xb8;
	[tilespmem:$0x1C100] =	vst v63  }
0xa1: {  	s1 =	simm.s32 $0x17100  }
0xa2: {  	[tilespmem:s1], [sflag:$0x2] =	stream.indirect_vreg.gather [hbm4b:s7+s2], $0x80, v4, vm0, $0xb8;
	[tilespmem:$0x1C100] =	vst v63  }
0xa3: {  	_ = 	snop  }
0xa4: {  	[tilespmem:s15], [sflag:$0x2] =	stream.indirect_vreg.gather [hbm4b:s3+s2], $0x80, v3, vm0, $0xb8;
	[tilespmem:$0x1C100] =	vst v63  }
0xa5: {  	_ = 	snop  }
0xa6: {  	[tilespmem:s16], [sflag:$0x2] =	stream.indirect_vreg.gather [hbm4b:s6+s2], $0x80, v3, vm0, $0xb8;
	[tilespmem:$0x1C100] =	vst v63  }
0xa7: {  	_ = 	snop  }
0xa8: {  	[tilespmem:s17], [sflag:$0x2] =	stream.indirect_vreg.gather [hbm4b:s7+s2], $0x80, v3, vm0, $0xb8;
	[tilespmem:$0x1C100] =	vst v63  }
0xa9: {  	v3 =	vld [tilespmem:$0xB0];
	_ =	sdelay $0x4  }
0xaa: {  	v4 =	vshrl.u32 v3, $0x3  }
0xab: {  	v4 =	vmul.u32 $0x30, v4  }
0xac: {  	v3 =	vand.u32 $0x7, v3  }
0xad: {  	v3 =	vor.u32 v3, v4  }
0xae: {  	v4 =	vperm.xlane v3, v0;
	_ =	sdelay $0x1  }
0xaf: {  	v4 =	vadd.s32 v1, v4;
	_ =	sdelay $0x3  }
0xb0: {  	v3 =	vperm.xlane v3, v2  }
0xb1: {  	[tilespmem:s18], [sflag:$0x2] =	stream.indirect_vreg.gather [hbm4b:s3+s2], $0x80, v4, vm0, $0xb8;
	[tilespmem:$0x1C100] =	vst v63  }
0xb2: {  	v3 =	vadd.s32 v1, v3  }
0xb3: {  	[tilespmem:s19], [sflag:$0x2] =	stream.indirect_vreg.gather [hbm4b:s6+s2], $0x80, v4, vm0, $0xb8;
	[tilespmem:$0x1C100] =	vst v63  }
0xb4: {  	_ = 	snop  }
0xb5: {  	[tilespmem:s20], [sflag:$0x2] =	stream.indirect_vreg.gather [hbm4b:s7+s2], $0x80, v4, vm0, $0xb8;
	[tilespmem:$0x1C100] =	vst v63  }
0xb6: {  	_ = 	snop  }
0xb7: {  	[tilespmem:s21], [sflag:$0x2] =	stream.indirect_vreg.gather [hbm4b:s3+s2], $0x80, v3, vm0, $0xb8;
	[tilespmem:$0x1C100] =	vst v63  }
0xb8: {  	_ = 	snop  }
0xb9: {  	[tilespmem:s22], [sflag:$0x2] =	stream.indirect_vreg.gather [hbm4b:s6+s2], $0x80, v3, vm0, $0xb8;
	[tilespmem:$0x1C100] =	vst v63  }
0xba: {  	_ = 	snop  }
0xbb: {  	[tilespmem:s23], [sflag:$0x2] =	stream.indirect_vreg.gather [hbm4b:s7+s2], $0x80, v3, vm0, $0xb8;
	[tilespmem:$0x1C100] =	vst v63  }
0xbc: {  	_ =	swait.ge [sflag:s24], $0xC000  }
0xbd: {  	[sflag:s24] =	ssyncset.done $0x0  }
0xbe: {  	s14 =	simm.s32 $0x0;
	[sflag:s24] =	ssyncadd.s32 $0xFFFF4000  }
0xbf: {  	s0 =	smul.u32 $0x1800, s14;
	_ =	swait.ge [sflag:s25], $0xC000  }
0xc0: {  	s30 =	sand.u32 $0x380, s2;
	[sflag:s25] =	ssyncset.done $0x0  }
0xc1: {  	s0 =	sor.u32 s30, s0;
	[sflag:s25] =	ssyncadd.s32 $0xFFFF4000  }
0xc2: {  	v27 =	vld [tilespmem:s0+$0x4100]  }
0xc3: {  	v28 =	vld [tilespmem:s0+$0x10100]  }
0xc4: {  	v29 =	vld [tilespmem:s0+$0x4110]  }
0xc5: {  	v30 =	vld [tilespmem:s0+$0x10110]  }
0xc6: {  	v31 =	vld [tilespmem:s0+$0x4120]  }
0xc7: {  	v32 =	vld [tilespmem:s0+$0x10120]  }
0xc8: {  	v33 =	vld [tilespmem:s0+$0x4130]  }
0xc9: {  	v34 =	vld [tilespmem:s0+$0x10130]  }
0xca: {  	v4 =	vld [tilespmem:s0+$0x4140]  }
0xcb: {  	v3 =	vld [tilespmem:s0+$0x10140]  }
0xcc: {  	v5 =	vld [tilespmem:s0+$0x4150]  }
0xcd: {  	v6 =	vld [tilespmem:s0+$0x10150]  }
0xce: {  	v9 =	vld [tilespmem:s0+$0x4160]  }
0xcf: {  	v10 =	vld [tilespmem:s0+$0x4500]  }
0xd0: {  	v11 =	vld [tilespmem:s0+$0x4510]  }
0xd1: {  	v12 =	vld [tilespmem:s0+$0x4520]  }
0xd2: {  	v13 =	vld [tilespmem:s0+$0x4530]  }
0xd3: {  	v14 =	vld [tilespmem:s0+$0x4540]  }
0xd4: {  	v15 =	vld [tilespmem:s0+$0x4550]  }
0xd5: {  	v16 =	vld [tilespmem:s0+$0x4560]  }
0xd6: {  	v17 =	vld [tilespmem:s0+$0x4570]  }
0xd7: {  	v18 =	vld [tilespmem:s0+$0x4900]  }
0xd8: {  	v19 =	vld [tilespmem:s0+$0x4910]  }
0xd9: {  	v20 =	vld [tilespmem:s0+$0x4920]  }
0xda: {  	v21 =	vld [tilespmem:s0+$0x4930]  }
0xdb: {  	v22 =	vld [tilespmem:s0+$0x4940]  }
0xdc: {  	v23 =	vld [tilespmem:s0+$0x4950]  }
0xdd: {  	v24 =	vld [tilespmem:s0+$0x4960]  }
0xde: {  	v25 =	vld [tilespmem:s0+$0x4970]  }
0xdf: {  	v26 =	vld [tilespmem:s0+$0x4D00]  }
0xe0: {  	v35 =	vld [tilespmem:s0+$0x4D10]  }
0xe1: {  	v36 =	vld [tilespmem:s0+$0x4D20]  }
0xe2: {  	v37 =	vld [tilespmem:s0+$0x4D30]  }
0xe3: {  	v38 =	vld [tilespmem:s0+$0x4D40]  }
0xe4: {  	v39 =	vld [tilespmem:s0+$0x4D50]  }
0xe5: {  	v40 =	vld [tilespmem:s0+$0x4D60]  }
0xe6: {  	v41 =	vld [tilespmem:s0+$0x4D70]  }
0xe7: {  	v42 =	vld [tilespmem:s0+$0x5100]  }
0xe8: {  	v43 =	vld [tilespmem:s0+$0x5110]  }
0xe9: {  	v44 =	vld [tilespmem:s0+$0x5120]  }
0xea: {  	v45 =	vld [tilespmem:s0+$0x5130]  }
0xeb: {  	v46 =	vld [tilespmem:s0+$0x5140]  }
0xec: {  	v47 =	vld [tilespmem:s0+$0x5150]  }
0xed: {  	v48 =	vld [tilespmem:s0+$0x5160]  }
0xee: {  	v49 =	vld [tilespmem:s0+$0x11520]  }
0xef: {  	v50 =	vld [tilespmem:s0+$0x5520]  }
0xf0: {  	v7 =	vld [tilespmem:s29+$0x0]  }
0xf1: {  	v8 =	vld [tilespmem:s28+$0x0]  }
0xf2: {  	v51 =	vld [tilespmem:s0+$0x5170]  }
0xf3: {  	v52 =	vld [tilespmem:s0+$0x5500]  }
0xf4: {  	v53 =	vld [tilespmem:s0+$0x5510]  }
0xf5: {  	v54 =	vld [tilespmem:s0+$0x5530]  }
0xf6: {  	v55 =	vld [tilespmem:s0+$0x11530];
	v50 =	vmul.f32 v50, v8;
	v49 =	vmul.f32 v49, v7  }
0xf7: {  	v56 =	vld [tilespmem:s0+$0x11510];
	v34 =	vmul.f32 v34, v7;
	v33 =	vmul.f32 v33, v8  }
0xf8: {  	v57 =	vld [tilespmem:s0+$0x11500];
	v32 =	vmul.f32 v32, v7;
	v31 =	vmul.f32 v31, v8  }
0xf9: {  	v58 =	vld [tilespmem:s0+$0x11160];
	v29 =	vmul.f32 v29, v8;
	v30 =	vmul.f32 v30, v7;
	v49 =	vadd.f32 v49, v50  }
0xfa: {  	v59 =	vld [tilespmem:s0+$0x11150];
	v27 =	vmul.f32 v27, v8;
	v28 =	vmul.f32 v28, v7;
	v33 =	vadd.f32 v34, v33  }
0xfb: {  	v60 =	vmul.f32 v55, v7;
	v61 =	vmul.f32 v53, v8;
	v34 =	vld [tilespmem:s0+$0x11170];
	v31 =	vadd.f32 v32, v31;
	[tilespmem:s0+$0x5520] =	vst v49  }
0xfc: {  	v29 =	vadd.f32 v30, v29;
	v30 =	vmul.f32 v54, v8;
	v27 =	vadd.f32 v28, v27;
	v28 =	vld [tilespmem:s0+$0x11140];
	[tilespmem:s0+$0x4130] =	vst v33  }
0xfd: {  	v52 =	vmul.f32 v52, v8;
	v62 =	vmul.f32 v57, v7;
	v54 =	vld [tilespmem:s0+$0x11110];
	[tilespmem:s0+$0x4120] =	vst v31  }
0xfe: {  	v63 =	vmul.f32 v51, v8;
	v31 =	vmul.f32 v56, v7;
	[tilespmem:s0+$0x4110] =	vst v29;
	v29 =	vld [tilespmem:s0+$0x11130];
	v30 =	vadd.f32 v60, v30  }
0xff: {  	v48 =	vmul.f32 v48, v8;
	v32 =	vmul.f32 v58, v7;
	v55 =	vadd.f32 v62, v52;
	[tilespmem:s0+$0x4100] =	vst v27;
	v27 =	vld [tilespmem:s0+$0x11120]  }
0x100: {  	v57 =	vld [tilespmem:s0+$0x10D70];
	v33 =	vmul.f32 v59, v7;
	v31 =	vadd.f32 v31, v61;
	[tilespmem:s0+$0x5530] =	vst v30;
	v30 =	vmul.f32 v47, v8  }
0x101: {  	v45 =	vmul.f32 v45, v8;
	v56 =	vld [tilespmem:s0+$0x11100];
	v32 =	vadd.f32 v32, v48;
	[tilespmem:s0+$0x5500] =	vst v55;
	v34 =	vmul.f32 v34, v7  }
0x102: {  	v61 =	vld [tilespmem:s0+$0x10D40];
	v28 =	vmul.f32 v28, v7;
	[tilespmem:s0+$0x5510] =	vst v31;
	v31 =	vmul.f32 v46, v8;
	v30 =	vadd.f32 v33, v30  }
0x103: {  	[tilespmem:s0+$0x5160] =	vst v32;
	v62 =	vmul.f32 v54, v7;
	v54 =	vld [tilespmem:s0+$0x10D00];
	v34 =	vadd.f32 v34, v63;
	v29 =	vmul.f32 v29, v7  }
0x104: {  	v59 =	vmul.f32 v44, v8;
	v55 =	vld [tilespmem:s0+$0x10970];
	v27 =	vmul.f32 v27, v7;
	v28 =	vadd.f32 v28, v31;
	[tilespmem:s0+$0x5150] =	vst v30  }
0x105: {  	v26 =	vmul.f32 v26, v8;
	v58 =	vld [tilespmem:s0+$0x10D60];
	v31 =	vmul.f32 v43, v8;
	[tilespmem:s0+$0x5170] =	vst v34;
	v29 =	vadd.f32 v29, v45  }
0x106: {  	v60 =	vld [tilespmem:s0+$0x10D50];
	v49 =	vmul.f32 v56, v7;
	v30 =	vmul.f32 v42, v8;
	v27 =	vadd.f32 v27, v59;
	[tilespmem:s0+$0x5140] =	vst v28  }
0x107: {  	v50 =	vld [tilespmem:s0+$0x10D20];
	v51 =	vmul.f32 v57, v7;
	v28 =	vmul.f32 v41, v8;
	v31 =	vadd.f32 v62, v31;
	[tilespmem:s0+$0x5130] =	vst v29  }
0x108: {  	v63 =	vld [tilespmem:s0+$0x10D30];
	v32 =	vmul.f32 v61, v7;
	v30 =	vadd.f32 v49, v30;
	v61 =	vmul.f32 v54, v7;
	[tilespmem:s0+$0x5120] =	vst v27  }
0x109: {  	v25 =	vmul.f32 v25, v8;
	v52 =	vld [tilespmem:s0+$0x10D10];
	v62 =	vmul.f32 v55, v7;
	v28 =	vadd.f32 v51, v28;
	[tilespmem:s0+$0x5110] =	vst v31  }
0x10a: {  	v53 =	vmul.f32 v58, v7;
	v58 =	vld [tilespmem:s0+$0x10950];
	v29 =	vmul.f32 v40, v8;
	[tilespmem:s0+$0x5100] =	vst v30;
	v26 =	vadd.f32 v61, v26  }
0x10b: {  	v56 =	vld [tilespmem:s0+$0x10960];
	v34 =	vmul.f32 v60, v7;
	v27 =	vmul.f32 v39, v8;
	v25 =	vadd.f32 v62, v25;
	[tilespmem:s0+$0x4D70] =	vst v28  }
0x10c: {  	v59 =	vld [tilespmem:s0+$0x10940];
	v31 =	vmul.f32 v38, v8;
	v29 =	vadd.f32 v53, v29;
	[tilespmem:s0+$0x4D00] =	vst v26  }
0x10d: {  	v30 =	vmul.f32 v37, v8;
	v57 =	vmul.f32 v63, v7;
	v27 =	vadd.f32 v34, v27;
	v26 =	vld [tilespmem:s0+$0x10560];
	[tilespmem:s0+$0x4970] =	vst v25  }
0x10e: {  	v33 =	vmul.f32 v50, v7;
	v28 =	vmul.f32 v36, v8;
	v31 =	vadd.f32 v32, v31;
	v25 =	vld [tilespmem:s0+$0x10550];
	[tilespmem:s0+$0x4D60] =	vst v29  }
0x10f: {  	v60 =	vmul.f32 v52, v7;
	v30 =	vadd.f32 v57, v30;
	v29 =	vmul.f32 v35, v8;
	[tilespmem:s0+$0x4D50] =	vst v27;
	v27 =	vld [tilespmem:s0+$0x10930]  }
0x110: {  	v24 =	vmul.f32 v24, v8;
	v63 =	vmul.f32 v56, v7;
	v28 =	vadd.f32 v33, v28;
	[tilespmem:s0+$0x4D40] =	vst v31;
	v31 =	vld [tilespmem:s0+$0x10920]  }
0x111: {  	v23 =	vmul.f32 v23, v8;
	v34 =	vmul.f32 v58, v7;
	[tilespmem:s0+$0x4D30] =	vst v30;
	v30 =	vld [tilespmem:s0+$0x10910];
	v29 =	vadd.f32 v60, v29  }
0x112: {  	v22 =	vmul.f32 v22, v8;
	v32 =	vmul.f32 v59, v7;
	v24 =	vadd.f32 v63, v24;
	[tilespmem:s0+$0x4D20] =	vst v28;
	v28 =	vld [tilespmem:s0+$0x10900]  }
0x113: {  	v16 =	vmul.f32 v16, v8;
	v23 =	vadd.f32 v34, v23;
	[tilespmem:s0+$0x4D10] =	vst v29;
	v29 =	vld [tilespmem:s0+$0x10570];
	v26 =	vmul.f32 v26, v7  }
0x114: {  	v21 =	vmul.f32 v21, v8;
	v22 =	vadd.f32 v32, v22;
	[tilespmem:s0+$0x4960] =	vst v24;
	v24 =	vld [tilespmem:s0+$0x10540];
	v27 =	vmul.f32 v27, v7  }
0x115: {  	v20 =	vmul.f32 v20, v8;
	[tilespmem:s0+$0x4950] =	vst v23;
	v23 =	vld [tilespmem:s0+$0x10530];
	v31 =	vmul.f32 v31, v7;
	v16 =	vadd.f32 v26, v16  }
0x116: {  	v19 =	vmul.f32 v19, v8;
	[tilespmem:s0+$0x4940] =	vst v22;
	v22 =	vld [tilespmem:s0+$0x10520];
	v30 =	vmul.f32 v30, v7;
	v21 =	vadd.f32 v27, v21  }
0x117: {  	v18 =	vmul.f32 v18, v8;
	v27 =	vmul.f32 v28, v7;
	v20 =	vadd.f32 v31, v20;
	[tilespmem:s0+$0x4560] =	vst v16;
	v16 =	vld [tilespmem:s0+$0x11540]  }
0x118: {  	v17 =	vmul.f32 v17, v8;
	v19 =	vadd.f32 v30, v19;
	v28 =	vmul.f32 v29, v7;
	[tilespmem:s0+$0x4930] =	vst v21;
	v21 =	vld [tilespmem:s0+$0x10510]  }
0x119: {  	v15 =	vmul.f32 v15, v8;
	v25 =	vmul.f32 v25, v7;
	v18 =	vadd.f32 v27, v18;
	[tilespmem:s0+$0x4920] =	vst v20;
	v20 =	vld [tilespmem:s0+$0x10500]  }
0x11a: {  	v14 =	vmul.f32 v14, v8;
	v24 =	vmul.f32 v24, v7;
	[tilespmem:s0+$0x4910] =	vst v19;
	v19 =	vld [tilespmem:s0+$0x4170];
	v17 =	vadd.f32 v28, v17  }
0x11b: {  	v13 =	vmul.f32 v13, v8;
	v15 =	vadd.f32 v25, v15;
	v23 =	vmul.f32 v23, v7;
	[tilespmem:s0+$0x4900] =	vst v18;
	v18 =	vld [tilespmem:s0+$0x10170]  }
0x11c: {  	v12 =	vmul.f32 v12, v8;
	v22 =	vmul.f32 v22, v7;
	v14 =	vadd.f32 v24, v14;
	[tilespmem:s0+$0x4570] =	vst v17;
	v17 =	vld [tilespmem:s0+$0x10160]  }
0x11d: {  	s30 =	simm.s32 $0x0;
	[tilespmem:s0+$0x4550] =	vst v15;
	v15 =	vld [tilespmem:s0+$0x11550];
	v13 =	vadd.f32 v23, v13  }
0x11e: {  	s31 =	simm.s32 $0x80;
	s30 =	smul.u32 $0x1800, s30;
	v11 =	vmul.f32 v11, v8;
	v12 =	vadd.f32 v22, v12;
	[tilespmem:s0+$0x4540] =	vst v14;
	v14 =	vld [tilespmem:s0+$0x11560];
	v21 =	vmul.f32 v21, v7  }
0x11f: {  	s1 =	sand.u32 $0x380, s31;
	v10 =	vmul.f32 v10, v8;
	[tilespmem:s0+$0x4530] =	vst v13;
	v13 =	vld [tilespmem:s0+$0x5540];
	v20 =	vmul.f32 v20, v7  }
0x120: {  	s30 =	sor.u32 s1, s30;
	[tilespmem:s0+$0x4520] =	vst v12;
	v12 =	vld [tilespmem:s0+$0x5550];
	v19 =	vmul.f32 v19, v8;
	v11 =	vadd.f32 v21, v11;
	v18 =	vmul.f32 v18, v7  }
0x121: {  	v9 =	vmul.f32 v9, v8;
	v38 =	vld [tilespmem:s30+$0x4110];
	v10 =	vadd.f32 v20, v10;
	v17 =	vmul.f32 v17, v7  }
0x122: {  	v5 =	vmul.f32 v5, v8;
	v6 =	vmul.f32 v6, v7;
	[tilespmem:s0+$0x4510] =	vst v11;
	v11 =	vld [tilespmem:s0+$0x5560];
	v18 =	vadd.f32 v18, v19  }
0x123: {  	v4 =	vmul.f32 v4, v8;
	v3 =	vmul.f32 v3, v7;
	[tilespmem:s0+$0x4500] =	vst v10;
	v10 =	vld [tilespmem:s0+$0x5570];
	v9 =	vadd.f32 v17, v9  }
0x124: {  	v5 =	vadd.f32 v6, v5;
	v34 =	vld [tilespmem:s30+$0x10100];
	[tilespmem:s0+$0x4170] =	vst v18  }
0x125: {  	v3 =	vadd.f32 v3, v4;
	v6 =	vmul.f32 v13, v8;
	v17 =	vld [tilespmem:s0+$0x11570];
	[tilespmem:s0+$0x4160] =	vst v9;
	v9 =	vmul.f32 v16, v7  }
0x126: {  	v4 =	vmul.f32 v12, v8;
	v39 =	vld [tilespmem:s30+$0x10110];
	[tilespmem:s0+$0x4150] =	vst v5;
	v5 =	vmul.f32 v15, v7  }
0x127: {  	v42 =	vld [tilespmem:s30+$0x4120];
	v6 =	vadd.f32 v9, v6;
	[tilespmem:s0+$0x4140] =	vst v3;
	v3 =	vmul.f32 v11, v8;
	v9 =	vmul.f32 v14, v7  }
0x128: {  	v36 =	vld [tilespmem:s30+$0x4100];
	v4 =	vadd.f32 v5, v4  }
0x129: {  	v44 =	vld [tilespmem:s30+$0x10120];
	[tilespmem:s0+$0x5540] =	vst v6;
	v3 =	vadd.f32 v9, v3  }
0x12a: {  	v46 =	vld [tilespmem:s30+$0x4130];
	[tilespmem:s0+$0x5550] =	vst v4  }
0x12b: {  	v48 =	vld [tilespmem:s30+$0x10130];
	[tilespmem:s0+$0x5560] =	vst v3  }
0x12c: {  	v5 =	vmul.f32 v10, v8;
	v6 =	vmul.f32 v17, v7;
	v4 =	vld [tilespmem:s30+$0x4140]  }
0x12d: {  	v14 =	vld [tilespmem:s30+$0x4530]  }
0x12e: {  	v5 =	vadd.f32 v6, v5;
	v22 =	vld [tilespmem:s30+$0x4930]  }
0x12f: {  	v32 =	vld [tilespmem:s30+$0x4D30]  }
0x130: {  	v47 =	vld [tilespmem:s30+$0x5130];
	[tilespmem:s0+$0x5570] =	vst v5  }
0x131: {  	v3 =	vld [tilespmem:s30+$0x10140]  }
0x132: {  	v6 =	vld [tilespmem:s30+$0x4150]  }
0x133: {  	v5 =	vld [tilespmem:s30+$0x10150]  }
0x134: {  	v8 =	vld [tilespmem:s30+$0x4160]  }
0x135: {  	v7 =	vld [tilespmem:s30+$0x10160]  }
0x136: {  	v10 =	vld [tilespmem:s30+$0x4170]  }
0x137: {  	v9 =	vld [tilespmem:s30+$0x10170]  }
0x138: {  	v11 =	vld [tilespmem:s30+$0x4500]  }
0x139: {  	v12 =	vld [tilespmem:s30+$0x4510]  }
0x13a: {  	v13 =	vld [tilespmem:s30+$0x4520]  }
0x13b: {  	v15 =	vld [tilespmem:s30+$0x4540]  }
0x13c: {  	v16 =	vld [tilespmem:s30+$0x4550]  }
0x13d: {  	v17 =	vld [tilespmem:s30+$0x4560]  }
0x13e: {  	v18 =	vld [tilespmem:s30+$0x4570]  }
0x13f: {  	v19 =	vld [tilespmem:s30+$0x4900]  }
0x140: {  	v20 =	vld [tilespmem:s30+$0x4910]  }
0x141: {  	v21 =	vld [tilespmem:s30+$0x4920]  }
0x142: {  	v23 =	vld [tilespmem:s30+$0x4940]  }
0x143: {  	v24 =	vld [tilespmem:s30+$0x4950]  }
0x144: {  	v25 =	vld [tilespmem:s30+$0x4960]  }
0x145: {  	v26 =	vld [tilespmem:s30+$0x4970]  }
0x146: {  	v27 =	vld [tilespmem:s30+$0x4D00]  }
0x147: {  	v28 =	vld [tilespmem:s30+$0x4D10]  }
0x148: {  	v30 =	vld [tilespmem:s30+$0x4D20]  }
0x149: {  	v33 =	vld [tilespmem:s30+$0x4D40]  }
0x14a: {  	v35 =	vld [tilespmem:s30+$0x4D50]  }
0x14b: {  	v37 =	vld [tilespmem:s30+$0x4D60]  }
0x14c: {  	v40 =	vld [tilespmem:s30+$0x4D70]  }
0x14d: {  	v41 =	vld [tilespmem:s30+$0x5100]  }
0x14e: {  	v43 =	vld [tilespmem:s30+$0x5110]  }
0x14f: {  	v45 =	vld [tilespmem:s30+$0x5120]  }
0x150: {  	v49 =	vld [tilespmem:s30+$0x5140]  }
0x151: {  	v50 =	vld [tilespmem:s30+$0x5150]  }
0x152: {  	s0 =	simm.s32 $0x2;
	v51 =	vld [tilespmem:s30+$0x5160]  }
.LBB2_2:
0x153: {  	p0 =	sne.s32 s0, $0x3F;
	v52 =	vld [tilespmem:s30+$0x11520]  }
0x154: {  	s29 =	sadd.s32 $0x80, s29;
	v53 =	vld [tilespmem:s30+$0x5520]  }
0x155: {  	s28 =	sadd.s32 $0x80, s28;
	v29 =	vld [tilespmem:s29+$0x0]  }
0x156: {  	v31 =	vld [tilespmem:s28+$0x0]  }
0x157: {  	v54 =	vld [tilespmem:s30+$0x5170]  }
0x158: {  	v55 =	vld [tilespmem:s30+$0x5500]  }
0x159: {  	v56 =	vld [tilespmem:s30+$0x5510]  }
0x15a: {  	v44 =	vmul.f32 v44, v29;
	v48 =	vmul.f32 v48, v29;
	v57 =	vld [tilespmem:s30+$0x5530]  }
0x15b: {  	v52 =	vmul.f32 v52, v29;
	v53 =	vmul.f32 v53, v31;
	v58 =	vld [tilespmem:s30+$0x11530]  }
0x15c: {  	v42 =	vmul.f32 v42, v31;
	v46 =	vmul.f32 v46, v31;
	v59 =	vld [tilespmem:s30+$0x11510]  }
0x15d: {  	v39 =	vmul.f32 v39, v29;
	v38 =	vmul.f32 v38, v31;
	v60 =	vld [tilespmem:s30+$0x11500];
	v52 =	vadd.f32 v52, v53  }
0x15e: {  	v36 =	vmul.f32 v36, v31;
	v42 =	vadd.f32 v44, v42;
	v44 =	vadd.f32 v48, v46;
	v46 =	vld [tilespmem:s30+$0x11170]  }
0x15f: {  	v34 =	vmul.f32 v34, v29;
	v38 =	vadd.f32 v39, v38;
	v39 =	vld [tilespmem:s30+$0x11160];
	[tilespmem:s30+$0x5520] =	vst v52;
	v48 =	vmul.f32 v57, v31  }
0x160: {  	v52 =	vmul.f32 v56, v31;
	[tilespmem:s30+$0x4130] =	vst v44;
	v44 =	vld [tilespmem:s30+$0x11150];
	v53 =	vmul.f32 v58, v29  }
0x161: {  	v34 =	vadd.f32 v34, v36;
	[tilespmem:s30+$0x4120] =	vst v42;
	v36 =	vld [tilespmem:s30+$0x11140];
	v42 =	vmul.f32 v55, v31;
	v55 =	vmul.f32 v59, v29  }
0x162: {  	v54 =	vmul.f32 v54, v31;
	[tilespmem:s30+$0x4110] =	vst v38;
	v38 =	vld [tilespmem:s30+$0x11130];
	v56 =	vmul.f32 v60, v29;
	v48 =	vadd.f32 v53, v48  }
0x163: {  	v51 =	vmul.f32 v51, v31;
	[tilespmem:s30+$0x4100] =	vst v34;
	v34 =	vld [tilespmem:s30+$0x11120];
	v46 =	vmul.f32 v46, v29;
	v52 =	vadd.f32 v55, v52  }
0x164: {  	v50 =	vmul.f32 v50, v31;
	v53 =	vld [tilespmem:s30+$0x11110];
	v39 =	vmul.f32 v39, v29;
	v42 =	vadd.f32 v56, v42;
	[tilespmem:s30+$0x5530] =	vst v48  }
0x165: {  	v49 =	vmul.f32 v49, v31;
	v48 =	vld [tilespmem:s30+$0x11100];
	v44 =	vmul.f32 v44, v29;
	v46 =	vadd.f32 v46, v54;
	[tilespmem:s30+$0x5510] =	vst v52  }
0x166: {  	v47 =	vmul.f32 v47, v31;
	v52 =	vld [tilespmem:s30+$0x10D70];
	v36 =	vmul.f32 v36, v29;
	v39 =	vadd.f32 v39, v51;
	[tilespmem:s30+$0x5500] =	vst v42  }
0x167: {  	v45 =	vmul.f32 v45, v31;
	v42 =	vld [tilespmem:s30+$0x10D60];
	v38 =	vmul.f32 v38, v29;
	v44 =	vadd.f32 v44, v50;
	[tilespmem:s30+$0x5170] =	vst v46  }
0x168: {  	v43 =	vmul.f32 v43, v31;
	v46 =	vld [tilespmem:s30+$0x10D50];
	v34 =	vmul.f32 v34, v29;
	v36 =	vadd.f32 v36, v49;
	[tilespmem:s30+$0x5160] =	vst v39  }
0x169: {  	v41 =	vmul.f32 v41, v31;
	v39 =	vld [tilespmem:s30+$0x10D40];
	v49 =	vmul.f32 v53, v29;
	v38 =	vadd.f32 v38, v47;
	[tilespmem:s30+$0x5150] =	vst v44  }
0x16a: {  	v40 =	vmul.f32 v40, v31;
	v44 =	vld [tilespmem:s30+$0x10D30];
	v47 =	vmul.f32 v48, v29;
	v34 =	vadd.f32 v34, v45;
	[tilespmem:s30+$0x5140] =	vst v36  }
0x16b: {  	v37 =	vmul.f32 v37, v31;
	v36 =	vld [tilespmem:s30+$0x10D20];
	v45 =	vmul.f32 v52, v29;
	v43 =	vadd.f32 v49, v43;
	[tilespmem:s30+$0x5130] =	vst v38  }
0x16c: {  	v35 =	vmul.f32 v35, v31;
	v38 =	vld [tilespmem:s30+$0x10D10];
	v42 =	vmul.f32 v42, v29;
	v41 =	vadd.f32 v47, v41;
	[tilespmem:s30+$0x5120] =	vst v34  }
0x16d: {  	v33 =	vmul.f32 v33, v31;
	v34 =	vld [tilespmem:s30+$0x10D00];
	v46 =	vmul.f32 v46, v29;
	v40 =	vadd.f32 v45, v40;
	[tilespmem:s30+$0x5110] =	vst v43  }
0x16e: {  	v32 =	vmul.f32 v32, v31;
	v43 =	vld [tilespmem:s30+$0x10970];
	v39 =	vmul.f32 v39, v29;
	v37 =	vadd.f32 v42, v37;
	[tilespmem:s30+$0x5100] =	vst v41  }
0x16f: {  	v30 =	vmul.f32 v30, v31;
	v41 =	vld [tilespmem:s30+$0x10960];
	v42 =	vmul.f32 v44, v29;
	v35 =	vadd.f32 v46, v35;
	[tilespmem:s30+$0x4D70] =	vst v40  }
0x170: {  	v28 =	vmul.f32 v28, v31;
	v40 =	vld [tilespmem:s30+$0x10950];
	v36 =	vmul.f32 v36, v29;
	v33 =	vadd.f32 v39, v33;
	[tilespmem:s30+$0x4D60] =	vst v37  }
0x171: {  	v27 =	vmul.f32 v27, v31;
	v37 =	vld [tilespmem:s30+$0x10940];
	v38 =	vmul.f32 v38, v29;
	v32 =	vadd.f32 v42, v32;
	[tilespmem:s30+$0x4D50] =	vst v35  }
0x172: {  	v26 =	vmul.f32 v26, v31;
	v35 =	vld [tilespmem:s30+$0x10930];
	v34 =	vmul.f32 v34, v29;
	v30 =	vadd.f32 v36, v30;
	[tilespmem:s30+$0x4D40] =	vst v33  }
0x173: {  	v25 =	vmul.f32 v25, v31;
	v33 =	vld [tilespmem:s30+$0x10920];
	v36 =	vmul.f32 v43, v29;
	v28 =	vadd.f32 v38, v28;
	[tilespmem:s30+$0x4D30] =	vst v32  }
0x174: {  	v24 =	vmul.f32 v24, v31;
	v32 =	vld [tilespmem:s30+$0x10910];
	v38 =	vmul.f32 v41, v29;
	v27 =	vadd.f32 v34, v27;
	[tilespmem:s30+$0x4D20] =	vst v30  }
0x175: {  	v23 =	vmul.f32 v23, v31;
	v30 =	vld [tilespmem:s30+$0x10900];
	v34 =	vmul.f32 v40, v29;
	v26 =	vadd.f32 v36, v26;
	[tilespmem:s30+$0x4D10] =	vst v28  }
0x176: {  	v22 =	vmul.f32 v22, v31;
	v28 =	vld [tilespmem:s30+$0x10570];
	v36 =	vmul.f32 v37, v29;
	v25 =	vadd.f32 v38, v25;
	[tilespmem:s30+$0x4D00] =	vst v27  }
0x177: {  	v21 =	vmul.f32 v21, v31;
	v27 =	vld [tilespmem:s30+$0x10560];
	v35 =	vmul.f32 v35, v29;
	v24 =	vadd.f32 v34, v24;
	[tilespmem:s30+$0x4970] =	vst v26  }
0x178: {  	v20 =	vmul.f32 v20, v31;
	v26 =	vld [tilespmem:s30+$0x10550];
	v33 =	vmul.f32 v33, v29;
	v23 =	vadd.f32 v36, v23;
	[tilespmem:s30+$0x4960] =	vst v25  }
0x179: {  	v19 =	vmul.f32 v19, v31;
	v25 =	vld [tilespmem:s30+$0x10540];
	v32 =	vmul.f32 v32, v29;
	v22 =	vadd.f32 v35, v22;
	[tilespmem:s30+$0x4950] =	vst v24  }
0x17a: {  	v18 =	vmul.f32 v18, v31;
	v24 =	vld [tilespmem:s30+$0x10530];
	v30 =	vmul.f32 v30, v29;
	v21 =	vadd.f32 v33, v21;
	[tilespmem:s30+$0x4940] =	vst v23  }
0x17b: {  	v17 =	vmul.f32 v17, v31;
	v23 =	vld [tilespmem:s30+$0x10520];
	v28 =	vmul.f32 v28, v29;
	v20 =	vadd.f32 v32, v20;
	[tilespmem:s30+$0x4930] =	vst v22  }
0x17c: {  	v16 =	vmul.f32 v16, v31;
	v22 =	vld [tilespmem:s30+$0x10510];
	v27 =	vmul.f32 v27, v29;
	v19 =	vadd.f32 v30, v19;
	[tilespmem:s30+$0x4920] =	vst v21  }
0x17d: {  	v15 =	vmul.f32 v15, v31;
	v21 =	vld [tilespmem:s30+$0x10500];
	v26 =	vmul.f32 v26, v29;
	v18 =	vadd.f32 v28, v18;
	[tilespmem:s30+$0x4910] =	vst v20  }
0x17e: {  	v14 =	vmul.f32 v14, v31;
	v20 =	vmul.f32 v25, v29;
	v17 =	vadd.f32 v27, v17;
	[tilespmem:s30+$0x4900] =	vst v19;
	v19 =	vld [tilespmem:s30+$0x11540]  }
0x17f: {  	v13 =	vmul.f32 v13, v31;
	v24 =	vmul.f32 v24, v29;
	v16 =	vadd.f32 v26, v16;
	[tilespmem:s30+$0x4570] =	vst v18;
	v18 =	vld [tilespmem:s30+$0x11550]  }
0x180: {  	v12 =	vmul.f32 v12, v31;
	v23 =	vmul.f32 v23, v29;
	v15 =	vadd.f32 v20, v15;
	[tilespmem:s30+$0x4560] =	vst v17;
	v17 =	vld [tilespmem:s30+$0x11560]  }
0x181: {  	v11 =	vmul.f32 v11, v31;
	v20 =	vmul.f32 v22, v29;
	v14 =	vadd.f32 v24, v14;
	[tilespmem:s30+$0x4550] =	vst v16;
	v16 =	vld [tilespmem:s30+$0x5540]  }
0x182: {  	s1 =	sshrl.u32 s0, $0x3;
	v10 =	vmul.f32 v10, v31;
	v21 =	vmul.f32 v21, v29;
	v13 =	vadd.f32 v23, v13;
	[tilespmem:s30+$0x4540] =	vst v15;
	v15 =	vld [tilespmem:s30+$0x5550]  }
0x183: {  	s31 =	sadd.s32 $0x80, s31;
	s1 =	smul.u32 $0x1800, s1;
	v9 =	vmul.f32 v9, v29;
	v8 =	vmul.f32 v8, v31;
	v12 =	vadd.f32 v20, v12;
	[tilespmem:s30+$0x4530] =	vst v14;
	v14 =	vld [tilespmem:s30+$0x5560]  }
0x184: {  	s14 =	sand.u32 $0x380, s31;
	v7 =	vmul.f32 v7, v29;
	v6 =	vmul.f32 v6, v31;
	v11 =	vadd.f32 v21, v11;
	[tilespmem:s30+$0x4520] =	vst v13;
	v13 =	vld [tilespmem:s30+$0x5570]  }
0x185: {  	s1 =	sor.u32 s14, s1;
	v5 =	vmul.f32 v5, v29;
	v4 =	vmul.f32 v4, v31;
	v9 =	vadd.f32 v9, v10;
	[tilespmem:s30+$0x4510] =	vst v12;
	v10 =	vld [tilespmem:s30+$0x11570]  }
0x186: {  	v3 =	vmul.f32 v3, v29;
	v7 =	vadd.f32 v7, v8;
	v36 =	vld [tilespmem:s1+$0x4100];
	[tilespmem:s30+$0x4500] =	vst v11;
	v8 =	vmul.f32 v16, v31  }
0x187: {  	v5 =	vadd.f32 v5, v6;
	v6 =	vmul.f32 v19, v29;
	v34 =	vld [tilespmem:s1+$0x10100];
	[tilespmem:s30+$0x4170] =	vst v9;
	v9 =	vmul.f32 v15, v31  }
0x188: {  	v3 =	vadd.f32 v3, v4;
	v4 =	vmul.f32 v18, v29;
	v38 =	vld [tilespmem:s1+$0x4110];
	[tilespmem:s30+$0x4160] =	vst v7;
	v7 =	vmul.f32 v14, v31  }
0x189: {  	v39 =	vld [tilespmem:s1+$0x10110];
	[tilespmem:s30+$0x4150] =	vst v5;
	v5 =	vadd.f32 v6, v8;
	v6 =	vmul.f32 v17, v29;
	v8 =	vmul.f32 v13, v31  }
0x18a: {  	v42 =	vld [tilespmem:s1+$0x4120];
	[tilespmem:s30+$0x4140] =	vst v3;
	v3 =	vadd.f32 v4, v9;
	v4 =	vmul.f32 v10, v29  }
0x18b: {  	v44 =	vld [tilespmem:s1+$0x10120];
	[tilespmem:s30+$0x5540] =	vst v5;
	v5 =	vadd.f32 v6, v7  }
0x18c: {  	v46 =	vld [tilespmem:s1+$0x4130];
	[tilespmem:s30+$0x5550] =	vst v3;
	v3 =	vadd.f32 v4, v8  }
0x18d: {  	v48 =	vld [tilespmem:s1+$0x10130];
	[tilespmem:s30+$0x5560] =	vst v5  }
0x18e: {  	v4 =	vld [tilespmem:s1+$0x4140];
	[tilespmem:s30+$0x5570] =	vst v3;
	s30 =	smov.u32 s1  }
0x18f: {  	v3 =	vld [tilespmem:s30+$0x10140]  }
0x190: {  	v6 =	vld [tilespmem:s30+$0x4150]  }
0x191: {  	v5 =	vld [tilespmem:s30+$0x10150]  }
0x192: {  	v8 =	vld [tilespmem:s30+$0x4160]  }
0x193: {  	v7 =	vld [tilespmem:s30+$0x10160]  }
0x194: {  	v10 =	vld [tilespmem:s30+$0x4170]  }
0x195: {  	v9 =	vld [tilespmem:s30+$0x10170]  }
0x196: {  	v11 =	vld [tilespmem:s30+$0x4500]  }
0x197: {  	v12 =	vld [tilespmem:s30+$0x4510]  }
0x198: {  	v13 =	vld [tilespmem:s30+$0x4520]  }
0x199: {  	v14 =	vld [tilespmem:s30+$0x4530]  }
0x19a: {  	v15 =	vld [tilespmem:s30+$0x4540]  }
0x19b: {  	v16 =	vld [tilespmem:s30+$0x4550]  }
0x19c: {  	v17 =	vld [tilespmem:s30+$0x4560]  }
0x19d: {  	v18 =	vld [tilespmem:s30+$0x4570]  }
0x19e: {  	v19 =	vld [tilespmem:s30+$0x4900]  }
0x19f: {  	v20 =	vld [tilespmem:s30+$0x4910]  }
0x1a0: {  	v21 =	vld [tilespmem:s30+$0x4920]  }
0x1a1: {  	v22 =	vld [tilespmem:s30+$0x4930]  }
0x1a2: {  	v23 =	vld [tilespmem:s30+$0x4940]  }
0x1a3: {  	v24 =	vld [tilespmem:s30+$0x4950]  }
0x1a4: {  	v25 =	vld [tilespmem:s30+$0x4960]  }
0x1a5: {  	v26 =	vld [tilespmem:s30+$0x4970]  }
0x1a6: {  	v27 =	vld [tilespmem:s30+$0x4D00]  }
0x1a7: {  	v28 =	vld [tilespmem:s30+$0x4D10]  }
0x1a8: {  	v30 =	vld [tilespmem:s30+$0x4D20]  }
0x1a9: {  	v32 =	vld [tilespmem:s30+$0x4D30]  }
0x1aa: {  	v33 =	vld [tilespmem:s30+$0x4D40]  }
0x1ab: {  	v35 =	vld [tilespmem:s30+$0x4D50]  }
0x1ac: {  	v37 =	vld [tilespmem:s30+$0x4D60]  }
0x1ad: {  	v40 =	vld [tilespmem:s30+$0x4D70]  }
0x1ae: {  	v41 =	vld [tilespmem:s30+$0x5100]  }
0x1af: {  	v43 =	vld [tilespmem:s30+$0x5110]  }
.Ltmp0:
0x1b0: {  	v45 =	vld [tilespmem:s30+$0x5120];
	(pc) =	sbr.rel @p0 .LBB2_2-.Ltmp0, $4  }
0x1b1: {  	v47 =	vld [tilespmem:s30+$0x5130]  }
0x1b2: {  	v49 =	vld [tilespmem:s30+$0x5140]  }
0x1b3: {  	v50 =	vld [tilespmem:s30+$0x5150]  }
0x1b4: {  	s0 =	sadd.s32 $0x1, s0;
	v51 =	vld [tilespmem:s30+$0x5160]  }
0x1b5: {  	v52 =	vld [tilespmem:s30+$0x11520]  }
0x1b6: {  	v53 =	vld [tilespmem:s30+$0x5520];
	s0 =	sadd.s32 $0x80, s29  }
0x1b7: {  	s31 =	sadd.s32 $0x80, s28;
	v29 =	vld [tilespmem:s0+$0x0]  }
0x1b8: {  	v31 =	vld [tilespmem:s31+$0x0];
	_ =	sdelay $0x1  }
0x1b9: {  	v54 =	vld [tilespmem:s30+$0x5170]  }
0x1ba: {  	v56 =	vld [tilespmem:s30+$0x5510]  }
0x1bb: {  	v57 =	vld [tilespmem:s30+$0x5530]  }
0x1bc: {  	v60 =	vld [tilespmem:s30+$0x11500];
	v53 =	vmul.f32 v53, v31;
	v52 =	vmul.f32 v52, v29  }
0x1bd: {  	v58 =	vld [tilespmem:s30+$0x11530];
	v48 =	vmul.f32 v48, v29;
	v46 =	vmul.f32 v46, v31  }
0x1be: {  	v59 =	vld [tilespmem:s30+$0x11510];
	v44 =	vmul.f32 v44, v29;
	v42 =	vmul.f32 v42, v31  }
0x1bf: {  	v38 =	vmul.f32 v38, v31;
	v39 =	vmul.f32 v39, v29  }
0x1c0: {  	v55 =	vld [tilespmem:s30+$0x5500];
	v36 =	vmul.f32 v36, v31;
	v34 =	vmul.f32 v34, v29;
	v52 =	vadd.f32 v52, v53  }
0x1c1: {  	v63 =	vmul.f32 v60, v29;
	v60 =	vmul.f32 v54, v31;
	v54 =	vld [tilespmem:s30+$0x10D50];
	v46 =	vadd.f32 v48, v46  }
0x1c2: {  	v57 =	vmul.f32 v57, v31;
	v61 =	vmul.f32 v56, v31;
	v56 =	vld [tilespmem:s30+$0x10D30];
	v42 =	vadd.f32 v44, v42;
	[tilespmem:s30+$0x5520] =	vst v52  }
0x1c3: {  	v58 =	vmul.f32 v58, v29;
	v62 =	vmul.f32 v59, v29;
	v59 =	vld [tilespmem:s30+$0x10D10];
	v38 =	vadd.f32 v39, v38;
	[tilespmem:s30+$0x4130] =	vst v46  }
0x1c4: {  	v10 =	vmul.f32 v10, v31;
	v9 =	vmul.f32 v9, v29;
	v53 =	vld [tilespmem:s30+$0x11170];
	v34 =	vadd.f32 v34, v36;
	[tilespmem:s30+$0x4120] =	vst v42  }
0x1c5: {  	v8 =	vmul.f32 v8, v31;
	v7 =	vmul.f32 v7, v29;
	v48 =	vld [tilespmem:s30+$0x11160];
	v36 =	vadd.f32 v58, v57;
	[tilespmem:s30+$0x4110] =	vst v38  }
0x1c6: {  	v6 =	vmul.f32 v6, v31;
	v5 =	vmul.f32 v5, v29;
	v44 =	vld [tilespmem:s30+$0x11150];
	v9 =	vadd.f32 v9, v10;
	[tilespmem:s30+$0x4100] =	vst v34  }
0x1c7: {  	v4 =	vmul.f32 v4, v31;
	v3 =	vmul.f32 v3, v29;
	v39 =	vld [tilespmem:s30+$0x11140];
	v7 =	vadd.f32 v7, v8;
	[tilespmem:s30+$0x5530] =	vst v36  }
0x1c8: {  	v5 =	vadd.f32 v5, v6;
	v42 =	vld [tilespmem:s30+$0x11130];
	[tilespmem:s30+$0x4170] =	vst v9  }
0x1c9: {  	v55 =	vmul.f32 v55, v31;
	v3 =	vadd.f32 v3, v4;
	v38 =	vld [tilespmem:s30+$0x11120];
	[tilespmem:s30+$0x4160] =	vst v7  }
0x1ca: {  	v51 =	vmul.f32 v51, v31;
	v52 =	vld [tilespmem:s30+$0x11110];
	v34 =	vadd.f32 v62, v61;
	[tilespmem:s30+$0x4150] =	vst v5;
	v53 =	vmul.f32 v53, v29  }
0x1cb: {  	v50 =	vmul.f32 v50, v31;
	v36 =	vld [tilespmem:s30+$0x11100];
	v61 =	vadd.f32 v63, v55;
	[tilespmem:s30+$0x4140] =	vst v3;
	v48 =	vmul.f32 v48, v29  }
0x1cc: {  	v49 =	vmul.f32 v49, v31;
	v62 =	vld [tilespmem:s30+$0x10D70];
	[tilespmem:s30+$0x5510] =	vst v34;
	v44 =	vmul.f32 v44, v29;
	v46 =	vadd.f32 v53, v60  }
0x1cd: {  	v47 =	vmul.f32 v47, v31;
	v63 =	vld [tilespmem:s30+$0x10D60];
	[tilespmem:s30+$0x5500] =	vst v61;
	v39 =	vmul.f32 v39, v29;
	v48 =	vadd.f32 v48, v51  }
0x1ce: {  	v45 =	vmul.f32 v45, v31;
	v57 =	vld [tilespmem:s30+$0x10D20];
	v44 =	vadd.f32 v44, v50;
	v42 =	vmul.f32 v42, v29;
	[tilespmem:s30+$0x5170] =	vst v46  }
0x1cf: {  	v43 =	vmul.f32 v43, v31;
	v55 =	vld [tilespmem:s30+$0x10D40];
	v39 =	vadd.f32 v39, v49;
	v38 =	vmul.f32 v38, v29;
	[tilespmem:s30+$0x5160] =	vst v48  }
0x1d0: {  	v41 =	vmul.f32 v41, v31;
	v61 =	vld [tilespmem:s30+$0x10970];
	v58 =	vmul.f32 v52, v29;
	[tilespmem:s30+$0x5150] =	vst v44;
	v42 =	vadd.f32 v42, v47  }
0x1d1: {  	v40 =	vmul.f32 v40, v31;
	v36 =	vmul.f32 v36, v29;
	v60 =	vld [tilespmem:s30+$0x10D00];
	[tilespmem:s30+$0x5140] =	vst v39;
	v38 =	vadd.f32 v38, v45  }
0x1d2: {  	v34 =	vmul.f32 v62, v29;
	v62 =	vmul.f32 v63, v29;
	v63 =	vld [tilespmem:s30+$0x10960];
	v43 =	vadd.f32 v58, v43;
	[tilespmem:s30+$0x5130] =	vst v42  }
0x1d3: {  	v37 =	vmul.f32 v37, v31;
	v50 =	vld [tilespmem:s30+$0x10930];
	v36 =	vadd.f32 v36, v41;
	[tilespmem:s30+$0x5120] =	vst v38  }
0x1d4: {  	v32 =	vmul.f32 v32, v31;
	v49 =	vmul.f32 v56, v29;
	v51 =	vld [tilespmem:s30+$0x10920];
	v34 =	vadd.f32 v34, v40;
	[tilespmem:s30+$0x5110] =	vst v43  }
0x1d5: {  	v28 =	vmul.f32 v28, v31;
	v52 =	vmul.f32 v59, v29;
	v53 =	vld [tilespmem:s30+$0x10910];
	v37 =	vadd.f32 v62, v37;
	[tilespmem:s30+$0x5100] =	vst v36  }
0x1d6: {  	v35 =	vmul.f32 v35, v31;
	v56 =	vld [tilespmem:s30+$0x10570];
	v45 =	vmul.f32 v54, v29;
	v32 =	vadd.f32 v49, v32;
	[tilespmem:s30+$0x4D70] =	vst v34  }
0x1d7: {  	v33 =	vmul.f32 v33, v31;
	v46 =	vld [tilespmem:s30+$0x10950];
	v47 =	vmul.f32 v55, v29;
	v28 =	vadd.f32 v52, v28;
	[tilespmem:s30+$0x4D60] =	vst v37  }
0x1d8: {  	v30 =	vmul.f32 v30, v31;
	v48 =	vld [tilespmem:s30+$0x10940];
	v39 =	vmul.f32 v57, v29;
	v35 =	vadd.f32 v45, v35;
	[tilespmem:s30+$0x4D30] =	vst v32  }
0x1d9: {  	v26 =	vmul.f32 v26, v31;
	v54 =	vld [tilespmem:s30+$0x10900];
	v55 =	vmul.f32 v61, v29;
	v33 =	vadd.f32 v47, v33;
	[tilespmem:s30+$0x4D10] =	vst v28  }
0x1da: {  	v27 =	vmul.f32 v27, v31;
	v57 =	vld [tilespmem:s30+$0x10560];
	v30 =	vadd.f32 v39, v30;
	v38 =	vmul.f32 v60, v29;
	[tilespmem:s30+$0x4D50] =	vst v35  }
0x1db: {  	v25 =	vmul.f32 v25, v31;
	v58 =	vld [tilespmem:s30+$0x10550];
	v26 =	vadd.f32 v55, v26;
	v36 =	vmul.f32 v63, v29;
	[tilespmem:s30+$0x4D40] =	vst v33  }
0x1dc: {  	v22 =	vmul.f32 v22, v31;
	v62 =	vld [tilespmem:s30+$0x10530];
	v61 =	vmul.f32 v50, v29;
	[tilespmem:s30+$0x4D20] =	vst v30;
	v27 =	vadd.f32 v38, v27  }
0x1dd: {  	v20 =	vmul.f32 v20, v31;
	v40 =	vld [tilespmem:s30+$0x11540];
	v32 =	vmul.f32 v53, v29;
	[tilespmem:s30+$0x4970] =	vst v26;
	v25 =	vadd.f32 v36, v25  }
0x1de: {  	v18 =	vmul.f32 v18, v31;
	v44 =	vld [tilespmem:s30+$0x11560];
	v37 =	vmul.f32 v56, v29;
	v22 =	vadd.f32 v61, v22;
	[tilespmem:s30+$0x4D00] =	vst v27  }
0x1df: {  	v21 =	vmul.f32 v21, v31;
	v49 =	vld [tilespmem:s30+$0x5550];
	v33 =	vmul.f32 v51, v29;
	v20 =	vadd.f32 v32, v20;
	[tilespmem:s30+$0x4960] =	vst v25  }
0x1e0: {  	v24 =	vmul.f32 v24, v31;
	v52 =	vld [tilespmem:s30+$0x5570];
	v34 =	vmul.f32 v46, v29;
	v18 =	vadd.f32 v37, v18;
	[tilespmem:s30+$0x4930] =	vst v22  }
0x1e1: {  	v23 =	vmul.f32 v23, v31;
	v47 =	vld [tilespmem:s30+$0x5540];
	v59 =	vmul.f32 v48, v29;
	v21 =	vadd.f32 v33, v21;
	[tilespmem:s30+$0x4910] =	vst v20  }
0x1e2: {  	v19 =	vmul.f32 v19, v31;
	v42 =	vld [tilespmem:s30+$0x11550];
	v35 =	vmul.f32 v54, v29;
	v24 =	vadd.f32 v34, v24;
	[tilespmem:s30+$0x4570] =	vst v18  }
0x1e3: {  	v17 =	vmul.f32 v17, v31;
	v60 =	vld [tilespmem:s30+$0x10540];
	v39 =	vmul.f32 v57, v29;
	v23 =	vadd.f32 v59, v23;
	[tilespmem:s30+$0x4920] =	vst v21  }
0x1e4: {  	v16 =	vmul.f32 v16, v31;
	v63 =	vld [tilespmem:s30+$0x10520];
	v41 =	vmul.f32 v58, v29;
	v19 =	vadd.f32 v35, v19;
	[tilespmem:s30+$0x4950] =	vst v24  }
0x1e5: {  	v14 =	vmul.f32 v14, v31;
	v51 =	vld [tilespmem:s30+$0x5560];
	v45 =	vmul.f32 v62, v29;
	v17 =	vadd.f32 v39, v17;
	[tilespmem:s30+$0x4940] =	vst v23  }
0x1e6: {  	v53 =	vld [tilespmem:s30+$0x11570];
	v55 =	vmul.f32 v40, v29;
	v16 =	vadd.f32 v41, v16;
	v54 =	vmul.f32 v47, v31;
	[tilespmem:s30+$0x4900] =	vst v19  }
0x1e7: {  	v36 =	vld [tilespmem:s30+$0x10510];
	v56 =	vmul.f32 v49, v31;
	v14 =	vadd.f32 v45, v14;
	v57 =	vmul.f32 v42, v29;
	[tilespmem:s30+$0x4560] =	vst v17  }
0x1e8: {  	v15 =	vmul.f32 v15, v31;
	v38 =	vld [tilespmem:s30+$0x10500];
	v43 =	vmul.f32 v60, v29;
	[tilespmem:s30+$0x4550] =	vst v16;
	v59 =	vadd.f32 v55, v54  }
0x1e9: {  	v13 =	vmul.f32 v13, v31;
	v46 =	vmul.f32 v63, v29;
	[tilespmem:s30+$0x4530] =	vst v14;
	v3 =	vadd.f32 v57, v56  }
0x1ea: {  	v60 =	vmul.f32 v44, v29;
	v58 =	vmul.f32 v51, v31;
	v15 =	vadd.f32 v43, v15;
	[tilespmem:s30+$0x5540] =	vst v59  }
0x1eb: {  	v61 =	vmul.f32 v52, v31;
	v62 =	vmul.f32 v53, v29;
	v13 =	vadd.f32 v46, v13;
	[tilespmem:s30+$0x5550] =	vst v3  }
0x1ec: {  	v12 =	vmul.f32 v12, v31;
	v48 =	vmul.f32 v36, v29;
	v63 =	vadd.f32 v60, v58;
	[tilespmem:s30+$0x4540] =	vst v15  }
0x1ed: {  	v11 =	vmul.f32 v11, v31;
	v50 =	vmul.f32 v38, v29;
	v3 =	vadd.f32 v62, v61;
	[tilespmem:s30+$0x4520] =	vst v13  }
0x1ee: {  	v12 =	vadd.f32 v48, v12;
	[tilespmem:s30+$0x5560] =	vst v63  }
0x1ef: {  	s26 =	sadd.s32 $0x1, s26;
	v11 =	vadd.f32 v50, v11;
	[tilespmem:s30+$0x5570] =	vst v3  }
0x1f0: {  	p0 =	sne.s32 s26, s11;
	[tilespmem:s30+$0x4510] =	vst v12  }
.Ltmp1:
0x1f1: {  	[tilespmem:s30+$0x4500] =	vst v11;
	(pc) =	sbr.rel @p0 .LBB2_1-.Ltmp1, $4  }
0x1f2: {  	[hbm4b:s10+s2] =	stream.linear.scatter [tilespmem:s13], [sflag:$0x3], $0xC000, $0x38;
	[tilespmem:$0x1C100] =	vst v63  }
0x1f3: {  	_ =	swait.ge [sflag:s12], $0xC000  }
0x1f4: {  	[sflag:s12] =	ssyncset.done $0x0  }
0x1f5: {  	[sflag:s12] =	ssyncadd.s32 $0xFFFF4000  }
0x1f6: {  	_ =	sfence.sel $0x180000  }
0x1f7: {  	[bflag:$0x0] =	sbarrier.arrive $0xFFFF  }
0x1f8: {  	_ =	strace $0x9000004A  }
0x1f9: {  	s0 =	stileid.u32;
	[bflag:$0x2] =	sbarrier.arrive $0xFFFF  }
0x1fa: {  	p0 =	sne.s32 s0, $0x0;
	s0 =	rddreg [dreg:$0x2]  }
0x1fb: {  	s0 =	sadd.s32 @!p0 $0x100000, s0  }
0x1fc: {  	[sflag:s0] =	ssyncadd.tile.s32 @!p0 $0x1;
	_ =	shalt  }
.Lfunc_end2:
_tile_overlayer_lowered:
.L_overlay_start_2:
0x1fd: {  	(tag) =	ssettag $0x2  }
0x1fe: {  	s0 =	rddreg [dreg:$0x0];
	s2 =	stileid.u32  }
0x1ff: {  	s1 =	rddreg [dreg:$0x1];
	p0 =	sne.s32 s2, $0x0  }
0x200: {  	s3 =	rddreg [dreg:$0x2];
	[bflag:$0x3] =	sbarrier.arrive $0xFFFF;
	s2 =	simm.s32 @!p0 $0x1C03  }
0x201: {  	[timem:s3], [sflag:s2] =	dma.local @!p0 [hbm:s0], s1  }
0x202: {  	s0 =	simm.s32 @!p0 $0x3  }
0x203: {  	_ =	swait.ge @!p0 [sflag:s0], s1  }
0x204: {  	s1 =	ssub.s32 @!p0 $0x0, s1;
	[sflag:s0] =	ssyncset.done @!p0 $0x0  }
0x205: {  	[sflag:s0] =	ssyncadd.s32 @!p0 s1  }
0x206: {  	[bflag:$0x3] =	sbarrier.arrive $0xFFFF  }
0x207: {  	_ =	shalt  }

</sc_bundles>
